<compile_context>
chip_gen: v7x
topology: tpu7x:2x2x1
jax: 0.10.2.dev20260603
libtpu: 0.0.44.dev20260713+nightly
codegen_flags: <defaults>
</compile_context>

<pallas_src>
import functools

import jax
import jax.numpy as jnp
from jax import lax
from jax.experimental import pallas as pl
from jax.experimental.pallas import tpu as pltpu
from jax.experimental.pallas import tpu_sc as plsc

NC = 2
NS = 16
NW = NC * NS
LANES = 16

BLK = 128
NBUF = 4
LOOKAHEAD = 3


def _make_kernel(B, L, V, H):
    assert B == NW * BLK
    assert H % LANES == 0
    NCH = L
    assert NCH % NBUF == 0
    G = NCH // NBUF

    mesh = plsc.VectorSubcoreMesh(
        core_axis_name="c", subcore_axis_name="s", num_cores=NC,
        num_subcores=NS)

    @functools.partial(
        pl.kernel,
        out_type=jax.ShapeDtypeStruct((L, H, B), jnp.float32),
        mesh=mesh,
        scratch_types=dict(
            idx_all=pltpu.VMEM((L, BLK), jnp.int32),
            pos_v=pltpu.VMEM((L, H), jnp.float32),
            rows=[pltpu.VMEM((BLK, H), jnp.float32) for _ in range(NBUF)],
            obuf=[pltpu.VMEM((H, BLK + 1), jnp.float32) for _ in range(NBUF)],
            gsem=[pltpu.SemaphoreType.DMA for _ in range(NBUF)],
            ssem=[pltpu.SemaphoreType.DMA for _ in range(NBUF)],
        ),
        compiler_params=pltpu.CompilerParams(
            use_tc_tiling_on_sc=False, needs_layout_passes=False),
    )
    def emb_kernel(xt_hbm, emb_hbm, pos_hbm, out_hbm, *, idx_all, pos_v,
                   rows, obuf, gsem, ssem):
        wid = lax.axis_index("s") * NC + lax.axis_index("c")
        b0 = wid * BLK

        pltpu.sync_copy(xt_hbm.at[:, pl.ds(b0, BLK)], idx_all)
        pltpu.sync_copy(pos_hbm, pos_v)

        def gather_start(l, b):
            pltpu.async_copy(emb_hbm.at[idx_all.at[l]], rows[b], gsem[b])

        def gather_wait(l, b):
            pltpu.make_async_copy(
                emb_hbm.at[idx_all.at[l]], rows[b], gsem[b]).wait()

        def store_start(l, b):
            pltpu.async_copy(obuf[b].at[:, pl.ds(0, BLK)],
                             out_hbm.at[l, :, pl.ds(b0, BLK)], ssem[b])

        def store_wait(l, b):
            pltpu.make_async_copy(
                obuf[b].at[:, pl.ds(0, BLK)],
                out_hbm.at[l, :, pl.ds(b0, BLK)], ssem[b]).wait()

        hidx = [jnp.int32(j * LANES) + lax.iota(jnp.int32, LANES)
                for j in range(H // LANES)]

        def transpose_add(l, b):
            pj = [pos_v[l, pl.ds(j * LANES, LANES)] for j in range(H // LANES)]

            def rbody(r, carry):
                rsplat = jnp.full((LANES,), r, dtype=jnp.int32)
                for j in range(H // LANES):
                    v = rows[b][r, pl.ds(j * LANES, LANES)]
                    plsc.store_scatter(obuf[b], [hidx[j], rsplat], v + pj[j])
                return carry

            lax.fori_loop(0, BLK, rbody, 0, unroll=8)

        for b in range(LOOKAHEAD):
            gather_start(b, b)

        def group(g, carry):
            for b in range(NBUF):
                l = g * NBUF + b
                gq = l + LOOKAHEAD
                bg = (b + LOOKAHEAD) % NBUF

                @pl.when(gq < NCH)
                def _issue():
                    @pl.when(gq >= NBUF)
                    def _wait_store():
                        store_wait(gq - NBUF, bg)

                    gather_start(gq, bg)

                gather_wait(l, b)
                transpose_add(l, b)
                store_start(l, b)
            return carry

        lax.fori_loop(0, G, group, 0)

        for b in range(NBUF):
            store_wait(NCH - NBUF + b, b)

    return emb_kernel


def kernel(x, emb_table, pos_table):
    B, L = x.shape
    V, H = emb_table.shape
    xt = x.T.astype(jnp.int32)
    fn = _make_kernel(B, L, V, H)
    out = fn(xt, emb_table, pos_table)
    return jnp.transpose(out, (2, 0, 1))

# --- scband reference (transcript-rebuilt; emitter-appended) ---
"""Pipeline reference for scband-token-embedding-78761110274360 (READ-ONLY COPY).

The authoritative reference and input builder live on the scoring server;
editing this copy changes nothing except your own understanding.
"""

import jax, jax.numpy as jnp
import numpy as np

NUM_VOCAB = 1000000
MAXLEN = 200
NUM_HID = 64
BATCH = 4096
SEQ = 200

def setup_inputs(seed: int = 0) -> dict:
    key = jax.random.key(seed)
    k1, k2, k3 = jax.random.split(key, 3)
    x = jax.random.randint(k1, (BATCH, SEQ), 0, NUM_VOCAB, dtype=jnp.int64 if jax.config.read('jax_enable_x64') else jnp.int32)
    emb_table = jax.random.normal(k2, (NUM_VOCAB, NUM_HID), dtype=jnp.float32) * 0.02
    pos_table = jax.random.normal(k3, (MAXLEN, NUM_HID), dtype=jnp.float32) * 0.02
    return {"x": x, "emb_table": emb_table, "pos_table": pos_table}

def reference(x, emb_table, pos_table):
    # token embedding lookup: gather rows of emb_table by token ids
    tok = jnp.take(emb_table, x, axis=0)  # [B, L, H]
    L = x.shape[-1]
    positions = jnp.arange(0, L)
    pos = jnp.take(pos_table, positions, axis=0)  # [L, H]
    return tok + pos[None, :, :]

if __name__ == "__main__":
    import jax
    _d = setup_inputs()
    print(jax.jit(kernel)(*tuple(_d.values())))

</pallas_src>

<mosaic_0001>
#map = affine_map<(d0, d1) -> (0, 0)>
#map1 = affine_map<(d0, d1) -> (0, 0, 0)>
module attributes {stable_mosaic.version = 14 : i64} {
  func.func @emb_kernel(%arg0: i32, %arg1: i32, %arg2: memref<200x4096xi32, #tpu.memory_space<hbm>>, %arg3: memref<1000000x64xf32, #tpu.memory_space<hbm>>, %arg4: memref<200x64xf32, #tpu.memory_space<hbm>>, %arg5: memref<200x64x4096xf32, #tpu.memory_space<hbm>>, %arg6: memref<!tpu.dma_semaphore, #tpu.memory_space<semaphore_mem>>, %arg7: memref<!tpu.dma_semaphore, #tpu.memory_space<semaphore_mem>>, %arg8: memref<!tpu.dma_semaphore, #tpu.memory_space<semaphore_mem>>, %arg9: memref<!tpu.dma_semaphore, #tpu.memory_space<semaphore_mem>>, %arg10: memref<200x128xi32, #tpu.memory_space<vmem>>, %arg11: memref<64x129xf32, #tpu.memory_space<vmem>>, %arg12: memref<64x129xf32, #tpu.memory_space<vmem>>, %arg13: memref<64x129xf32, #tpu.memory_space<vmem>>, %arg14: memref<64x129xf32, #tpu.memory_space<vmem>>, %arg15: memref<200x64xf32, #tpu.memory_space<vmem>>, %arg16: memref<128x64xf32, #tpu.memory_space<vmem>>, %arg17: memref<128x64xf32, #tpu.memory_space<vmem>>, %arg18: memref<128x64xf32, #tpu.memory_space<vmem>>, %arg19: memref<128x64xf32, #tpu.memory_space<vmem>>, %arg20: memref<!tpu.dma_semaphore, #tpu.memory_space<semaphore_mem>>, %arg21: memref<!tpu.dma_semaphore, #tpu.memory_space<semaphore_mem>>, %arg22: memref<!tpu.dma_semaphore, #tpu.memory_space<semaphore_mem>>, %arg23: memref<!tpu.dma_semaphore, #tpu.memory_space<semaphore_mem>>) attributes {dimension_semantics = [#tpu.dimension_semantics<core_parallel>, #tpu.dimension_semantics<subcore_parallel>], iteration_bounds = array<i64: 2, 16>, scalar_prefetch = 0 : i64, scratch_operands = 18 : i64, tpu.core_type = #tpu.core_type<sc_vector_subcore>, window_params = [{transform_indices = #map}, {transform_indices = #map}, {transform_indices = #map}, {transform_indices = #map1}]} {
    %mul3A = arith.constant 2 : i32
    %mul3A_0 = arith.muli %arg1, %mul3A : i32
    %add3A = arith.addi %mul3A_0, %arg0 : i32
    %mul3A_1 = arith.constant 128 : i32
    %mul3A_2 = arith.muli %add3A, %mul3A_1 : i32
    "tpu.region"() ({
      %run_scoped3A = tpu.sem_alloc : memref<!tpu.dma_semaphore, #tpu.memory_space<semaphore_mem>>
      %dma_start3A_94 = arith.constant 0 : i32
      %dma_start3A_95 = tpu.memref_slice %arg2[%dma_start3A_94, %mul3A_2] : memref<200x4096xi32, #tpu.memory_space<hbm>> -> memref<200x128xi32, #tpu.memory_space<hbm>>
      %dma_start3A_96 = arith.constant 0 : i32
      %dma_start3A_97 = tpu.memref_slice %arg2[%dma_start3A_96, %mul3A_2] : memref<200x4096xi32, #tpu.memory_space<hbm>> -> memref<200x128xi32, #tpu.memory_space<hbm>>
      tpu.enqueue_dma source(%dma_start3A_97 : memref<200x128xi32, #tpu.memory_space<hbm>>) target(%arg10 : memref<200x128xi32, #tpu.memory_space<vmem>>) target_semaphore(%run_scoped3A : memref<!tpu.dma_semaphore, #tpu.memory_space<semaphore_mem>>)
      %dma_wait3A_98 = arith.constant 0 : i32
      %dma_wait3A_99 = tpu.memref_slice %arg2[%dma_wait3A_98, %mul3A_2] : memref<200x4096xi32, #tpu.memory_space<hbm>> -> memref<200x128xi32, #tpu.memory_space<hbm>>
      %dma_wait3A_100 = arith.constant 0 : i32
      %dma_wait3A_101 = tpu.memref_slice %arg2[%dma_wait3A_100, %mul3A_2] : memref<200x4096xi32, #tpu.memory_space<hbm>> -> memref<200x128xi32, #tpu.memory_space<hbm>>
      tpu.wait_dma2 semaphore(%run_scoped3A : memref<!tpu.dma_semaphore, #tpu.memory_space<semaphore_mem>>) src(%dma_wait3A_101 : memref<200x128xi32, #tpu.memory_space<hbm>>) dst(%arg10 : memref<200x128xi32, #tpu.memory_space<vmem>>)
      tpu.yield
    }) : () -> ()
    "tpu.region"() ({
      %run_scoped3A = tpu.sem_alloc : memref<!tpu.dma_semaphore, #tpu.memory_space<semaphore_mem>>
      tpu.enqueue_dma source(%arg4 : memref<200x64xf32, #tpu.memory_space<hbm>>) target(%arg15 : memref<200x64xf32, #tpu.memory_space<vmem>>) target_semaphore(%run_scoped3A : memref<!tpu.dma_semaphore, #tpu.memory_space<semaphore_mem>>)
      tpu.wait_dma2 semaphore(%run_scoped3A : memref<!tpu.dma_semaphore, #tpu.memory_space<semaphore_mem>>) src(%arg4 : memref<200x64xf32, #tpu.memory_space<hbm>>) dst(%arg15 : memref<200x64xf32, #tpu.memory_space<vmem>>)
      tpu.yield
    }) : () -> ()
    %iota3A = tpu.iota {dimensions = array<i32: 0>} : vector<16xi32>
    %add3A_3 = arith.constant 0 : i32
    %add3A_4 = vector.broadcast %add3A_3 : i32 to vector<16xi32>
    %add3A_5 = arith.addi %add3A_4, %iota3A : vector<16xi32>
    %iota3A_6 = tpu.iota {dimensions = array<i32: 0>} : vector<16xi32>
    %add3A_7 = arith.constant 16 : i32
    %add3A_8 = vector.broadcast %add3A_7 : i32 to vector<16xi32>
    %add3A_9 = arith.addi %add3A_8, %iota3A_6 : vector<16xi32>
    %iota3A_10 = tpu.iota {dimensions = array<i32: 0>} : vector<16xi32>
    %add3A_11 = arith.constant 32 : i32
    %add3A_12 = vector.broadcast %add3A_11 : i32 to vector<16xi32>
    %add3A_13 = arith.addi %add3A_12, %iota3A_10 : vector<16xi32>
    %iota3A_14 = tpu.iota {dimensions = array<i32: 0>} : vector<16xi32>
    %add3A_15 = arith.constant 48 : i32
    %add3A_16 = vector.broadcast %add3A_15 : i32 to vector<16xi32>
    %add3A_17 = arith.addi %add3A_16, %iota3A_14 : vector<16xi32>
    %dma_start3A = arith.constant 0 : i32
    %dma_start3A_18 = arith.constant 0 : i32
    %dma_start3A_19 = tpu.memref_slice %arg10[%dma_start3A, %dma_start3A_18] : memref<200x128xi32, #tpu.memory_space<vmem>> -> memref<1x128xi32, #tpu.memory_space<vmem>>
    %dma_start3A_20 = tpu.memref_squeeze %dma_start3A_19 : memref<1x128xi32, #tpu.memory_space<vmem>> -> memref<128xi32, #tpu.memory_space<vmem>>
    %dma_start3A_21 = arith.constant 0 : i32
    %dma_start3A_22 = arith.constant 0 : i32
    %dma_start3A_23 = tpu.memref_slice %arg3[%dma_start3A_21, %dma_start3A_22] : memref<1000000x64xf32, #tpu.memory_space<hbm>> -> memref<1000000x64xf32, #tpu.memory_space<hbm>>
    tpu.enqueue_indirect_dma source(%dma_start3A_23 : memref<1000000x64xf32, #tpu.memory_space<hbm>>) target(%arg16 : memref<128x64xf32, #tpu.memory_space<vmem>>) offsets(%dma_start3A_20 : memref<128xi32, #tpu.memory_space<vmem>>) semaphore(%arg6 : memref<!tpu.dma_semaphore, #tpu.memory_space<semaphore_mem>>)
    %dma_start3A_24 = arith.constant 1 : i32
    %dma_start3A_25 = arith.constant 0 : i32
    %dma_start3A_26 = tpu.memref_slice %arg10[%dma_start3A_24, %dma_start3A_25] : memref<200x128xi32, #tpu.memory_space<vmem>> -> memref<1x128xi32, #tpu.memory_space<vmem>>
    %dma_start3A_27 = tpu.memref_squeeze %dma_start3A_26 : memref<1x128xi32, #tpu.memory_space<vmem>> -> memref<128xi32, #tpu.memory_space<vmem>>
    %dma_start3A_28 = arith.constant 0 : i32
    %dma_start3A_29 = arith.constant 0 : i32
    %dma_start3A_30 = tpu.memref_slice %arg3[%dma_start3A_28, %dma_start3A_29] : memref<1000000x64xf32, #tpu.memory_space<hbm>> -> memref<1000000x64xf32, #tpu.memory_space<hbm>>
    tpu.enqueue_indirect_dma source(%dma_start3A_30 : memref<1000000x64xf32, #tpu.memory_space<hbm>>) target(%arg17 : memref<128x64xf32, #tpu.memory_space<vmem>>) offsets(%dma_start3A_27 : memref<128xi32, #tpu.memory_space<vmem>>) semaphore(%arg7 : memref<!tpu.dma_semaphore, #tpu.memory_space<semaphore_mem>>)
    %dma_start3A_31 = arith.constant 2 : i32
    %dma_start3A_32 = arith.constant 0 : i32
    %dma_start3A_33 = tpu.memref_slice %arg10[%dma_start3A_31, %dma_start3A_32] : memref<200x128xi32, #tpu.memory_space<vmem>> -> memref<1x128xi32, #tpu.memory_space<vmem>>
    %dma_start3A_34 = tpu.memref_squeeze %dma_start3A_33 : memref<1x128xi32, #tpu.memory_space<vmem>> -> memref<128xi32, #tpu.memory_space<vmem>>
    %dma_start3A_35 = arith.constant 0 : i32
    %dma_start3A_36 = arith.constant 0 : i32
    %dma_start3A_37 = tpu.memref_slice %arg3[%dma_start3A_35, %dma_start3A_36] : memref<1000000x64xf32, #tpu.memory_space<hbm>> -> memref<1000000x64xf32, #tpu.memory_space<hbm>>
    tpu.enqueue_indirect_dma source(%dma_start3A_37 : memref<1000000x64xf32, #tpu.memory_space<hbm>>) target(%arg18 : memref<128x64xf32, #tpu.memory_space<vmem>>) offsets(%dma_start3A_34 : memref<128xi32, #tpu.memory_space<vmem>>) semaphore(%arg8 : memref<!tpu.dma_semaphore, #tpu.memory_space<semaphore_mem>>)
    %scan3A = arith.constant 0 : i32
    %scan3A_38 = arith.constant 0 : i32
    %scan3A_39 = arith.constant 50 : i32
    %scan3A_40 = arith.addi %scan3A_38, %scan3A_39 : i32
    %scan3A_41 = arith.constant 1 : i32
    scf.for %scan3A_94 = %scan3A_38 to %scan3A_40 step %scan3A_41  : i32 {
      %mul3A_95 = arith.constant 4 : i32
      %mul3A_96 = arith.muli %scan3A_94, %mul3A_95 : i32
      %add3A_97 = arith.constant 0 : i32
      %add3A_98 = arith.addi %mul3A_96, %add3A_97 : i32
      %add3A_99 = arith.constant 3 : i32
      %add3A_100 = arith.addi %add3A_98, %add3A_99 : i32
      %lt3A = arith.constant 200 : i32
      %lt3A_101 = arith.cmpi slt, %add3A_100, %lt3A : i32
      %convert_element_type3A = arith.extui %lt3A_101 : i1 to i32
      %cond3A = arith.constant 0 : i32
      %cond3A_102 = arith.cmpi ne, %convert_element_type3A, %cond3A : i32
      scf.if %cond3A_102 {
        %ge3A = arith.constant 4 : i32
        %ge3A_279 = arith.cmpi sge, %add3A_100, %ge3A : i32
        %convert_element_type3A_280 = arith.extui %ge3A_279 : i1 to i32
        %cond3A_281 = arith.constant 0 : i32
        %cond3A_282 = arith.cmpi ne, %convert_element_type3A_280, %cond3A_281 : i32
        scf.if %cond3A_282 {
          %sub3A = arith.constant 4 : i32
          %sub3A_289 = arith.subi %add3A_100, %sub3A : i32
          %dma_wait3A_290 = arith.constant 0 : i32
          %dma_wait3A_291 = arith.constant 0 : i32
          %dma_wait3A_292 = tpu.memref_slice %arg14[%dma_wait3A_290, %dma_wait3A_291] : memref<64x129xf32, #tpu.memory_space<vmem>> -> memref<64x128xf32, #tpu.memory_space<vmem>>
          %dma_wait3A_293 = arith.constant 0 : i32
          %dma_wait3A_294 = tpu.memref_slice %arg5[%sub3A_289, %dma_wait3A_293, %mul3A_2] : memref<200x64x4096xf32, #tpu.memory_space<hbm>> -> memref<1x64x128xf32, #tpu.memory_space<hbm>>
          %dma_wait3A_295 = tpu.memref_squeeze %dma_wait3A_294 : memref<1x64x128xf32, #tpu.memory_space<hbm>> -> memref<64x128xf32, #tpu.memory_space<hbm>>
          %dma_wait3A_296 = arith.constant 0 : i32
          %dma_wait3A_297 = tpu.memref_slice %arg5[%sub3A_289, %dma_wait3A_296, %mul3A_2] : memref<200x64x4096xf32, #tpu.memory_space<hbm>> -> memref<1x64x128xf32, #tpu.memory_space<hbm>>
          %dma_wait3A_298 = tpu.memref_squeeze %dma_wait3A_297 : memref<1x64x128xf32, #tpu.memory_space<hbm>> -> memref<64x128xf32, #tpu.memory_space<hbm>>
          %dma_wait3A_299 = arith.constant 0 : i32
          %dma_wait3A_300 = arith.constant 0 : i32
          %dma_wait3A_301 = tpu.memref_slice %arg14[%dma_wait3A_299, %dma_wait3A_300] : memref<64x129xf32, #tpu.memory_space<vmem>> -> memref<64x128xf32, #tpu.memory_space<vmem>>
          tpu.wait_dma2 semaphore(%arg23 : memref<!tpu.dma_semaphore, #tpu.memory_space<semaphore_mem>>) src(%dma_wait3A_301 : memref<64x128xf32, #tpu.memory_space<vmem>>) dst(%dma_wait3A_298 : memref<64x128xf32, #tpu.memory_space<hbm>>)
        } else {
        }
        %dma_start3A_283 = arith.constant 0 : i32
        %dma_start3A_284 = tpu.memref_slice %arg10[%add3A_100, %dma_start3A_283] : memref<200x128xi32, #tpu.memory_space<vmem>> -> memref<1x128xi32, #tpu.memory_space<vmem>>
        %dma_start3A_285 = tpu.memref_squeeze %dma_start3A_284 : memref<1x128xi32, #tpu.memory_space<vmem>> -> memref<128xi32, #tpu.memory_space<vmem>>
        %dma_start3A_286 = arith.constant 0 : i32
        %dma_start3A_287 = arith.constant 0 : i32
        %dma_start3A_288 = tpu.memref_slice %arg3[%dma_start3A_286, %dma_start3A_287] : memref<1000000x64xf32, #tpu.memory_space<hbm>> -> memref<1000000x64xf32, #tpu.memory_space<hbm>>
        tpu.enqueue_indirect_dma source(%dma_start3A_288 : memref<1000000x64xf32, #tpu.memory_space<hbm>>) target(%arg19 : memref<128x64xf32, #tpu.memory_space<vmem>>) offsets(%dma_start3A_285 : memref<128xi32, #tpu.memory_space<vmem>>) semaphore(%arg9 : memref<!tpu.dma_semaphore, #tpu.memory_space<semaphore_mem>>)
      } else {
      }
      %dma_wait3A_103 = arith.constant 0 : i32
      %dma_wait3A_104 = tpu.memref_slice %arg10[%add3A_98, %dma_wait3A_103] : memref<200x128xi32, #tpu.memory_space<vmem>> -> memref<1x128xi32, #tpu.memory_space<vmem>>
      %dma_wait3A_105 = tpu.memref_squeeze %dma_wait3A_104 : memref<1x128xi32, #tpu.memory_space<vmem>> -> memref<128xi32, #tpu.memory_space<vmem>>
      %dma_wait3A_106 = arith.constant 0 : i32
      %dma_wait3A_107 = arith.constant 0 : i32
      %dma_wait3A_108 = tpu.memref_slice %arg3[%dma_wait3A_106, %dma_wait3A_107] : memref<1000000x64xf32, #tpu.memory_space<hbm>> -> memref<1000000x64xf32, #tpu.memory_space<hbm>>
      tpu.wait_indirect_dma semaphore(%arg6 : memref<!tpu.dma_semaphore, #tpu.memory_space<semaphore_mem>>) src(%dma_wait3A_108 : memref<1000000x64xf32, #tpu.memory_space<hbm>>) dst(%arg16 : memref<128x64xf32, #tpu.memory_space<vmem>>)
      %get3A = arith.index_cast %add3A_98 : i32 to index
      %get3A_109 = arith.constant 0 : index
      %get3A_110 = tpu.vector_load %arg15[%get3A, %get3A_109] {strides = array<i32>} : memref<200x64xf32, #tpu.memory_space<vmem>>, vector<16xf32>,
      %get3A_111 = arith.index_cast %add3A_98 : i32 to index
      %get3A_112 = arith.constant 16 : index
      %get3A_113 = tpu.vector_load %arg15[%get3A_111, %get3A_112] {strides = array<i32>} : memref<200x64xf32, #tpu.memory_space<vmem>>, vector<16xf32>,
      %get3A_114 = arith.index_cast %add3A_98 : i32 to index
      %get3A_115 = arith.constant 32 : index
      %get3A_116 = tpu.vector_load %arg15[%get3A_114, %get3A_115] {strides = array<i32>} : memref<200x64xf32, #tpu.memory_space<vmem>>, vector<16xf32>,
      %get3A_117 = arith.index_cast %add3A_98 : i32 to index
      %get3A_118 = arith.constant 48 : index
      %get3A_119 = tpu.vector_load %arg15[%get3A_117, %get3A_118] {strides = array<i32>} : memref<200x64xf32, #tpu.memory_space<vmem>>, vector<16xf32>,
      %scan3A_120 = arith.constant 0 : i32
      %scan3A_121 = arith.constant 0 : i32
      %scan3A_122 = arith.constant 128 : i32
      %scan3A_123 = arith.addi %scan3A_121, %scan3A_122 : i32
      %scan3A_124 = arith.constant 8 : i32
      scf.for %scan3A_279 = %scan3A_121 to %scan3A_123 step %scan3A_124  : i32 {
        %broadcast_in_dim3A = vector.broadcast %scan3A_279 : i32 to vector<16xi32>
        %get3A_280 = arith.index_cast %scan3A_279 : i32 to index
        %get3A_281 = arith.constant 0 : index
        %get3A_282 = tpu.vector_load %arg16[%get3A_280, %get3A_281] {strides = array<i32>} : memref<128x64xf32, #tpu.memory_space<vmem>>, vector<16xf32>,
        %add3A_283 = arith.addf %get3A_282, %get3A_110 : vector<16xf32>
        tpu.vector_store_idx %arg11[%add3A_5, %broadcast_in_dim3A], %add3A_283 : memref<64x129xf32, #tpu.memory_space<vmem>>[vector<16xi32>, vector<16xi32>], vector<16xf32>,
        %get3A_284 = arith.index_cast %scan3A_279 : i32 to index
        %get3A_285 = arith.constant 16 : index
        %get3A_286 = tpu.vector_load %arg16[%get3A_284, %get3A_285] {strides = array<i32>} : memref<128x64xf32, #tpu.memory_space<vmem>>, vector<16xf32>,
        %add3A_287 = arith.addf %get3A_286, %get3A_113 : vector<16xf32>
        tpu.vector_store_idx %arg11[%add3A_9, %broadcast_in_dim3A], %add3A_287 : memref<64x129xf32, #tpu.memory_space<vmem>>[vector<16xi32>, vector<16xi32>], vector<16xf32>,
        %get3A_288 = arith.index_cast %scan3A_279 : i32 to index
        %get3A_289 = arith.constant 32 : index
        %get3A_290 = tpu.vector_load %arg16[%get3A_288, %get3A_289] {strides = array<i32>} : memref<128x64xf32, #tpu.memory_space<vmem>>, vector<16xf32>,
        %add3A_291 = arith.addf %get3A_290, %get3A_116 : vector<16xf32>
        tpu.vector_store_idx %arg11[%add3A_13, %broadcast_in_dim3A], %add3A_291 : memref<64x129xf32, #tpu.memory_space<vmem>>[vector<16xi32>, vector<16xi32>], vector<16xf32>,
        %get3A_292 = arith.index_cast %scan3A_279 : i32 to index
        %get3A_293 = arith.constant 48 : index
        %get3A_294 = tpu.vector_load %arg16[%get3A_292, %get3A_293] {strides = array<i32>} : memref<128x64xf32, #tpu.memory_space<vmem>>, vector<16xf32>,
        %add3A_295 = arith.addf %get3A_294, %get3A_119 : vector<16xf32>
        tpu.vector_store_idx %arg11[%add3A_17, %broadcast_in_dim3A], %add3A_295 : memref<64x129xf32, #tpu.memory_space<vmem>>[vector<16xi32>, vector<16xi32>], vector<16xf32>,
        %scan3A_296 = arith.constant 1 : i32
        %scan3A_297 = arith.addi %scan3A_279, %scan3A_296 : i32
        %broadcast_in_dim3A_298 = vector.broadcast %scan3A_297 : i32 to vector<16xi32>
        %get3A_299 = arith.index_cast %scan3A_297 : i32 to index
        %get3A_300 = arith.constant 0 : index
        %get3A_301 = tpu.vector_load %arg16[%get3A_299, %get3A_300] {strides = array<i32>} : memref<128x64xf32, #tpu.memory_space<vmem>>, vector<16xf32>,
        %add3A_302 = arith.addf %get3A_301, %get3A_110 : vector<16xf32>
        tpu.vector_store_idx %arg11[%add3A_5, %broadcast_in_dim3A_298], %add3A_302 : memref<64x129xf32, #tpu.memory_space<vmem>>[vector<16xi32>, vector<16xi32>], vector<16xf32>,
        %get3A_303 = arith.index_cast %scan3A_297 : i32 to index
        %get3A_304 = arith.constant 16 : index
        %get3A_305 = tpu.vector_load %arg16[%get3A_303, %get3A_304] {strides = array<i32>} : memref<128x64xf32, #tpu.memory_space<vmem>>, vector<16xf32>,
        %add3A_306 = arith.addf %get3A_305, %get3A_113 : vector<16xf32>
        tpu.vector_store_idx %arg11[%add3A_9, %broadcast_in_dim3A_298], %add3A_306 : memref<64x129xf32, #tpu.memory_space<vmem>>[vector<16xi32>, vector<16xi32>], vector<16xf32>,
        %get3A_307 = arith.index_cast %scan3A_297 : i32 to index
        %get3A_308 = arith.constant 32 : index
        %get3A_309 = tpu.vector_load %arg16[%get3A_307, %get3A_308] {strides = array<i32>} : memref<128x64xf32, #tpu.memory_space<vmem>>, vector<16xf32>,
        %add3A_310 = arith.addf %get3A_309, %get3A_116 : vector<16xf32>
        tpu.vector_store_idx %arg11[%add3A_13, %broadcast_in_dim3A_298], %add3A_310 : memref<64x129xf32, #tpu.memory_space<vmem>>[vector<16xi32>, vector<16xi32>], vector<16xf32>,
        %get3A_311 = arith.index_cast %scan3A_297 : i32 to index
        %get3A_312 = arith.constant 48 : index
        %get3A_313 = tpu.vector_load %arg16[%get3A_311, %get3A_312] {strides = array<i32>} : memref<128x64xf32, #tpu.memory_space<vmem>>, vector<16xf32>,
        %add3A_314 = arith.addf %get3A_313, %get3A_119 : vector<16xf32>
        tpu.vector_store_idx %arg11[%add3A_17, %broadcast_in_dim3A_298], %add3A_314 : memref<64x129xf32, #tpu.memory_space<vmem>>[vector<16xi32>, vector<16xi32>], vector<16xf32>,
        %scan3A_315 = arith.constant 2 : i32
        %scan3A_316 = arith.addi %scan3A_279, %scan3A_315 : i32
        %broadcast_in_dim3A_317 = vector.broadcast %scan3A_316 : i32 to vector<16xi32>
        %get3A_318 = arith.index_cast %scan3A_316 : i32 to index
        %get3A_319 = arith.constant 0 : index
        %get3A_320 = tpu.vector_load %arg16[%get3A_318, %get3A_319] {strides = array<i32>} : memref<128x64xf32, #tpu.memory_space<vmem>>, vector<16xf32>,
        %add3A_321 = arith.addf %get3A_320, %get3A_110 : vector<16xf32>
        tpu.vector_store_idx %arg11[%add3A_5, %broadcast_in_dim3A_317], %add3A_321 : memref<64x129xf32, #tpu.memory_space<vmem>>[vector<16xi32>, vector<16xi32>], vector<16xf32>,
        %get3A_322 = arith.index_cast %scan3A_316 : i32 to index
        %get3A_323 = arith.constant 16 : index
        %get3A_324 = tpu.vector_load %arg16[%get3A_322, %get3A_323] {strides = array<i32>} : memref<128x64xf32, #tpu.memory_space<vmem>>, vector<16xf32>,
        %add3A_325 = arith.addf %get3A_324, %get3A_113 : vector<16xf32>
        tpu.vector_store_idx %arg11[%add3A_9, %broadcast_in_dim3A_317], %add3A_325 : memref<64x129xf32, #tpu.memory_space<vmem>>[vector<16xi32>, vector<16xi32>], vector<16xf32>,
        %get3A_326 = arith.index_cast %scan3A_316 : i32 to index
        %get3A_327 = arith.constant 32 : index
        %get3A_328 = tpu.vector_load %arg16[%get3A_326, %get3A_327] {strides = array<i32>} : memref<128x64xf32, #tpu.memory_space<vmem>>, vector<16xf32>,
        %add3A_329 = arith.addf %get3A_328, %get3A_116 : vector<16xf32>
        tpu.vector_store_idx %arg11[%add3A_13, %broadcast_in_dim3A_317], %add3A_329 : memref<64x129xf32, #tpu.memory_space<vmem>>[vector<16xi32>, vector<16xi32>], vector<16xf32>,
        %get3A_330 = arith.index_cast %scan3A_316 : i32 to index
        %get3A_331 = arith.constant 48 : index
        %get3A_332 = tpu.vector_load %arg16[%get3A_330, %get3A_331] {strides = array<i32>} : memref<128x64xf32, #tpu.memory_space<vmem>>, vector<16xf32>,
        %add3A_333 = arith.addf %get3A_332, %get3A_119 : vector<16xf32>
        tpu.vector_store_idx %arg11[%add3A_17, %broadcast_in_dim3A_317], %add3A_333 : memref<64x129xf32, #tpu.memory_space<vmem>>[vector<16xi32>, vector<16xi32>], vector<16xf32>,
        %scan3A_334 = arith.constant 3 : i32
        %scan3A_335 = arith.addi %scan3A_279, %scan3A_334 : i32
        %broadcast_in_dim3A_336 = vector.broadcast %scan3A_335 : i32 to vector<16xi32>
        %get3A_337 = arith.index_cast %scan3A_335 : i32 to index
        %get3A_338 = arith.constant 0 : index
        %get3A_339 = tpu.vector_load %arg16[%get3A_337, %get3A_338] {strides = array<i32>} : memref<128x64xf32, #tpu.memory_space<vmem>>, vector<16xf32>,
        %add3A_340 = arith.addf %get3A_339, %get3A_110 : vector<16xf32>
        tpu.vector_store_idx %arg11[%add3A_5, %broadcast_in_dim3A_336], %add3A_340 : memref<64x129xf32, #tpu.memory_space<vmem>>[vector<16xi32>, vector<16xi32>], vector<16xf32>,
        %get3A_341 = arith.index_cast %scan3A_335 : i32 to index
        %get3A_342 = arith.constant 16 : index
        %get3A_343 = tpu.vector_load %arg16[%get3A_341, %get3A_342] {strides = array<i32>} : memref<128x64xf32, #tpu.memory_space<vmem>>, vector<16xf32>,
        %add3A_344 = arith.addf %get3A_343, %get3A_113 : vector<16xf32>
        tpu.vector_store_idx %arg11[%add3A_9, %broadcast_in_dim3A_336], %add3A_344 : memref<64x129xf32, #tpu.memory_space<vmem>>[vector<16xi32>, vector<16xi32>], vector<16xf32>,
        %get3A_345 = arith.index_cast %scan3A_335 : i32 to index
        %get3A_346 = arith.constant 32 : index
        %get3A_347 = tpu.vector_load %arg16[%get3A_345, %get3A_346] {strides = array<i32>} : memref<128x64xf32, #tpu.memory_space<vmem>>, vector<16xf32>,
        %add3A_348 = arith.addf %get3A_347, %get3A_116 : vector<16xf32>
        tpu.vector_store_idx %arg11[%add3A_13, %broadcast_in_dim3A_336], %add3A_348 : memref<64x129xf32, #tpu.memory_space<vmem>>[vector<16xi32>, vector<16xi32>], vector<16xf32>,
        %get3A_349 = arith.index_cast %scan3A_335 : i32 to index
        %get3A_350 = arith.constant 48 : index
        %get3A_351 = tpu.vector_load %arg16[%get3A_349, %get3A_350] {strides = array<i32>} : memref<128x64xf32, #tpu.memory_space<vmem>>, vector<16xf32>,
        %add3A_352 = arith.addf %get3A_351, %get3A_119 : vector<16xf32>
        tpu.vector_store_idx %arg11[%add3A_17, %broadcast_in_dim3A_336], %add3A_352 : memref<64x129xf32, #tpu.memory_space<vmem>>[vector<16xi32>, vector<16xi32>], vector<16xf32>,
        %scan3A_353 = arith.constant 4 : i32
        %scan3A_354 = arith.addi %scan3A_279, %scan3A_353 : i32
        %broadcast_in_dim3A_355 = vector.broadcast %scan3A_354 : i32 to vector<16xi32>
        %get3A_356 = arith.index_cast %scan3A_354 : i32 to index
        %get3A_357 = arith.constant 0 : index
        %get3A_358 = tpu.vector_load %arg16[%get3A_356, %get3A_357] {strides = array<i32>} : memref<128x64xf32, #tpu.memory_space<vmem>>, vector<16xf32>,
        %add3A_359 = arith.addf %get3A_358, %get3A_110 : vector<16xf32>
        tpu.vector_store_idx %arg11[%add3A_5, %broadcast_in_dim3A_355], %add3A_359 : memref<64x129xf32, #tpu.memory_space<vmem>>[vector<16xi32>, vector<16xi32>], vector<16xf32>,
        %get3A_360 = arith.index_cast %scan3A_354 : i32 to index
        %get3A_361 = arith.constant 16 : index
        %get3A_362 = tpu.vector_load %arg16[%get3A_360, %get3A_361] {strides = array<i32>} : memref<128x64xf32, #tpu.memory_space<vmem>>, vector<16xf32>,
        %add3A_363 = arith.addf %get3A_362, %get3A_113 : vector<16xf32>
        tpu.vector_store_idx %arg11[%add3A_9, %broadcast_in_dim3A_355], %add3A_363 : memref<64x129xf32, #tpu.memory_space<vmem>>[vector<16xi32>, vector<16xi32>], vector<16xf32>,
        %get3A_364 = arith.index_cast %scan3A_354 : i32 to index
        %get3A_365 = arith.constant 32 : index
        %get3A_366 = tpu.vector_load %arg16[%get3A_364, %get3A_365] {strides = array<i32>} : memref<128x64xf32, #tpu.memory_space<vmem>>, vector<16xf32>,
        %add3A_367 = arith.addf %get3A_366, %get3A_116 : vector<16xf32>
        tpu.vector_store_idx %arg11[%add3A_13, %broadcast_in_dim3A_355], %add3A_367 : memref<64x129xf32, #tpu.memory_space<vmem>>[vector<16xi32>, vector<16xi32>], vector<16xf32>,
        %get3A_368 = arith.index_cast %scan3A_354 : i32 to index
        %get3A_369 = arith.constant 48 : index
        %get3A_370 = tpu.vector_load %arg16[%get3A_368, %get3A_369] {strides = array<i32>} : memref<128x64xf32, #tpu.memory_space<vmem>>, vector<16xf32>,
        %add3A_371 = arith.addf %get3A_370, %get3A_119 : vector<16xf32>
        tpu.vector_store_idx %arg11[%add3A_17, %broadcast_in_dim3A_355], %add3A_371 : memref<64x129xf32, #tpu.memory_space<vmem>>[vector<16xi32>, vector<16xi32>], vector<16xf32>,
        %scan3A_372 = arith.constant 5 : i32
        %scan3A_373 = arith.addi %scan3A_279, %scan3A_372 : i32
        %broadcast_in_dim3A_374 = vector.broadcast %scan3A_373 : i32 to vector<16xi32>
        %get3A_375 = arith.index_cast %scan3A_373 : i32 to index
        %get3A_376 = arith.constant 0 : index
        %get3A_377 = tpu.vector_load %arg16[%get3A_375, %get3A_376] {strides = array<i32>} : memref<128x64xf32, #tpu.memory_space<vmem>>, vector<16xf32>,
        %add3A_378 = arith.addf %get3A_377, %get3A_110 : vector<16xf32>
        tpu.vector_store_idx %arg11[%add3A_5, %broadcast_in_dim3A_374], %add3A_378 : memref<64x129xf32, #tpu.memory_space<vmem>>[vector<16xi32>, vector<16xi32>], vector<16xf32>,
        %get3A_379 = arith.index_cast %scan3A_373 : i32 to index
        %get3A_380 = arith.constant 16 : index
        %get3A_381 = tpu.vector_load %arg16[%get3A_379, %get3A_380] {strides = array<i32>} : memref<128x64xf32, #tpu.memory_space<vmem>>, vector<16xf32>,
        %add3A_382 = arith.addf %get3A_381, %get3A_113 : vector<16xf32>
        tpu.vector_store_idx %arg11[%add3A_9, %broadcast_in_dim3A_374], %add3A_382 : memref<64x129xf32, #tpu.memory_space<vmem>>[vector<16xi32>, vector<16xi32>], vector<16xf32>,
        %get3A_383 = arith.index_cast %scan3A_373 : i32 to index
        %get3A_384 = arith.constant 32 : index
        %get3A_385 = tpu.vector_load %arg16[%get3A_383, %get3A_384] {strides = array<i32>} : memref<128x64xf32, #tpu.memory_space<vmem>>, vector<16xf32>,
        %add3A_386 = arith.addf %get3A_385, %get3A_116 : vector<16xf32>
        tpu.vector_store_idx %arg11[%add3A_13, %broadcast_in_dim3A_374], %add3A_386 : memref<64x129xf32, #tpu.memory_space<vmem>>[vector<16xi32>, vector<16xi32>], vector<16xf32>,
        %get3A_387 = arith.index_cast %scan3A_373 : i32 to index
        %get3A_388 = arith.constant 48 : index
        %get3A_389 = tpu.vector_load %arg16[%get3A_387, %get3A_388] {strides = array<i32>} : memref<128x64xf32, #tpu.memory_space<vmem>>, vector<16xf32>,
        %add3A_390 = arith.addf %get3A_389, %get3A_119 : vector<16xf32>
        tpu.vector_store_idx %arg11[%add3A_17, %broadcast_in_dim3A_374], %add3A_390 : memref<64x129xf32, #tpu.memory_space<vmem>>[vector<16xi32>, vector<16xi32>], vector<16xf32>,
        %scan3A_391 = arith.constant 6 : i32
        %scan3A_392 = arith.addi %scan3A_279, %scan3A_391 : i32
        %broadcast_in_dim3A_393 = vector.broadcast %scan3A_392 : i32 to vector<16xi32>
        %get3A_394 = arith.index_cast %scan3A_392 : i32 to index
        %get3A_395 = arith.constant 0 : index
        %get3A_396 = tpu.vector_load %arg16[%get3A_394, %get3A_395] {strides = array<i32>} : memref<128x64xf32, #tpu.memory_space<vmem>>, vector<16xf32>,
        %add3A_397 = arith.addf %get3A_396, %get3A_110 : vector<16xf32>
        tpu.vector_store_idx %arg11[%add3A_5, %broadcast_in_dim3A_393], %add3A_397 : memref<64x129xf32, #tpu.memory_space<vmem>>[vector<16xi32>, vector<16xi32>], vector<16xf32>,
        %get3A_398 = arith.index_cast %scan3A_392 : i32 to index
        %get3A_399 = arith.constant 16 : index
        %get3A_400 = tpu.vector_load %arg16[%get3A_398, %get3A_399] {strides = array<i32>} : memref<128x64xf32, #tpu.memory_space<vmem>>, vector<16xf32>,
        %add3A_401 = arith.addf %get3A_400, %get3A_113 : vector<16xf32>
        tpu.vector_store_idx %arg11[%add3A_9, %broadcast_in_dim3A_393], %add3A_401 : memref<64x129xf32, #tpu.memory_space<vmem>>[vector<16xi32>, vector<16xi32>], vector<16xf32>,
        %get3A_402 = arith.index_cast %scan3A_392 : i32 to index
        %get3A_403 = arith.constant 32 : index
        %get3A_404 = tpu.vector_load %arg16[%get3A_402, %get3A_403] {strides = array<i32>} : memref<128x64xf32, #tpu.memory_space<vmem>>, vector<16xf32>,
        %add3A_405 = arith.addf %get3A_404, %get3A_116 : vector<16xf32>
        tpu.vector_store_idx %arg11[%add3A_13, %broadcast_in_dim3A_393], %add3A_405 : memref<64x129xf32, #tpu.memory_space<vmem>>[vector<16xi32>, vector<16xi32>], vector<16xf32>,
        %get3A_406 = arith.index_cast %scan3A_392 : i32 to index
        %get3A_407 = arith.constant 48 : index
        %get3A_408 = tpu.vector_load %arg16[%get3A_406, %get3A_407] {strides = array<i32>} : memref<128x64xf32, #tpu.memory_space<vmem>>, vector<16xf32>,
        %add3A_409 = arith.addf %get3A_408, %get3A_119 : vector<16xf32>
        tpu.vector_store_idx %arg11[%add3A_17, %broadcast_in_dim3A_393], %add3A_409 : memref<64x129xf32, #tpu.memory_space<vmem>>[vector<16xi32>, vector<16xi32>], vector<16xf32>,
        %scan3A_410 = arith.constant 7 : i32
        %scan3A_411 = arith.addi %scan3A_279, %scan3A_410 : i32
        %broadcast_in_dim3A_412 = vector.broadcast %scan3A_411 : i32 to vector<16xi32>
        %get3A_413 = arith.index_cast %scan3A_411 : i32 to index
        %get3A_414 = arith.constant 0 : index
        %get3A_415 = tpu.vector_load %arg16[%get3A_413, %get3A_414] {strides = array<i32>} : memref<128x64xf32, #tpu.memory_space<vmem>>, vector<16xf32>,
        %add3A_416 = arith.addf %get3A_415, %get3A_110 : vector<16xf32>
        tpu.vector_store_idx %arg11[%add3A_5, %broadcast_in_dim3A_412], %add3A_416 : memref<64x129xf32, #tpu.memory_space<vmem>>[vector<16xi32>, vector<16xi32>], vector<16xf32>,
        %get3A_417 = arith.index_cast %scan3A_411 : i32 to index
        %get3A_418 = arith.constant 16 : index
        %get3A_419 = tpu.vector_load %arg16[%get3A_417, %get3A_418] {strides = array<i32>} : memref<128x64xf32, #tpu.memory_space<vmem>>, vector<16xf32>,
        %add3A_420 = arith.addf %get3A_419, %get3A_113 : vector<16xf32>
        tpu.vector_store_idx %arg11[%add3A_9, %broadcast_in_dim3A_412], %add3A_420 : memref<64x129xf32, #tpu.memory_space<vmem>>[vector<16xi32>, vector<16xi32>], vector<16xf32>,
        %get3A_421 = arith.index_cast %scan3A_411 : i32 to index
        %get3A_422 = arith.constant 32 : index
        %get3A_423 = tpu.vector_load %arg16[%get3A_421, %get3A_422] {strides = array<i32>} : memref<128x64xf32, #tpu.memory_space<vmem>>, vector<16xf32>,
        %add3A_424 = arith.addf %get3A_423, %get3A_116 : vector<16xf32>
        tpu.vector_store_idx %arg11[%add3A_13, %broadcast_in_dim3A_412], %add3A_424 : memref<64x129xf32, #tpu.memory_space<vmem>>[vector<16xi32>, vector<16xi32>], vector<16xf32>,
        %get3A_425 = arith.index_cast %scan3A_411 : i32 to index
        %get3A_426 = arith.constant 48 : index
        %get3A_427 = tpu.vector_load %arg16[%get3A_425, %get3A_426] {strides = array<i32>} : memref<128x64xf32, #tpu.memory_space<vmem>>, vector<16xf32>,
        %add3A_428 = arith.addf %get3A_427, %get3A_119 : vector<16xf32>
        tpu.vector_store_idx %arg11[%add3A_17, %broadcast_in_dim3A_412], %add3A_428 : memref<64x129xf32, #tpu.memory_space<vmem>>[vector<16xi32>, vector<16xi32>], vector<16xf32>,
      }
      %scan3A_125 = arith.constant 128 : i32
      %dma_start3A_126 = arith.constant 0 : i32
      %dma_start3A_127 = arith.constant 0 : i32
      %dma_start3A_128 = tpu.memref_slice %arg11[%dma_start3A_126, %dma_start3A_127] : memref<64x129xf32, #tpu.memory_space<vmem>> -> memref<64x128xf32, #tpu.memory_space<vmem>>
      %dma_start3A_129 = arith.constant 0 : i32
      %dma_start3A_130 = tpu.memref_slice %arg5[%add3A_98, %dma_start3A_129, %mul3A_2] : memref<200x64x4096xf32, #tpu.memory_space<hbm>> -> memref<1x64x128xf32, #tpu.memory_space<hbm>>
      %dma_start3A_131 = tpu.memref_squeeze %dma_start3A_130 : memref<1x64x128xf32, #tpu.memory_space<hbm>> -> memref<64x128xf32, #tpu.memory_space<hbm>>
      %dma_start3A_132 = arith.constant 0 : i32
      %dma_start3A_133 = tpu.memref_slice %arg5[%add3A_98, %dma_start3A_132, %mul3A_2] : memref<200x64x4096xf32, #tpu.memory_space<hbm>> -> memref<1x64x128xf32, #tpu.memory_space<hbm>>
      %dma_start3A_134 = tpu.memref_squeeze %dma_start3A_133 : memref<1x64x128xf32, #tpu.memory_space<hbm>> -> memref<64x128xf32, #tpu.memory_space<hbm>>
      %dma_start3A_135 = arith.constant 0 : i32
      %dma_start3A_136 = arith.constant 0 : i32
      %dma_start3A_137 = tpu.memref_slice %arg11[%dma_start3A_135, %dma_start3A_136] : memref<64x129xf32, #tpu.memory_space<vmem>> -> memref<64x128xf32, #tpu.memory_space<vmem>>
      tpu.enqueue_dma source(%dma_start3A_137 : memref<64x128xf32, #tpu.memory_space<vmem>>) target(%dma_start3A_134 : memref<64x128xf32, #tpu.memory_space<hbm>>) target_semaphore(%arg20 : memref<!tpu.dma_semaphore, #tpu.memory_space<semaphore_mem>>)
      %mul3A_138 = arith.constant 4 : i32
      %mul3A_139 = arith.muli %scan3A_94, %mul3A_138 : i32
      %add3A_140 = arith.constant 1 : i32
      %add3A_141 = arith.addi %mul3A_139, %add3A_140 : i32
      %add3A_142 = arith.constant 3 : i32
      %add3A_143 = arith.addi %add3A_141, %add3A_142 : i32
      %lt3A_144 = arith.constant 200 : i32
      %lt3A_145 = arith.cmpi slt, %add3A_143, %lt3A_144 : i32
      %convert_element_type3A_146 = arith.extui %lt3A_145 : i1 to i32
      %cond3A_147 = arith.constant 0 : i32
      %cond3A_148 = arith.cmpi ne, %convert_element_type3A_146, %cond3A_147 : i32
      scf.if %cond3A_148 {
        %ge3A = arith.constant 4 : i32
        %ge3A_279 = arith.cmpi sge, %add3A_143, %ge3A : i32
        %convert_element_type3A_280 = arith.extui %ge3A_279 : i1 to i32
        %cond3A_281 = arith.constant 0 : i32
        %cond3A_282 = arith.cmpi ne, %convert_element_type3A_280, %cond3A_281 : i32
        scf.if %cond3A_282 {
          %sub3A = arith.constant 4 : i32
          %sub3A_289 = arith.subi %add3A_143, %sub3A : i32
          %dma_wait3A_290 = arith.constant 0 : i32
          %dma_wait3A_291 = arith.constant 0 : i32
          %dma_wait3A_292 = tpu.memref_slice %arg11[%dma_wait3A_290, %dma_wait3A_291] : memref<64x129xf32, #tpu.memory_space<vmem>> -> memref<64x128xf32, #tpu.memory_space<vmem>>
          %dma_wait3A_293 = arith.constant 0 : i32
          %dma_wait3A_294 = tpu.memref_slice %arg5[%sub3A_289, %dma_wait3A_293, %mul3A_2] : memref<200x64x4096xf32, #tpu.memory_space<hbm>> -> memref<1x64x128xf32, #tpu.memory_space<hbm>>
          %dma_wait3A_295 = tpu.memref_squeeze %dma_wait3A_294 : memref<1x64x128xf32, #tpu.memory_space<hbm>> -> memref<64x128xf32, #tpu.memory_space<hbm>>
          %dma_wait3A_296 = arith.constant 0 : i32
          %dma_wait3A_297 = tpu.memref_slice %arg5[%sub3A_289, %dma_wait3A_296, %mul3A_2] : memref<200x64x4096xf32, #tpu.memory_space<hbm>> -> memref<1x64x128xf32, #tpu.memory_space<hbm>>
          %dma_wait3A_298 = tpu.memref_squeeze %dma_wait3A_297 : memref<1x64x128xf32, #tpu.memory_space<hbm>> -> memref<64x128xf32, #tpu.memory_space<hbm>>
          %dma_wait3A_299 = arith.constant 0 : i32
          %dma_wait3A_300 = arith.constant 0 : i32
          %dma_wait3A_301 = tpu.memref_slice %arg11[%dma_wait3A_299, %dma_wait3A_300] : memref<64x129xf32, #tpu.memory_space<vmem>> -> memref<64x128xf32, #tpu.memory_space<vmem>>
          tpu.wait_dma2 semaphore(%arg20 : memref<!tpu.dma_semaphore, #tpu.memory_space<semaphore_mem>>) src(%dma_wait3A_301 : memref<64x128xf32, #tpu.memory_space<vmem>>) dst(%dma_wait3A_298 : memref<64x128xf32, #tpu.memory_space<hbm>>)
        } else {
        }
        %dma_start3A_283 = arith.constant 0 : i32
        %dma_start3A_284 = tpu.memref_slice %arg10[%add3A_143, %dma_start3A_283] : memref<200x128xi32, #tpu.memory_space<vmem>> -> memref<1x128xi32, #tpu.memory_space<vmem>>
        %dma_start3A_285 = tpu.memref_squeeze %dma_start3A_284 : memref<1x128xi32, #tpu.memory_space<vmem>> -> memref<128xi32, #tpu.memory_space<vmem>>
        %dma_start3A_286 = arith.constant 0 : i32
        %dma_start3A_287 = arith.constant 0 : i32
        %dma_start3A_288 = tpu.memref_slice %arg3[%dma_start3A_286, %dma_start3A_287] : memref<1000000x64xf32, #tpu.memory_space<hbm>> -> memref<1000000x64xf32, #tpu.memory_space<hbm>>
        tpu.enqueue_indirect_dma source(%dma_start3A_288 : memref<1000000x64xf32, #tpu.memory_space<hbm>>) target(%arg16 : memref<128x64xf32, #tpu.memory_space<vmem>>) offsets(%dma_start3A_285 : memref<128xi32, #tpu.memory_space<vmem>>) semaphore(%arg6 : memref<!tpu.dma_semaphore, #tpu.memory_space<semaphore_mem>>)
      } else {
      }
      %dma_wait3A_149 = arith.constant 0 : i32
      %dma_wait3A_150 = tpu.memref_slice %arg10[%add3A_141, %dma_wait3A_149] : memref<200x128xi32, #tpu.memory_space<vmem>> -> memref<1x128xi32, #tpu.memory_space<vmem>>
      %dma_wait3A_151 = tpu.memref_squeeze %dma_wait3A_150 : memref<1x128xi32, #tpu.memory_space<vmem>> -> memref<128xi32, #tpu.memory_space<vmem>>
      %dma_wait3A_152 = arith.constant 0 : i32
      %dma_wait3A_153 = arith.constant 0 : i32
      %dma_wait3A_154 = tpu.memref_slice %arg3[%dma_wait3A_152, %dma_wait3A_153] : memref<1000000x64xf32, #tpu.memory_space<hbm>> -> memref<1000000x64xf32, #tpu.memory_space<hbm>>
      tpu.wait_indirect_dma semaphore(%arg7 : memref<!tpu.dma_semaphore, #tpu.memory_space<semaphore_mem>>) src(%dma_wait3A_154 : memref<1000000x64xf32, #tpu.memory_space<hbm>>) dst(%arg17 : memref<128x64xf32, #tpu.memory_space<vmem>>)
      %get3A_155 = arith.index_cast %add3A_141 : i32 to index
      %get3A_156 = arith.constant 0 : index
      %get3A_157 = tpu.vector_load %arg15[%get3A_155, %get3A_156] {strides = array<i32>} : memref<200x64xf32, #tpu.memory_space<vmem>>, vector<16xf32>,
      %get3A_158 = arith.index_cast %add3A_141 : i32 to index
      %get3A_159 = arith.constant 16 : index
      %get3A_160 = tpu.vector_load %arg15[%get3A_158, %get3A_159] {strides = array<i32>} : memref<200x64xf32, #tpu.memory_space<vmem>>, vector<16xf32>,
      %get3A_161 = arith.index_cast %add3A_141 : i32 to index
      %get3A_162 = arith.constant 32 : index
      %get3A_163 = tpu.vector_load %arg15[%get3A_161, %get3A_162] {strides = array<i32>} : memref<200x64xf32, #tpu.memory_space<vmem>>, vector<16xf32>,
      %get3A_164 = arith.index_cast %add3A_141 : i32 to index
      %get3A_165 = arith.constant 48 : index
      %get3A_166 = tpu.vector_load %arg15[%get3A_164, %get3A_165] {strides = array<i32>} : memref<200x64xf32, #tpu.memory_space<vmem>>, vector<16xf32>,
      %scan3A_167 = arith.constant 0 : i32
      %scan3A_168 = arith.constant 0 : i32
      %scan3A_169 = arith.constant 128 : i32
      %scan3A_170 = arith.addi %scan3A_168, %scan3A_169 : i32
      %scan3A_171 = arith.constant 8 : i32
      scf.for %scan3A_279 = %scan3A_168 to %scan3A_170 step %scan3A_171  : i32 {
        %broadcast_in_dim3A = vector.broadcast %scan3A_279 : i32 to vector<16xi32>
        %get3A_280 = arith.index_cast %scan3A_279 : i32 to index
        %get3A_281 = arith.constant 0 : index
        %get3A_282 = tpu.vector_load %arg17[%get3A_280, %get3A_281] {strides = array<i32>} : memref<128x64xf32, #tpu.memory_space<vmem>>, vector<16xf32>,
        %add3A_283 = arith.addf %get3A_282, %get3A_157 : vector<16xf32>
        tpu.vector_store_idx %arg12[%add3A_5, %broadcast_in_dim3A], %add3A_283 : memref<64x129xf32, #tpu.memory_space<vmem>>[vector<16xi32>, vector<16xi32>], vector<16xf32>,
        %get3A_284 = arith.index_cast %scan3A_279 : i32 to index
        %get3A_285 = arith.constant 16 : index
        %get3A_286 = tpu.vector_load %arg17[%get3A_284, %get3A_285] {strides = array<i32>} : memref<128x64xf32, #tpu.memory_space<vmem>>, vector<16xf32>,
        %add3A_287 = arith.addf %get3A_286, %get3A_160 : vector<16xf32>
        tpu.vector_store_idx %arg12[%add3A_9, %broadcast_in_dim3A], %add3A_287 : memref<64x129xf32, #tpu.memory_space<vmem>>[vector<16xi32>, vector<16xi32>], vector<16xf32>,
        %get3A_288 = arith.index_cast %scan3A_279 : i32 to index
        %get3A_289 = arith.constant 32 : index
        %get3A_290 = tpu.vector_load %arg17[%get3A_288, %get3A_289] {strides = array<i32>} : memref<128x64xf32, #tpu.memory_space<vmem>>, vector<16xf32>,
        %add3A_291 = arith.addf %get3A_290, %get3A_163 : vector<16xf32>
        tpu.vector_store_idx %arg12[%add3A_13, %broadcast_in_dim3A], %add3A_291 : memref<64x129xf32, #tpu.memory_space<vmem>>[vector<16xi32>, vector<16xi32>], vector<16xf32>,
        %get3A_292 = arith.index_cast %scan3A_279 : i32 to index
        %get3A_293 = arith.constant 48 : index
        %get3A_294 = tpu.vector_load %arg17[%get3A_292, %get3A_293] {strides = array<i32>} : memref<128x64xf32, #tpu.memory_space<vmem>>, vector<16xf32>,
        %add3A_295 = arith.addf %get3A_294, %get3A_166 : vector<16xf32>
        tpu.vector_store_idx %arg12[%add3A_17, %broadcast_in_dim3A], %add3A_295 : memref<64x129xf32, #tpu.memory_space<vmem>>[vector<16xi32>, vector<16xi32>], vector<16xf32>,
        %scan3A_296 = arith.constant 1 : i32
        %scan3A_297 = arith.addi %scan3A_279, %scan3A_296 : i32
        %broadcast_in_dim3A_298 = vector.broadcast %scan3A_297 : i32 to vector<16xi32>
        %get3A_299 = arith.index_cast %scan3A_297 : i32 to index
        %get3A_300 = arith.constant 0 : index
        %get3A_301 = tpu.vector_load %arg17[%get3A_299, %get3A_300] {strides = array<i32>} : memref<128x64xf32, #tpu.memory_space<vmem>>, vector<16xf32>,
        %add3A_302 = arith.addf %get3A_301, %get3A_157 : vector<16xf32>
        tpu.vector_store_idx %arg12[%add3A_5, %broadcast_in_dim3A_298], %add3A_302 : memref<64x129xf32, #tpu.memory_space<vmem>>[vector<16xi32>, vector<16xi32>], vector<16xf32>,
        %get3A_303 = arith.index_cast %scan3A_297 : i32 to index
        %get3A_304 = arith.constant 16 : index
        %get3A_305 = tpu.vector_load %arg17[%get3A_303, %get3A_304] {strides = array<i32>} : memref<128x64xf32, #tpu.memory_space<vmem>>, vector<16xf32>,
        %add3A_306 = arith.addf %get3A_305, %get3A_160 : vector<16xf32>
        tpu.vector_store_idx %arg12[%add3A_9, %broadcast_in_dim3A_298], %add3A_306 : memref<64x129xf32, #tpu.memory_space<vmem>>[vector<16xi32>, vector<16xi32>], vector<16xf32>,
        %get3A_307 = arith.index_cast %scan3A_297 : i32 to index
        %get3A_308 = arith.constant 32 : index
        %get3A_309 = tpu.vector_load %arg17[%get3A_307, %get3A_308] {strides = array<i32>} : memref<128x64xf32, #tpu.memory_space<vmem>>, vector<16xf32>,
        %add3A_310 = arith.addf %get3A_309, %get3A_163 : vector<16xf32>
        tpu.vector_store_idx %arg12[%add3A_13, %broadcast_in_dim3A_298], %add3A_310 : memref<64x129xf32, #tpu.memory_space<vmem>>[vector<16xi32>, vector<16xi32>], vector<16xf32>,
        %get3A_311 = arith.index_cast %scan3A_297 : i32 to index
        %get3A_312 = arith.constant 48 : index
        %get3A_313 = tpu.vector_load %arg17[%get3A_311, %get3A_312] {strides = array<i32>} : memref<128x64xf32, #tpu.memory_space<vmem>>, vector<16xf32>,
        %add3A_314 = arith.addf %get3A_313, %get3A_166 : vector<16xf32>
        tpu.vector_store_idx %arg12[%add3A_17, %broadcast_in_dim3A_298], %add3A_314 : memref<64x129xf32, #tpu.memory_space<vmem>>[vector<16xi32>, vector<16xi32>], vector<16xf32>,
        %scan3A_315 = arith.constant 2 : i32
        %scan3A_316 = arith.addi %scan3A_279, %scan3A_315 : i32
        %broadcast_in_dim3A_317 = vector.broadcast %scan3A_316 : i32 to vector<16xi32>
        %get3A_318 = arith.index_cast %scan3A_316 : i32 to index
        %get3A_319 = arith.constant 0 : index
        %get3A_320 = tpu.vector_load %arg17[%get3A_318, %get3A_319] {strides = array<i32>} : memref<128x64xf32, #tpu.memory_space<vmem>>, vector<16xf32>,
        %add3A_321 = arith.addf %get3A_320, %get3A_157 : vector<16xf32>
        tpu.vector_store_idx %arg12[%add3A_5, %broadcast_in_dim3A_317], %add3A_321 : memref<64x129xf32, #tpu.memory_space<vmem>>[vector<16xi32>, vector<16xi32>], vector<16xf32>,
        %get3A_322 = arith.index_cast %scan3A_316 : i32 to index
        %get3A_323 = arith.constant 16 : index
        %get3A_324 = tpu.vector_load %arg17[%get3A_322, %get3A_323] {strides = array<i32>} : memref<128x64xf32, #tpu.memory_space<vmem>>, vector<16xf32>,
        %add3A_325 = arith.addf %get3A_324, %get3A_160 : vector<16xf32>
        tpu.vector_store_idx %arg12[%add3A_9, %broadcast_in_dim3A_317], %add3A_325 : memref<64x129xf32, #tpu.memory_space<vmem>>[vector<16xi32>, vector<16xi32>], vector<16xf32>,
        %get3A_326 = arith.index_cast %scan3A_316 : i32 to index
        %get3A_327 = arith.constant 32 : index
        %get3A_328 = tpu.vector_load %arg17[%get3A_326, %get3A_327] {strides = array<i32>} : memref<128x64xf32, #tpu.memory_space<vmem>>, vector<16xf32>,
        %add3A_329 = arith.addf %get3A_328, %get3A_163 : vector<16xf32>
        tpu.vector_store_idx %arg12[%add3A_13, %broadcast_in_dim3A_317], %add3A_329 : memref<64x129xf32, #tpu.memory_space<vmem>>[vector<16xi32>, vector<16xi32>], vector<16xf32>,
        %get3A_330 = arith.index_cast %scan3A_316 : i32 to index
        %get3A_331 = arith.constant 48 : index
        %get3A_332 = tpu.vector_load %arg17[%get3A_330, %get3A_331] {strides = array<i32>} : memref<128x64xf32, #tpu.memory_space<vmem>>, vector<16xf32>,
        %add3A_333 = arith.addf %get3A_332, %get3A_166 : vector<16xf32>
        tpu.vector_store_idx %arg12[%add3A_17, %broadcast_in_dim3A_317], %add3A_333 : memref<64x129xf32, #tpu.memory_space<vmem>>[vector<16xi32>, vector<16xi32>], vector<16xf32>,
        %scan3A_334 = arith.constant 3 : i32
        %scan3A_335 = arith.addi %scan3A_279, %scan3A_334 : i32
        %broadcast_in_dim3A_336 = vector.broadcast %scan3A_335 : i32 to vector<16xi32>
        %get3A_337 = arith.index_cast %scan3A_335 : i32 to index
        %get3A_338 = arith.constant 0 : index
        %get3A_339 = tpu.vector_load %arg17[%get3A_337, %get3A_338] {strides = array<i32>} : memref<128x64xf32, #tpu.memory_space<vmem>>, vector<16xf32>,
        %add3A_340 = arith.addf %get3A_339, %get3A_157 : vector<16xf32>
        tpu.vector_store_idx %arg12[%add3A_5, %broadcast_in_dim3A_336], %add3A_340 : memref<64x129xf32, #tpu.memory_space<vmem>>[vector<16xi32>, vector<16xi32>], vector<16xf32>,
        %get3A_341 = arith.index_cast %scan3A_335 : i32 to index
        %get3A_342 = arith.constant 16 : index
        %get3A_343 = tpu.vector_load %arg17[%get3A_341, %get3A_342] {strides = array<i32>} : memref<128x64xf32, #tpu.memory_space<vmem>>, vector<16xf32>,
        %add3A_344 = arith.addf %get3A_343, %get3A_160 : vector<16xf32>
        tpu.vector_store_idx %arg12[%add3A_9, %broadcast_in_dim3A_336], %add3A_344 : memref<64x129xf32, #tpu.memory_space<vmem>>[vector<16xi32>, vector<16xi32>], vector<16xf32>,
        %get3A_345 = arith.index_cast %scan3A_335 : i32 to index
        %get3A_346 = arith.constant 32 : index
        %get3A_347 = tpu.vector_load %arg17[%get3A_345, %get3A_346] {strides = array<i32>} : memref<128x64xf32, #tpu.memory_space<vmem>>, vector<16xf32>,
        %add3A_348 = arith.addf %get3A_347, %get3A_163 : vector<16xf32>
        tpu.vector_store_idx %arg12[%add3A_13, %broadcast_in_dim3A_336], %add3A_348 : memref<64x129xf32, #tpu.memory_space<vmem>>[vector<16xi32>, vector<16xi32>], vector<16xf32>,
        %get3A_349 = arith.index_cast %scan3A_335 : i32 to index
        %get3A_350 = arith.constant 48 : index
        %get3A_351 = tpu.vector_load %arg17[%get3A_349, %get3A_350] {strides = array<i32>} : memref<128x64xf32, #tpu.memory_space<vmem>>, vector<16xf32>,
        %add3A_352 = arith.addf %get3A_351, %get3A_166 : vector<16xf32>
        tpu.vector_store_idx %arg12[%add3A_17, %broadcast_in_dim3A_336], %add3A_352 : memref<64x129xf32, #tpu.memory_space<vmem>>[vector<16xi32>, vector<16xi32>], vector<16xf32>,
        %scan3A_353 = arith.constant 4 : i32
        %scan3A_354 = arith.addi %scan3A_279, %scan3A_353 : i32
        %broadcast_in_dim3A_355 = vector.broadcast %scan3A_354 : i32 to vector<16xi32>
        %get3A_356 = arith.index_cast %scan3A_354 : i32 to index
        %get3A_357 = arith.constant 0 : index
        %get3A_358 = tpu.vector_load %arg17[%get3A_356, %get3A_357] {strides = array<i32>} : memref<128x64xf32, #tpu.memory_space<vmem>>, vector<16xf32>,
        %add3A_359 = arith.addf %get3A_358, %get3A_157 : vector<16xf32>
        tpu.vector_store_idx %arg12[%add3A_5, %broadcast_in_dim3A_355], %add3A_359 : memref<64x129xf32, #tpu.memory_space<vmem>>[vector<16xi32>, vector<16xi32>], vector<16xf32>,
        %get3A_360 = arith.index_cast %scan3A_354 : i32 to index
        %get3A_361 = arith.constant 16 : index
        %get3A_362 = tpu.vector_load %arg17[%get3A_360, %get3A_361] {strides = array<i32>} : memref<128x64xf32, #tpu.memory_space<vmem>>, vector<16xf32>,
        %add3A_363 = arith.addf %get3A_362, %get3A_160 : vector<16xf32>
        tpu.vector_store_idx %arg12[%add3A_9, %broadcast_in_dim3A_355], %add3A_363 : memref<64x129xf32, #tpu.memory_space<vmem>>[vector<16xi32>, vector<16xi32>], vector<16xf32>,
        %get3A_364 = arith.index_cast %scan3A_354 : i32 to index
        %get3A_365 = arith.constant 32 : index
        %get3A_366 = tpu.vector_load %arg17[%get3A_364, %get3A_365] {strides = array<i32>} : memref<128x64xf32, #tpu.memory_space<vmem>>, vector<16xf32>,
        %add3A_367 = arith.addf %get3A_366, %get3A_163 : vector<16xf32>
        tpu.vector_store_idx %arg12[%add3A_13, %broadcast_in_dim3A_355], %add3A_367 : memref<64x129xf32, #tpu.memory_space<vmem>>[vector<16xi32>, vector<16xi32>], vector<16xf32>,
        %get3A_368 = arith.index_cast %scan3A_354 : i32 to index
        %get3A_369 = arith.constant 48 : index
        %get3A_370 = tpu.vector_load %arg17[%get3A_368, %get3A_369] {strides = array<i32>} : memref<128x64xf32, #tpu.memory_space<vmem>>, vector<16xf32>,
        %add3A_371 = arith.addf %get3A_370, %get3A_166 : vector<16xf32>
        tpu.vector_store_idx %arg12[%add3A_17, %broadcast_in_dim3A_355], %add3A_371 : memref<64x129xf32, #tpu.memory_space<vmem>>[vector<16xi32>, vector<16xi32>], vector<16xf32>,
        %scan3A_372 = arith.constant 5 : i32
        %scan3A_373 = arith.addi %scan3A_279, %scan3A_372 : i32
        %broadcast_in_dim3A_374 = vector.broadcast %scan3A_373 : i32 to vector<16xi32>
        %get3A_375 = arith.index_cast %scan3A_373 : i32 to index
        %get3A_376 = arith.constant 0 : index
        %get3A_377 = tpu.vector_load %arg17[%get3A_375, %get3A_376] {strides = array<i32>} : memref<128x64xf32, #tpu.memory_space<vmem>>, vector<16xf32>,
        %add3A_378 = arith.addf %get3A_377, %get3A_157 : vector<16xf32>
        tpu.vector_store_idx %arg12[%add3A_5, %broadcast_in_dim3A_374], %add3A_378 : memref<64x129xf32, #tpu.memory_space<vmem>>[vector<16xi32>, vector<16xi32>], vector<16xf32>,
        %get3A_379 = arith.index_cast %scan3A_373 : i32 to index
        %get3A_380 = arith.constant 16 : index
        %get3A_381 = tpu.vector_load %arg17[%get3A_379, %get3A_380] {strides = array<i32>} : memref<128x64xf32, #tpu.memory_space<vmem>>, vector<16xf32>,
        %add3A_382 = arith.addf %get3A_381, %get3A_160 : vector<16xf32>
        tpu.vector_store_idx %arg12[%add3A_9, %broadcast_in_dim3A_374], %add3A_382 : memref<64x129xf32, #tpu.memory_space<vmem>>[vector<16xi32>, vector<16xi32>], vector<16xf32>,
        %get3A_383 = arith.index_cast %scan3A_373 : i32 to index
        %get3A_384 = arith.constant 32 : index
        %get3A_385 = tpu.vector_load %arg17[%get3A_383, %get3A_384] {strides = array<i32>} : memref<128x64xf32, #tpu.memory_space<vmem>>, vector<16xf32>,
        %add3A_386 = arith.addf %get3A_385, %get3A_163 : vector<16xf32>
        tpu.vector_store_idx %arg12[%add3A_13, %broadcast_in_dim3A_374], %add3A_386 : memref<64x129xf32, #tpu.memory_space<vmem>>[vector<16xi32>, vector<16xi32>], vector<16xf32>,
        %get3A_387 = arith.index_cast %scan3A_373 : i32 to index
        %get3A_388 = arith.constant 48 : index
        %get3A_389 = tpu.vector_load %arg17[%get3A_387, %get3A_388] {strides = array<i32>} : memref<128x64xf32, #tpu.memory_space<vmem>>, vector<16xf32>,
        %add3A_390 = arith.addf %get3A_389, %get3A_166 : vector<16xf32>
        tpu.vector_store_idx %arg12[%add3A_17, %broadcast_in_dim3A_374], %add3A_390 : memref<64x129xf32, #tpu.memory_space<vmem>>[vector<16xi32>, vector<16xi32>], vector<16xf32>,
        %scan3A_391 = arith.constant 6 : i32
        %scan3A_392 = arith.addi %scan3A_279, %scan3A_391 : i32
        %broadcast_in_dim3A_393 = vector.broadcast %scan3A_392 : i32 to vector<16xi32>
        %get3A_394 = arith.index_cast %scan3A_392 : i32 to index
        %get3A_395 = arith.constant 0 : index
        %get3A_396 = tpu.vector_load %arg17[%get3A_394, %get3A_395] {strides = array<i32>} : memref<128x64xf32, #tpu.memory_space<vmem>>, vector<16xf32>,
        %add3A_397 = arith.addf %get3A_396, %get3A_157 : vector<16xf32>
        tpu.vector_store_idx %arg12[%add3A_5, %broadcast_in_dim3A_393], %add3A_397 : memref<64x129xf32, #tpu.memory_space<vmem>>[vector<16xi32>, vector<16xi32>], vector<16xf32>,
        %get3A_398 = arith.index_cast %scan3A_392 : i32 to index
        %get3A_399 = arith.constant 16 : index
        %get3A_400 = tpu.vector_load %arg17[%get3A_398, %get3A_399] {strides = array<i32>} : memref<128x64xf32, #tpu.memory_space<vmem>>, vector<16xf32>,
        %add3A_401 = arith.addf %get3A_400, %get3A_160 : vector<16xf32>
        tpu.vector_store_idx %arg12[%add3A_9, %broadcast_in_dim3A_393], %add3A_401 : memref<64x129xf32, #tpu.memory_space<vmem>>[vector<16xi32>, vector<16xi32>], vector<16xf32>,
        %get3A_402 = arith.index_cast %scan3A_392 : i32 to index
        %get3A_403 = arith.constant 32 : index
        %get3A_404 = tpu.vector_load %arg17[%get3A_402, %get3A_403] {strides = array<i32>} : memref<128x64xf32, #tpu.memory_space<vmem>>, vector<16xf32>,
        %add3A_405 = arith.addf %get3A_404, %get3A_163 : vector<16xf32>
        tpu.vector_store_idx %arg12[%add3A_13, %broadcast_in_dim3A_393], %add3A_405 : memref<64x129xf32, #tpu.memory_space<vmem>>[vector<16xi32>, vector<16xi32>], vector<16xf32>,
        %get3A_406 = arith.index_cast %scan3A_392 : i32 to index
        %get3A_407 = arith.constant 48 : index
        %get3A_408 = tpu.vector_load %arg17[%get3A_406, %get3A_407] {strides = array<i32>} : memref<128x64xf32, #tpu.memory_space<vmem>>, vector<16xf32>,
        %add3A_409 = arith.addf %get3A_408, %get3A_166 : vector<16xf32>
        tpu.vector_store_idx %arg12[%add3A_17, %broadcast_in_dim3A_393], %add3A_409 : memref<64x129xf32, #tpu.memory_space<vmem>>[vector<16xi32>, vector<16xi32>], vector<16xf32>,
        %scan3A_410 = arith.constant 7 : i32
        %scan3A_411 = arith.addi %scan3A_279, %scan3A_410 : i32
        %broadcast_in_dim3A_412 = vector.broadcast %scan3A_411 : i32 to vector<16xi32>
        %get3A_413 = arith.index_cast %scan3A_411 : i32 to index
        %get3A_414 = arith.constant 0 : index
        %get3A_415 = tpu.vector_load %arg17[%get3A_413, %get3A_414] {strides = array<i32>} : memref<128x64xf32, #tpu.memory_space<vmem>>, vector<16xf32>,
        %add3A_416 = arith.addf %get3A_415, %get3A_157 : vector<16xf32>
        tpu.vector_store_idx %arg12[%add3A_5, %broadcast_in_dim3A_412], %add3A_416 : memref<64x129xf32, #tpu.memory_space<vmem>>[vector<16xi32>, vector<16xi32>], vector<16xf32>,
        %get3A_417 = arith.index_cast %scan3A_411 : i32 to index
        %get3A_418 = arith.constant 16 : index
        %get3A_419 = tpu.vector_load %arg17[%get3A_417, %get3A_418] {strides = array<i32>} : memref<128x64xf32, #tpu.memory_space<vmem>>, vector<16xf32>,
        %add3A_420 = arith.addf %get3A_419, %get3A_160 : vector<16xf32>
        tpu.vector_store_idx %arg12[%add3A_9, %broadcast_in_dim3A_412], %add3A_420 : memref<64x129xf32, #tpu.memory_space<vmem>>[vector<16xi32>, vector<16xi32>], vector<16xf32>,
        %get3A_421 = arith.index_cast %scan3A_411 : i32 to index
        %get3A_422 = arith.constant 32 : index
        %get3A_423 = tpu.vector_load %arg17[%get3A_421, %get3A_422] {strides = array<i32>} : memref<128x64xf32, #tpu.memory_space<vmem>>, vector<16xf32>,
        %add3A_424 = arith.addf %get3A_423, %get3A_163 : vector<16xf32>
        tpu.vector_store_idx %arg12[%add3A_13, %broadcast_in_dim3A_412], %add3A_424 : memref<64x129xf32, #tpu.memory_space<vmem>>[vector<16xi32>, vector<16xi32>], vector<16xf32>,
        %get3A_425 = arith.index_cast %scan3A_411 : i32 to index
        %get3A_426 = arith.constant 48 : index
        %get3A_427 = tpu.vector_load %arg17[%get3A_425, %get3A_426] {strides = array<i32>} : memref<128x64xf32, #tpu.memory_space<vmem>>, vector<16xf32>,
        %add3A_428 = arith.addf %get3A_427, %get3A_166 : vector<16xf32>
        tpu.vector_store_idx %arg12[%add3A_17, %broadcast_in_dim3A_412], %add3A_428 : memref<64x129xf32, #tpu.memory_space<vmem>>[vector<16xi32>, vector<16xi32>], vector<16xf32>,
      }
      %scan3A_172 = arith.constant 128 : i32
      %dma_start3A_173 = arith.constant 0 : i32
      %dma_start3A_174 = arith.constant 0 : i32
      %dma_start3A_175 = tpu.memref_slice %arg12[%dma_start3A_173, %dma_start3A_174] : memref<64x129xf32, #tpu.memory_space<vmem>> -> memref<64x128xf32, #tpu.memory_space<vmem>>
      %dma_start3A_176 = arith.constant 0 : i32
      %dma_start3A_177 = tpu.memref_slice %arg5[%add3A_141, %dma_start3A_176, %mul3A_2] : memref<200x64x4096xf32, #tpu.memory_space<hbm>> -> memref<1x64x128xf32, #tpu.memory_space<hbm>>
      %dma_start3A_178 = tpu.memref_squeeze %dma_start3A_177 : memref<1x64x128xf32, #tpu.memory_space<hbm>> -> memref<64x128xf32, #tpu.memory_space<hbm>>
      %dma_start3A_179 = arith.constant 0 : i32
      %dma_start3A_180 = tpu.memref_slice %arg5[%add3A_141, %dma_start3A_179, %mul3A_2] : memref<200x64x4096xf32, #tpu.memory_space<hbm>> -> memref<1x64x128xf32, #tpu.memory_space<hbm>>
      %dma_start3A_181 = tpu.memref_squeeze %dma_start3A_180 : memref<1x64x128xf32, #tpu.memory_space<hbm>> -> memref<64x128xf32, #tpu.memory_space<hbm>>
      %dma_start3A_182 = arith.constant 0 : i32
      %dma_start3A_183 = arith.constant 0 : i32
      %dma_start3A_184 = tpu.memref_slice %arg12[%dma_start3A_182, %dma_start3A_183] : memref<64x129xf32, #tpu.memory_space<vmem>> -> memref<64x128xf32, #tpu.memory_space<vmem>>
      tpu.enqueue_dma source(%dma_start3A_184 : memref<64x128xf32, #tpu.memory_space<vmem>>) target(%dma_start3A_181 : memref<64x128xf32, #tpu.memory_space<hbm>>) target_semaphore(%arg21 : memref<!tpu.dma_semaphore, #tpu.memory_space<semaphore_mem>>)
      %mul3A_185 = arith.constant 4 : i32
      %mul3A_186 = arith.muli %scan3A_94, %mul3A_185 : i32
      %add3A_187 = arith.constant 2 : i32
      %add3A_188 = arith.addi %mul3A_186, %add3A_187 : i32
      %add3A_189 = arith.constant 3 : i32
      %add3A_190 = arith.addi %add3A_188, %add3A_189 : i32
      %lt3A_191 = arith.constant 200 : i32
      %lt3A_192 = arith.cmpi slt, %add3A_190, %lt3A_191 : i32
      %convert_element_type3A_193 = arith.extui %lt3A_192 : i1 to i32
      %cond3A_194 = arith.constant 0 : i32
      %cond3A_195 = arith.cmpi ne, %convert_element_type3A_193, %cond3A_194 : i32
      scf.if %cond3A_195 {
        %ge3A = arith.constant 4 : i32
        %ge3A_279 = arith.cmpi sge, %add3A_190, %ge3A : i32
        %convert_element_type3A_280 = arith.extui %ge3A_279 : i1 to i32
        %cond3A_281 = arith.constant 0 : i32
        %cond3A_282 = arith.cmpi ne, %convert_element_type3A_280, %cond3A_281 : i32
        scf.if %cond3A_282 {
          %sub3A = arith.constant 4 : i32
          %sub3A_289 = arith.subi %add3A_190, %sub3A : i32
          %dma_wait3A_290 = arith.constant 0 : i32
          %dma_wait3A_291 = arith.constant 0 : i32
          %dma_wait3A_292 = tpu.memref_slice %arg12[%dma_wait3A_290, %dma_wait3A_291] : memref<64x129xf32, #tpu.memory_space<vmem>> -> memref<64x128xf32, #tpu.memory_space<vmem>>
          %dma_wait3A_293 = arith.constant 0 : i32
          %dma_wait3A_294 = tpu.memref_slice %arg5[%sub3A_289, %dma_wait3A_293, %mul3A_2] : memref<200x64x4096xf32, #tpu.memory_space<hbm>> -> memref<1x64x128xf32, #tpu.memory_space<hbm>>
          %dma_wait3A_295 = tpu.memref_squeeze %dma_wait3A_294 : memref<1x64x128xf32, #tpu.memory_space<hbm>> -> memref<64x128xf32, #tpu.memory_space<hbm>>
          %dma_wait3A_296 = arith.constant 0 : i32
          %dma_wait3A_297 = tpu.memref_slice %arg5[%sub3A_289, %dma_wait3A_296, %mul3A_2] : memref<200x64x4096xf32, #tpu.memory_space<hbm>> -> memref<1x64x128xf32, #tpu.memory_space<hbm>>
          %dma_wait3A_298 = tpu.memref_squeeze %dma_wait3A_297 : memref<1x64x128xf32, #tpu.memory_space<hbm>> -> memref<64x128xf32, #tpu.memory_space<hbm>>
          %dma_wait3A_299 = arith.constant 0 : i32
          %dma_wait3A_300 = arith.constant 0 : i32
          %dma_wait3A_301 = tpu.memref_slice %arg12[%dma_wait3A_299, %dma_wait3A_300] : memref<64x129xf32, #tpu.memory_space<vmem>> -> memref<64x128xf32, #tpu.memory_space<vmem>>
          tpu.wait_dma2 semaphore(%arg21 : memref<!tpu.dma_semaphore, #tpu.memory_space<semaphore_mem>>) src(%dma_wait3A_301 : memref<64x128xf32, #tpu.memory_space<vmem>>) dst(%dma_wait3A_298 : memref<64x128xf32, #tpu.memory_space<hbm>>)
        } else {
        }
        %dma_start3A_283 = arith.constant 0 : i32
        %dma_start3A_284 = tpu.memref_slice %arg10[%add3A_190, %dma_start3A_283] : memref<200x128xi32, #tpu.memory_space<vmem>> -> memref<1x128xi32, #tpu.memory_space<vmem>>
        %dma_start3A_285 = tpu.memref_squeeze %dma_start3A_284 : memref<1x128xi32, #tpu.memory_space<vmem>> -> memref<128xi32, #tpu.memory_space<vmem>>
        %dma_start3A_286 = arith.constant 0 : i32
        %dma_start3A_287 = arith.constant 0 : i32
        %dma_start3A_288 = tpu.memref_slice %arg3[%dma_start3A_286, %dma_start3A_287] : memref<1000000x64xf32, #tpu.memory_space<hbm>> -> memref<1000000x64xf32, #tpu.memory_space<hbm>>
        tpu.enqueue_indirect_dma source(%dma_start3A_288 : memref<1000000x64xf32, #tpu.memory_space<hbm>>) target(%arg17 : memref<128x64xf32, #tpu.memory_space<vmem>>) offsets(%dma_start3A_285 : memref<128xi32, #tpu.memory_space<vmem>>) semaphore(%arg7 : memref<!tpu.dma_semaphore, #tpu.memory_space<semaphore_mem>>)
      } else {
      }
      %dma_wait3A_196 = arith.constant 0 : i32
      %dma_wait3A_197 = tpu.memref_slice %arg10[%add3A_188, %dma_wait3A_196] : memref<200x128xi32, #tpu.memory_space<vmem>> -> memref<1x128xi32, #tpu.memory_space<vmem>>
      %dma_wait3A_198 = tpu.memref_squeeze %dma_wait3A_197 : memref<1x128xi32, #tpu.memory_space<vmem>> -> memref<128xi32, #tpu.memory_space<vmem>>
      %dma_wait3A_199 = arith.constant 0 : i32
      %dma_wait3A_200 = arith.constant 0 : i32
      %dma_wait3A_201 = tpu.memref_slice %arg3[%dma_wait3A_199, %dma_wait3A_200] : memref<1000000x64xf32, #tpu.memory_space<hbm>> -> memref<1000000x64xf32, #tpu.memory_space<hbm>>
      tpu.wait_indirect_dma semaphore(%arg8 : memref<!tpu.dma_semaphore, #tpu.memory_space<semaphore_mem>>) src(%dma_wait3A_201 : memref<1000000x64xf32, #tpu.memory_space<hbm>>) dst(%arg18 : memref<128x64xf32, #tpu.memory_space<vmem>>)
      %get3A_202 = arith.index_cast %add3A_188 : i32 to index
      %get3A_203 = arith.constant 0 : index
      %get3A_204 = tpu.vector_load %arg15[%get3A_202, %get3A_203] {strides = array<i32>} : memref<200x64xf32, #tpu.memory_space<vmem>>, vector<16xf32>,
      %get3A_205 = arith.index_cast %add3A_188 : i32 to index
      %get3A_206 = arith.constant 16 : index
      %get3A_207 = tpu.vector_load %arg15[%get3A_205, %get3A_206] {strides = array<i32>} : memref<200x64xf32, #tpu.memory_space<vmem>>, vector<16xf32>,
      %get3A_208 = arith.index_cast %add3A_188 : i32 to index
      %get3A_209 = arith.constant 32 : index
      %get3A_210 = tpu.vector_load %arg15[%get3A_208, %get3A_209] {strides = array<i32>} : memref<200x64xf32, #tpu.memory_space<vmem>>, vector<16xf32>,
      %get3A_211 = arith.index_cast %add3A_188 : i32 to index
      %get3A_212 = arith.constant 48 : index
      %get3A_213 = tpu.vector_load %arg15[%get3A_211, %get3A_212] {strides = array<i32>} : memref<200x64xf32, #tpu.memory_space<vmem>>, vector<16xf32>,
      %scan3A_214 = arith.constant 0 : i32
      %scan3A_215 = arith.constant 0 : i32
      %scan3A_216 = arith.constant 128 : i32
      %scan3A_217 = arith.addi %scan3A_215, %scan3A_216 : i32
      %scan3A_218 = arith.constant 8 : i32
      scf.for %scan3A_279 = %scan3A_215 to %scan3A_217 step %scan3A_218  : i32 {
        %broadcast_in_dim3A = vector.broadcast %scan3A_279 : i32 to vector<16xi32>
        %get3A_280 = arith.index_cast %scan3A_279 : i32 to index
        %get3A_281 = arith.constant 0 : index
        %get3A_282 = tpu.vector_load %arg18[%get3A_280, %get3A_281] {strides = array<i32>} : memref<128x64xf32, #tpu.memory_space<vmem>>, vector<16xf32>,
        %add3A_283 = arith.addf %get3A_282, %get3A_204 : vector<16xf32>
        tpu.vector_store_idx %arg13[%add3A_5, %broadcast_in_dim3A], %add3A_283 : memref<64x129xf32, #tpu.memory_space<vmem>>[vector<16xi32>, vector<16xi32>], vector<16xf32>,
        %get3A_284 = arith.index_cast %scan3A_279 : i32 to index
        %get3A_285 = arith.constant 16 : index
        %get3A_286 = tpu.vector_load %arg18[%get3A_284, %get3A_285] {strides = array<i32>} : memref<128x64xf32, #tpu.memory_space<vmem>>, vector<16xf32>,
        %add3A_287 = arith.addf %get3A_286, %get3A_207 : vector<16xf32>
        tpu.vector_store_idx %arg13[%add3A_9, %broadcast_in_dim3A], %add3A_287 : memref<64x129xf32, #tpu.memory_space<vmem>>[vector<16xi32>, vector<16xi32>], vector<16xf32>,
        %get3A_288 = arith.index_cast %scan3A_279 : i32 to index
        %get3A_289 = arith.constant 32 : index
        %get3A_290 = tpu.vector_load %arg18[%get3A_288, %get3A_289] {strides = array<i32>} : memref<128x64xf32, #tpu.memory_space<vmem>>, vector<16xf32>,
        %add3A_291 = arith.addf %get3A_290, %get3A_210 : vector<16xf32>
        tpu.vector_store_idx %arg13[%add3A_13, %broadcast_in_dim3A], %add3A_291 : memref<64x129xf32, #tpu.memory_space<vmem>>[vector<16xi32>, vector<16xi32>], vector<16xf32>,
        %get3A_292 = arith.index_cast %scan3A_279 : i32 to index
        %get3A_293 = arith.constant 48 : index
        %get3A_294 = tpu.vector_load %arg18[%get3A_292, %get3A_293] {strides = array<i32>} : memref<128x64xf32, #tpu.memory_space<vmem>>, vector<16xf32>,
        %add3A_295 = arith.addf %get3A_294, %get3A_213 : vector<16xf32>
        tpu.vector_store_idx %arg13[%add3A_17, %broadcast_in_dim3A], %add3A_295 : memref<64x129xf32, #tpu.memory_space<vmem>>[vector<16xi32>, vector<16xi32>], vector<16xf32>,
        %scan3A_296 = arith.constant 1 : i32
        %scan3A_297 = arith.addi %scan3A_279, %scan3A_296 : i32
        %broadcast_in_dim3A_298 = vector.broadcast %scan3A_297 : i32 to vector<16xi32>
        %get3A_299 = arith.index_cast %scan3A_297 : i32 to index
        %get3A_300 = arith.constant 0 : index
        %get3A_301 = tpu.vector_load %arg18[%get3A_299, %get3A_300] {strides = array<i32>} : memref<128x64xf32, #tpu.memory_space<vmem>>, vector<16xf32>,
        %add3A_302 = arith.addf %get3A_301, %get3A_204 : vector<16xf32>
        tpu.vector_store_idx %arg13[%add3A_5, %broadcast_in_dim3A_298], %add3A_302 : memref<64x129xf32, #tpu.memory_space<vmem>>[vector<16xi32>, vector<16xi32>], vector<16xf32>,
        %get3A_303 = arith.index_cast %scan3A_297 : i32 to index
        %get3A_304 = arith.constant 16 : index
        %get3A_305 = tpu.vector_load %arg18[%get3A_303, %get3A_304] {strides = array<i32>} : memref<128x64xf32, #tpu.memory_space<vmem>>, vector<16xf32>,
        %add3A_306 = arith.addf %get3A_305, %get3A_207 : vector<16xf32>
        tpu.vector_store_idx %arg13[%add3A_9, %broadcast_in_dim3A_298], %add3A_306 : memref<64x129xf32, #tpu.memory_space<vmem>>[vector<16xi32>, vector<16xi32>], vector<16xf32>,
        %get3A_307 = arith.index_cast %scan3A_297 : i32 to index
        %get3A_308 = arith.constant 32 : index
        %get3A_309 = tpu.vector_load %arg18[%get3A_307, %get3A_308] {strides = array<i32>} : memref<128x64xf32, #tpu.memory_space<vmem>>, vector<16xf32>,
        %add3A_310 = arith.addf %get3A_309, %get3A_210 : vector<16xf32>
        tpu.vector_store_idx %arg13[%add3A_13, %broadcast_in_dim3A_298], %add3A_310 : memref<64x129xf32, #tpu.memory_space<vmem>>[vector<16xi32>, vector<16xi32>], vector<16xf32>,
        %get3A_311 = arith.index_cast %scan3A_297 : i32 to index
        %get3A_312 = arith.constant 48 : index
        %get3A_313 = tpu.vector_load %arg18[%get3A_311, %get3A_312] {strides = array<i32>} : memref<128x64xf32, #tpu.memory_space<vmem>>, vector<16xf32>,
        %add3A_314 = arith.addf %get3A_313, %get3A_213 : vector<16xf32>
        tpu.vector_store_idx %arg13[%add3A_17, %broadcast_in_dim3A_298], %add3A_314 : memref<64x129xf32, #tpu.memory_space<vmem>>[vector<16xi32>, vector<16xi32>], vector<16xf32>,
        %scan3A_315 = arith.constant 2 : i32
        %scan3A_316 = arith.addi %scan3A_279, %scan3A_315 : i32
        %broadcast_in_dim3A_317 = vector.broadcast %scan3A_316 : i32 to vector<16xi32>
        %get3A_318 = arith.index_cast %scan3A_316 : i32 to index
        %get3A_319 = arith.constant 0 : index
        %get3A_320 = tpu.vector_load %arg18[%get3A_318, %get3A_319] {strides = array<i32>} : memref<128x64xf32, #tpu.memory_space<vmem>>, vector<16xf32>,
        %add3A_321 = arith.addf %get3A_320, %get3A_204 : vector<16xf32>
        tpu.vector_store_idx %arg13[%add3A_5, %broadcast_in_dim3A_317], %add3A_321 : memref<64x129xf32, #tpu.memory_space<vmem>>[vector<16xi32>, vector<16xi32>], vector<16xf32>,
        %get3A_322 = arith.index_cast %scan3A_316 : i32 to index
        %get3A_323 = arith.constant 16 : index
        %get3A_324 = tpu.vector_load %arg18[%get3A_322, %get3A_323] {strides = array<i32>} : memref<128x64xf32, #tpu.memory_space<vmem>>, vector<16xf32>,
        %add3A_325 = arith.addf %get3A_324, %get3A_207 : vector<16xf32>
        tpu.vector_store_idx %arg13[%add3A_9, %broadcast_in_dim3A_317], %add3A_325 : memref<64x129xf32, #tpu.memory_space<vmem>>[vector<16xi32>, vector<16xi32>], vector<16xf32>,
        %get3A_326 = arith.index_cast %scan3A_316 : i32 to index
        %get3A_327 = arith.constant 32 : index
        %get3A_328 = tpu.vector_load %arg18[%get3A_326, %get3A_327] {strides = array<i32>} : memref<128x64xf32, #tpu.memory_space<vmem>>, vector<16xf32>,
        %add3A_329 = arith.addf %get3A_328, %get3A_210 : vector<16xf32>
        tpu.vector_store_idx %arg13[%add3A_13, %broadcast_in_dim3A_317], %add3A_329 : memref<64x129xf32, #tpu.memory_space<vmem>>[vector<16xi32>, vector<16xi32>], vector<16xf32>,
        %get3A_330 = arith.index_cast %scan3A_316 : i32 to index
        %get3A_331 = arith.constant 48 : index
        %get3A_332 = tpu.vector_load %arg18[%get3A_330, %get3A_331] {strides = array<i32>} : memref<128x64xf32, #tpu.memory_space<vmem>>, vector<16xf32>,
        %add3A_333 = arith.addf %get3A_332, %get3A_213 : vector<16xf32>
        tpu.vector_store_idx %arg13[%add3A_17, %broadcast_in_dim3A_317], %add3A_333 : memref<64x129xf32, #tpu.memory_space<vmem>>[vector<16xi32>, vector<16xi32>], vector<16xf32>,
        %scan3A_334 = arith.constant 3 : i32
        %scan3A_335 = arith.addi %scan3A_279, %scan3A_334 : i32
        %broadcast_in_dim3A_336 = vector.broadcast %scan3A_335 : i32 to vector<16xi32>
        %get3A_337 = arith.index_cast %scan3A_335 : i32 to index
        %get3A_338 = arith.constant 0 : index
        %get3A_339 = tpu.vector_load %arg18[%get3A_337, %get3A_338] {strides = array<i32>} : memref<128x64xf32, #tpu.memory_space<vmem>>, vector<16xf32>,
        %add3A_340 = arith.addf %get3A_339, %get3A_204 : vector<16xf32>
        tpu.vector_store_idx %arg13[%add3A_5, %broadcast_in_dim3A_336], %add3A_340 : memref<64x129xf32, #tpu.memory_space<vmem>>[vector<16xi32>, vector<16xi32>], vector<16xf32>,
        %get3A_341 = arith.index_cast %scan3A_335 : i32 to index
        %get3A_342 = arith.constant 16 : index
        %get3A_343 = tpu.vector_load %arg18[%get3A_341, %get3A_342] {strides = array<i32>} : memref<128x64xf32, #tpu.memory_space<vmem>>, vector<16xf32>,
        %add3A_344 = arith.addf %get3A_343, %get3A_207 : vector<16xf32>
        tpu.vector_store_idx %arg13[%add3A_9, %broadcast_in_dim3A_336], %add3A_344 : memref<64x129xf32, #tpu.memory_space<vmem>>[vector<16xi32>, vector<16xi32>], vector<16xf32>,
        %get3A_345 = arith.index_cast %scan3A_335 : i32 to index
        %get3A_346 = arith.constant 32 : index
        %get3A_347 = tpu.vector_load %arg18[%get3A_345, %get3A_346] {strides = array<i32>} : memref<128x64xf32, #tpu.memory_space<vmem>>, vector<16xf32>,
        %add3A_348 = arith.addf %get3A_347, %get3A_210 : vector<16xf32>
        tpu.vector_store_idx %arg13[%add3A_13, %broadcast_in_dim3A_336], %add3A_348 : memref<64x129xf32, #tpu.memory_space<vmem>>[vector<16xi32>, vector<16xi32>], vector<16xf32>,
        %get3A_349 = arith.index_cast %scan3A_335 : i32 to index
        %get3A_350 = arith.constant 48 : index
        %get3A_351 = tpu.vector_load %arg18[%get3A_349, %get3A_350] {strides = array<i32>} : memref<128x64xf32, #tpu.memory_space<vmem>>, vector<16xf32>,
        %add3A_352 = arith.addf %get3A_351, %get3A_213 : vector<16xf32>
        tpu.vector_store_idx %arg13[%add3A_17, %broadcast_in_dim3A_336], %add3A_352 : memref<64x129xf32, #tpu.memory_space<vmem>>[vector<16xi32>, vector<16xi32>], vector<16xf32>,
        %scan3A_353 = arith.constant 4 : i32
        %scan3A_354 = arith.addi %scan3A_279, %scan3A_353 : i32
        %broadcast_in_dim3A_355 = vector.broadcast %scan3A_354 : i32 to vector<16xi32>
        %get3A_356 = arith.index_cast %scan3A_354 : i32 to index
        %get3A_357 = arith.constant 0 : index
        %get3A_358 = tpu.vector_load %arg18[%get3A_356, %get3A_357] {strides = array<i32>} : memref<128x64xf32, #tpu.memory_space<vmem>>, vector<16xf32>,
        %add3A_359 = arith.addf %get3A_358, %get3A_204 : vector<16xf32>
        tpu.vector_store_idx %arg13[%add3A_5, %broadcast_in_dim3A_355], %add3A_359 : memref<64x129xf32, #tpu.memory_space<vmem>>[vector<16xi32>, vector<16xi32>], vector<16xf32>,
        %get3A_360 = arith.index_cast %scan3A_354 : i32 to index
        %get3A_361 = arith.constant 16 : index
        %get3A_362 = tpu.vector_load %arg18[%get3A_360, %get3A_361] {strides = array<i32>} : memref<128x64xf32, #tpu.memory_space<vmem>>, vector<16xf32>,
        %add3A_363 = arith.addf %get3A_362, %get3A_207 : vector<16xf32>
        tpu.vector_store_idx %arg13[%add3A_9, %broadcast_in_dim3A_355], %add3A_363 : memref<64x129xf32, #tpu.memory_space<vmem>>[vector<16xi32>, vector<16xi32>], vector<16xf32>,
        %get3A_364 = arith.index_cast %scan3A_354 : i32 to index
        %get3A_365 = arith.constant 32 : index
        %get3A_366 = tpu.vector_load %arg18[%get3A_364, %get3A_365] {strides = array<i32>} : memref<128x64xf32, #tpu.memory_space<vmem>>, vector<16xf32>,
        %add3A_367 = arith.addf %get3A_366, %get3A_210 : vector<16xf32>
        tpu.vector_store_idx %arg13[%add3A_13, %broadcast_in_dim3A_355], %add3A_367 : memref<64x129xf32, #tpu.memory_space<vmem>>[vector<16xi32>, vector<16xi32>], vector<16xf32>,
        %get3A_368 = arith.index_cast %scan3A_354 : i32 to index
        %get3A_369 = arith.constant 48 : index
        %get3A_370 = tpu.vector_load %arg18[%get3A_368, %get3A_369] {strides = array<i32>} : memref<128x64xf32, #tpu.memory_space<vmem>>, vector<16xf32>,
        %add3A_371 = arith.addf %get3A_370, %get3A_213 : vector<16xf32>
        tpu.vector_store_idx %arg13[%add3A_17, %broadcast_in_dim3A_355], %add3A_371 : memref<64x129xf32, #tpu.memory_space<vmem>>[vector<16xi32>, vector<16xi32>], vector<16xf32>,
        %scan3A_372 = arith.constant 5 : i32
        %scan3A_373 = arith.addi %scan3A_279, %scan3A_372 : i32
        %broadcast_in_dim3A_374 = vector.broadcast %scan3A_373 : i32 to vector<16xi32>
        %get3A_375 = arith.index_cast %scan3A_373 : i32 to index
        %get3A_376 = arith.constant 0 : index
        %get3A_377 = tpu.vector_load %arg18[%get3A_375, %get3A_376] {strides = array<i32>} : memref<128x64xf32, #tpu.memory_space<vmem>>, vector<16xf32>,
        %add3A_378 = arith.addf %get3A_377, %get3A_204 : vector<16xf32>
        tpu.vector_store_idx %arg13[%add3A_5, %broadcast_in_dim3A_374], %add3A_378 : memref<64x129xf32, #tpu.memory_space<vmem>>[vector<16xi32>, vector<16xi32>], vector<16xf32>,
        %get3A_379 = arith.index_cast %scan3A_373 : i32 to index
        %get3A_380 = arith.constant 16 : index
        %get3A_381 = tpu.vector_load %arg18[%get3A_379, %get3A_380] {strides = array<i32>} : memref<128x64xf32, #tpu.memory_space<vmem>>, vector<16xf32>,
        %add3A_382 = arith.addf %get3A_381, %get3A_207 : vector<16xf32>
        tpu.vector_store_idx %arg13[%add3A_9, %broadcast_in_dim3A_374], %add3A_382 : memref<64x129xf32, #tpu.memory_space<vmem>>[vector<16xi32>, vector<16xi32>], vector<16xf32>,
        %get3A_383 = arith.index_cast %scan3A_373 : i32 to index
        %get3A_384 = arith.constant 32 : index
        %get3A_385 = tpu.vector_load %arg18[%get3A_383, %get3A_384] {strides = array<i32>} : memref<128x64xf32, #tpu.memory_space<vmem>>, vector<16xf32>,
        %add3A_386 = arith.addf %get3A_385, %get3A_210 : vector<16xf32>
        tpu.vector_store_idx %arg13[%add3A_13, %broadcast_in_dim3A_374], %add3A_386 : memref<64x129xf32, #tpu.memory_space<vmem>>[vector<16xi32>, vector<16xi32>], vector<16xf32>,
        %get3A_387 = arith.index_cast %scan3A_373 : i32 to index
        %get3A_388 = arith.constant 48 : index
        %get3A_389 = tpu.vector_load %arg18[%get3A_387, %get3A_388] {strides = array<i32>} : memref<128x64xf32, #tpu.memory_space<vmem>>, vector<16xf32>,
        %add3A_390 = arith.addf %get3A_389, %get3A_213 : vector<16xf32>
        tpu.vector_store_idx %arg13[%add3A_17, %broadcast_in_dim3A_374], %add3A_390 : memref<64x129xf32, #tpu.memory_space<vmem>>[vector<16xi32>, vector<16xi32>], vector<16xf32>,
        %scan3A_391 = arith.constant 6 : i32
        %scan3A_392 = arith.addi %scan3A_279, %scan3A_391 : i32
        %broadcast_in_dim3A_393 = vector.broadcast %scan3A_392 : i32 to vector<16xi32>
        %get3A_394 = arith.index_cast %scan3A_392 : i32 to index
        %get3A_395 = arith.constant 0 : index
        %get3A_396 = tpu.vector_load %arg18[%get3A_394, %get3A_395] {strides = array<i32>} : memref<128x64xf32, #tpu.memory_space<vmem>>, vector<16xf32>,
        %add3A_397 = arith.addf %get3A_396, %get3A_204 : vector<16xf32>
        tpu.vector_store_idx %arg13[%add3A_5, %broadcast_in_dim3A_393], %add3A_397 : memref<64x129xf32, #tpu.memory_space<vmem>>[vector<16xi32>, vector<16xi32>], vector<16xf32>,
        %get3A_398 = arith.index_cast %scan3A_392 : i32 to index
        %get3A_399 = arith.constant 16 : index
        %get3A_400 = tpu.vector_load %arg18[%get3A_398, %get3A_399] {strides = array<i32>} : memref<128x64xf32, #tpu.memory_space<vmem>>, vector<16xf32>,
        %add3A_401 = arith.addf %get3A_400, %get3A_207 : vector<16xf32>
        tpu.vector_store_idx %arg13[%add3A_9, %broadcast_in_dim3A_393], %add3A_401 : memref<64x129xf32, #tpu.memory_space<vmem>>[vector<16xi32>, vector<16xi32>], vector<16xf32>,
        %get3A_402 = arith.index_cast %scan3A_392 : i32 to index
        %get3A_403 = arith.constant 32 : index
        %get3A_404 = tpu.vector_load %arg18[%get3A_402, %get3A_403] {strides = array<i32>} : memref<128x64xf32, #tpu.memory_space<vmem>>, vector<16xf32>,
        %add3A_405 = arith.addf %get3A_404, %get3A_210 : vector<16xf32>
        tpu.vector_store_idx %arg13[%add3A_13, %broadcast_in_dim3A_393], %add3A_405 : memref<64x129xf32, #tpu.memory_space<vmem>>[vector<16xi32>, vector<16xi32>], vector<16xf32>,
        %get3A_406 = arith.index_cast %scan3A_392 : i32 to index
        %get3A_407 = arith.constant 48 : index
        %get3A_408 = tpu.vector_load %arg18[%get3A_406, %get3A_407] {strides = array<i32>} : memref<128x64xf32, #tpu.memory_space<vmem>>, vector<16xf32>,
        %add3A_409 = arith.addf %get3A_408, %get3A_213 : vector<16xf32>
        tpu.vector_store_idx %arg13[%add3A_17, %broadcast_in_dim3A_393], %add3A_409 : memref<64x129xf32, #tpu.memory_space<vmem>>[vector<16xi32>, vector<16xi32>], vector<16xf32>,
        %scan3A_410 = arith.constant 7 : i32
        %scan3A_411 = arith.addi %scan3A_279, %scan3A_410 : i32
        %broadcast_in_dim3A_412 = vector.broadcast %scan3A_411 : i32 to vector<16xi32>
        %get3A_413 = arith.index_cast %scan3A_411 : i32 to index
        %get3A_414 = arith.constant 0 : index
        %get3A_415 = tpu.vector_load %arg18[%get3A_413, %get3A_414] {strides = array<i32>} : memref<128x64xf32, #tpu.memory_space<vmem>>, vector<16xf32>,
        %add3A_416 = arith.addf %get3A_415, %get3A_204 : vector<16xf32>
        tpu.vector_store_idx %arg13[%add3A_5, %broadcast_in_dim3A_412], %add3A_416 : memref<64x129xf32, #tpu.memory_space<vmem>>[vector<16xi32>, vector<16xi32>], vector<16xf32>,
        %get3A_417 = arith.index_cast %scan3A_411 : i32 to index
        %get3A_418 = arith.constant 16 : index
        %get3A_419 = tpu.vector_load %arg18[%get3A_417, %get3A_418] {strides = array<i32>} : memref<128x64xf32, #tpu.memory_space<vmem>>, vector<16xf32>,
        %add3A_420 = arith.addf %get3A_419, %get3A_207 : vector<16xf32>
        tpu.vector_store_idx %arg13[%add3A_9, %broadcast_in_dim3A_412], %add3A_420 : memref<64x129xf32, #tpu.memory_space<vmem>>[vector<16xi32>, vector<16xi32>], vector<16xf32>,
        %get3A_421 = arith.index_cast %scan3A_411 : i32 to index
        %get3A_422 = arith.constant 32 : index
        %get3A_423 = tpu.vector_load %arg18[%get3A_421, %get3A_422] {strides = array<i32>} : memref<128x64xf32, #tpu.memory_space<vmem>>, vector<16xf32>,
        %add3A_424 = arith.addf %get3A_423, %get3A_210 : vector<16xf32>
        tpu.vector_store_idx %arg13[%add3A_13, %broadcast_in_dim3A_412], %add3A_424 : memref<64x129xf32, #tpu.memory_space<vmem>>[vector<16xi32>, vector<16xi32>], vector<16xf32>,
        %get3A_425 = arith.index_cast %scan3A_411 : i32 to index
        %get3A_426 = arith.constant 48 : index
        %get3A_427 = tpu.vector_load %arg18[%get3A_425, %get3A_426] {strides = array<i32>} : memref<128x64xf32, #tpu.memory_space<vmem>>, vector<16xf32>,
        %add3A_428 = arith.addf %get3A_427, %get3A_213 : vector<16xf32>
        tpu.vector_store_idx %arg13[%add3A_17, %broadcast_in_dim3A_412], %add3A_428 : memref<64x129xf32, #tpu.memory_space<vmem>>[vector<16xi32>, vector<16xi32>], vector<16xf32>,
      }
      %scan3A_219 = arith.constant 128 : i32
      %dma_start3A_220 = arith.constant 0 : i32
      %dma_start3A_221 = arith.constant 0 : i32
      %dma_start3A_222 = tpu.memref_slice %arg13[%dma_start3A_220, %dma_start3A_221] : memref<64x129xf32, #tpu.memory_space<vmem>> -> memref<64x128xf32, #tpu.memory_space<vmem>>
      %dma_start3A_223 = arith.constant 0 : i32
      %dma_start3A_224 = tpu.memref_slice %arg5[%add3A_188, %dma_start3A_223, %mul3A_2] : memref<200x64x4096xf32, #tpu.memory_space<hbm>> -> memref<1x64x128xf32, #tpu.memory_space<hbm>>
      %dma_start3A_225 = tpu.memref_squeeze %dma_start3A_224 : memref<1x64x128xf32, #tpu.memory_space<hbm>> -> memref<64x128xf32, #tpu.memory_space<hbm>>
      %dma_start3A_226 = arith.constant 0 : i32
      %dma_start3A_227 = tpu.memref_slice %arg5[%add3A_188, %dma_start3A_226, %mul3A_2] : memref<200x64x4096xf32, #tpu.memory_space<hbm>> -> memref<1x64x128xf32, #tpu.memory_space<hbm>>
      %dma_start3A_228 = tpu.memref_squeeze %dma_start3A_227 : memref<1x64x128xf32, #tpu.memory_space<hbm>> -> memref<64x128xf32, #tpu.memory_space<hbm>>
      %dma_start3A_229 = arith.constant 0 : i32
      %dma_start3A_230 = arith.constant 0 : i32
      %dma_start3A_231 = tpu.memref_slice %arg13[%dma_start3A_229, %dma_start3A_230] : memref<64x129xf32, #tpu.memory_space<vmem>> -> memref<64x128xf32, #tpu.memory_space<vmem>>
      tpu.enqueue_dma source(%dma_start3A_231 : memref<64x128xf32, #tpu.memory_space<vmem>>) target(%dma_start3A_228 : memref<64x128xf32, #tpu.memory_space<hbm>>) target_semaphore(%arg22 : memref<!tpu.dma_semaphore, #tpu.memory_space<semaphore_mem>>)
      %mul3A_232 = arith.constant 4 : i32
      %mul3A_233 = arith.muli %scan3A_94, %mul3A_232 : i32
      %add3A_234 = arith.constant 3 : i32
      %add3A_235 = arith.addi %mul3A_233, %add3A_234 : i32
      %add3A_236 = arith.constant 3 : i32
      %add3A_237 = arith.addi %add3A_235, %add3A_236 : i32
      %lt3A_238 = arith.constant 200 : i32
      %lt3A_239 = arith.cmpi slt, %add3A_237, %lt3A_238 : i32
      %convert_element_type3A_240 = arith.extui %lt3A_239 : i1 to i32
      %cond3A_241 = arith.constant 0 : i32
      %cond3A_242 = arith.cmpi ne, %convert_element_type3A_240, %cond3A_241 : i32
      scf.if %cond3A_242 {
        %ge3A = arith.constant 4 : i32
        %ge3A_279 = arith.cmpi sge, %add3A_237, %ge3A : i32
        %convert_element_type3A_280 = arith.extui %ge3A_279 : i1 to i32
        %cond3A_281 = arith.constant 0 : i32
        %cond3A_282 = arith.cmpi ne, %convert_element_type3A_280, %cond3A_281 : i32
        scf.if %cond3A_282 {
          %sub3A = arith.constant 4 : i32
          %sub3A_289 = arith.subi %add3A_237, %sub3A : i32
          %dma_wait3A_290 = arith.constant 0 : i32
          %dma_wait3A_291 = arith.constant 0 : i32
          %dma_wait3A_292 = tpu.memref_slice %arg13[%dma_wait3A_290, %dma_wait3A_291] : memref<64x129xf32, #tpu.memory_space<vmem>> -> memref<64x128xf32, #tpu.memory_space<vmem>>
          %dma_wait3A_293 = arith.constant 0 : i32
          %dma_wait3A_294 = tpu.memref_slice %arg5[%sub3A_289, %dma_wait3A_293, %mul3A_2] : memref<200x64x4096xf32, #tpu.memory_space<hbm>> -> memref<1x64x128xf32, #tpu.memory_space<hbm>>
          %dma_wait3A_295 = tpu.memref_squeeze %dma_wait3A_294 : memref<1x64x128xf32, #tpu.memory_space<hbm>> -> memref<64x128xf32, #tpu.memory_space<hbm>>
          %dma_wait3A_296 = arith.constant 0 : i32
          %dma_wait3A_297 = tpu.memref_slice %arg5[%sub3A_289, %dma_wait3A_296, %mul3A_2] : memref<200x64x4096xf32, #tpu.memory_space<hbm>> -> memref<1x64x128xf32, #tpu.memory_space<hbm>>
          %dma_wait3A_298 = tpu.memref_squeeze %dma_wait3A_297 : memref<1x64x128xf32, #tpu.memory_space<hbm>> -> memref<64x128xf32, #tpu.memory_space<hbm>>
          %dma_wait3A_299 = arith.constant 0 : i32
          %dma_wait3A_300 = arith.constant 0 : i32
          %dma_wait3A_301 = tpu.memref_slice %arg13[%dma_wait3A_299, %dma_wait3A_300] : memref<64x129xf32, #tpu.memory_space<vmem>> -> memref<64x128xf32, #tpu.memory_space<vmem>>
          tpu.wait_dma2 semaphore(%arg22 : memref<!tpu.dma_semaphore, #tpu.memory_space<semaphore_mem>>) src(%dma_wait3A_301 : memref<64x128xf32, #tpu.memory_space<vmem>>) dst(%dma_wait3A_298 : memref<64x128xf32, #tpu.memory_space<hbm>>)
        } else {
        }
        %dma_start3A_283 = arith.constant 0 : i32
        %dma_start3A_284 = tpu.memref_slice %arg10[%add3A_237, %dma_start3A_283] : memref<200x128xi32, #tpu.memory_space<vmem>> -> memref<1x128xi32, #tpu.memory_space<vmem>>
        %dma_start3A_285 = tpu.memref_squeeze %dma_start3A_284 : memref<1x128xi32, #tpu.memory_space<vmem>> -> memref<128xi32, #tpu.memory_space<vmem>>
        %dma_start3A_286 = arith.constant 0 : i32
        %dma_start3A_287 = arith.constant 0 : i32
        %dma_start3A_288 = tpu.memref_slice %arg3[%dma_start3A_286, %dma_start3A_287] : memref<1000000x64xf32, #tpu.memory_space<hbm>> -> memref<1000000x64xf32, #tpu.memory_space<hbm>>
        tpu.enqueue_indirect_dma source(%dma_start3A_288 : memref<1000000x64xf32, #tpu.memory_space<hbm>>) target(%arg18 : memref<128x64xf32, #tpu.memory_space<vmem>>) offsets(%dma_start3A_285 : memref<128xi32, #tpu.memory_space<vmem>>) semaphore(%arg8 : memref<!tpu.dma_semaphore, #tpu.memory_space<semaphore_mem>>)
      } else {
      }
      %dma_wait3A_243 = arith.constant 0 : i32
      %dma_wait3A_244 = tpu.memref_slice %arg10[%add3A_235, %dma_wait3A_243] : memref<200x128xi32, #tpu.memory_space<vmem>> -> memref<1x128xi32, #tpu.memory_space<vmem>>
      %dma_wait3A_245 = tpu.memref_squeeze %dma_wait3A_244 : memref<1x128xi32, #tpu.memory_space<vmem>> -> memref<128xi32, #tpu.memory_space<vmem>>
      %dma_wait3A_246 = arith.constant 0 : i32
      %dma_wait3A_247 = arith.constant 0 : i32
      %dma_wait3A_248 = tpu.memref_slice %arg3[%dma_wait3A_246, %dma_wait3A_247] : memref<1000000x64xf32, #tpu.memory_space<hbm>> -> memref<1000000x64xf32, #tpu.memory_space<hbm>>
      tpu.wait_indirect_dma semaphore(%arg9 : memref<!tpu.dma_semaphore, #tpu.memory_space<semaphore_mem>>) src(%dma_wait3A_248 : memref<1000000x64xf32, #tpu.memory_space<hbm>>) dst(%arg19 : memref<128x64xf32, #tpu.memory_space<vmem>>)
      %get3A_249 = arith.index_cast %add3A_235 : i32 to index
      %get3A_250 = arith.constant 0 : index
      %get3A_251 = tpu.vector_load %arg15[%get3A_249, %get3A_250] {strides = array<i32>} : memref<200x64xf32, #tpu.memory_space<vmem>>, vector<16xf32>,
      %get3A_252 = arith.index_cast %add3A_235 : i32 to index
      %get3A_253 = arith.constant 16 : index
      %get3A_254 = tpu.vector_load %arg15[%get3A_252, %get3A_253] {strides = array<i32>} : memref<200x64xf32, #tpu.memory_space<vmem>>, vector<16xf32>,
      %get3A_255 = arith.index_cast %add3A_235 : i32 to index
      %get3A_256 = arith.constant 32 : index
      %get3A_257 = tpu.vector_load %arg15[%get3A_255, %get3A_256] {strides = array<i32>} : memref<200x64xf32, #tpu.memory_space<vmem>>, vector<16xf32>,
      %get3A_258 = arith.index_cast %add3A_235 : i32 to index
      %get3A_259 = arith.constant 48 : index
      %get3A_260 = tpu.vector_load %arg15[%get3A_258, %get3A_259] {strides = array<i32>} : memref<200x64xf32, #tpu.memory_space<vmem>>, vector<16xf32>,
      %scan3A_261 = arith.constant 0 : i32
      %scan3A_262 = arith.constant 0 : i32
      %scan3A_263 = arith.constant 128 : i32
      %scan3A_264 = arith.addi %scan3A_262, %scan3A_263 : i32
      %scan3A_265 = arith.constant 8 : i32
      scf.for %scan3A_279 = %scan3A_262 to %scan3A_264 step %scan3A_265  : i32 {
        %broadcast_in_dim3A = vector.broadcast %scan3A_279 : i32 to vector<16xi32>
        %get3A_280 = arith.index_cast %scan3A_279 : i32 to index
        %get3A_281 = arith.constant 0 : index
        %get3A_282 = tpu.vector_load %arg19[%get3A_280, %get3A_281] {strides = array<i32>} : memref<128x64xf32, #tpu.memory_space<vmem>>, vector<16xf32>,
        %add3A_283 = arith.addf %get3A_282, %get3A_251 : vector<16xf32>
        tpu.vector_store_idx %arg14[%add3A_5, %broadcast_in_dim3A], %add3A_283 : memref<64x129xf32, #tpu.memory_space<vmem>>[vector<16xi32>, vector<16xi32>], vector<16xf32>,
        %get3A_284 = arith.index_cast %scan3A_279 : i32 to index
        %get3A_285 = arith.constant 16 : index
        %get3A_286 = tpu.vector_load %arg19[%get3A_284, %get3A_285] {strides = array<i32>} : memref<128x64xf32, #tpu.memory_space<vmem>>, vector<16xf32>,
        %add3A_287 = arith.addf %get3A_286, %get3A_254 : vector<16xf32>
        tpu.vector_store_idx %arg14[%add3A_9, %broadcast_in_dim3A], %add3A_287 : memref<64x129xf32, #tpu.memory_space<vmem>>[vector<16xi32>, vector<16xi32>], vector<16xf32>,
        %get3A_288 = arith.index_cast %scan3A_279 : i32 to index
        %get3A_289 = arith.constant 32 : index
        %get3A_290 = tpu.vector_load %arg19[%get3A_288, %get3A_289] {strides = array<i32>} : memref<128x64xf32, #tpu.memory_space<vmem>>, vector<16xf32>,
        %add3A_291 = arith.addf %get3A_290, %get3A_257 : vector<16xf32>
        tpu.vector_store_idx %arg14[%add3A_13, %broadcast_in_dim3A], %add3A_291 : memref<64x129xf32, #tpu.memory_space<vmem>>[vector<16xi32>, vector<16xi32>], vector<16xf32>,
        %get3A_292 = arith.index_cast %scan3A_279 : i32 to index
        %get3A_293 = arith.constant 48 : index
        %get3A_294 = tpu.vector_load %arg19[%get3A_292, %get3A_293] {strides = array<i32>} : memref<128x64xf32, #tpu.memory_space<vmem>>, vector<16xf32>,
        %add3A_295 = arith.addf %get3A_294, %get3A_260 : vector<16xf32>
        tpu.vector_store_idx %arg14[%add3A_17, %broadcast_in_dim3A], %add3A_295 : memref<64x129xf32, #tpu.memory_space<vmem>>[vector<16xi32>, vector<16xi32>], vector<16xf32>,
        %scan3A_296 = arith.constant 1 : i32
        %scan3A_297 = arith.addi %scan3A_279, %scan3A_296 : i32
        %broadcast_in_dim3A_298 = vector.broadcast %scan3A_297 : i32 to vector<16xi32>
        %get3A_299 = arith.index_cast %scan3A_297 : i32 to index
        %get3A_300 = arith.constant 0 : index
        %get3A_301 = tpu.vector_load %arg19[%get3A_299, %get3A_300] {strides = array<i32>} : memref<128x64xf32, #tpu.memory_space<vmem>>, vector<16xf32>,
        %add3A_302 = arith.addf %get3A_301, %get3A_251 : vector<16xf32>
        tpu.vector_store_idx %arg14[%add3A_5, %broadcast_in_dim3A_298], %add3A_302 : memref<64x129xf32, #tpu.memory_space<vmem>>[vector<16xi32>, vector<16xi32>], vector<16xf32>,
        %get3A_303 = arith.index_cast %scan3A_297 : i32 to index
        %get3A_304 = arith.constant 16 : index
        %get3A_305 = tpu.vector_load %arg19[%get3A_303, %get3A_304] {strides = array<i32>} : memref<128x64xf32, #tpu.memory_space<vmem>>, vector<16xf32>,
        %add3A_306 = arith.addf %get3A_305, %get3A_254 : vector<16xf32>
        tpu.vector_store_idx %arg14[%add3A_9, %broadcast_in_dim3A_298], %add3A_306 : memref<64x129xf32, #tpu.memory_space<vmem>>[vector<16xi32>, vector<16xi32>], vector<16xf32>,
        %get3A_307 = arith.index_cast %scan3A_297 : i32 to index
        %get3A_308 = arith.constant 32 : index
        %get3A_309 = tpu.vector_load %arg19[%get3A_307, %get3A_308] {strides = array<i32>} : memref<128x64xf32, #tpu.memory_space<vmem>>, vector<16xf32>,
        %add3A_310 = arith.addf %get3A_309, %get3A_257 : vector<16xf32>
        tpu.vector_store_idx %arg14[%add3A_13, %broadcast_in_dim3A_298], %add3A_310 : memref<64x129xf32, #tpu.memory_space<vmem>>[vector<16xi32>, vector<16xi32>], vector<16xf32>,
        %get3A_311 = arith.index_cast %scan3A_297 : i32 to index
        %get3A_312 = arith.constant 48 : index
        %get3A_313 = tpu.vector_load %arg19[%get3A_311, %get3A_312] {strides = array<i32>} : memref<128x64xf32, #tpu.memory_space<vmem>>, vector<16xf32>,
        %add3A_314 = arith.addf %get3A_313, %get3A_260 : vector<16xf32>
        tpu.vector_store_idx %arg14[%add3A_17, %broadcast_in_dim3A_298], %add3A_314 : memref<64x129xf32, #tpu.memory_space<vmem>>[vector<16xi32>, vector<16xi32>], vector<16xf32>,
        %scan3A_315 = arith.constant 2 : i32
        %scan3A_316 = arith.addi %scan3A_279, %scan3A_315 : i32
        %broadcast_in_dim3A_317 = vector.broadcast %scan3A_316 : i32 to vector<16xi32>
        %get3A_318 = arith.index_cast %scan3A_316 : i32 to index
        %get3A_319 = arith.constant 0 : index
        %get3A_320 = tpu.vector_load %arg19[%get3A_318, %get3A_319] {strides = array<i32>} : memref<128x64xf32, #tpu.memory_space<vmem>>, vector<16xf32>,
        %add3A_321 = arith.addf %get3A_320, %get3A_251 : vector<16xf32>
        tpu.vector_store_idx %arg14[%add3A_5, %broadcast_in_dim3A_317], %add3A_321 : memref<64x129xf32, #tpu.memory_space<vmem>>[vector<16xi32>, vector<16xi32>], vector<16xf32>,
        %get3A_322 = arith.index_cast %scan3A_316 : i32 to index
        %get3A_323 = arith.constant 16 : index
        %get3A_324 = tpu.vector_load %arg19[%get3A_322, %get3A_323] {strides = array<i32>} : memref<128x64xf32, #tpu.memory_space<vmem>>, vector<16xf32>,
        %add3A_325 = arith.addf %get3A_324, %get3A_254 : vector<16xf32>
        tpu.vector_store_idx %arg14[%add3A_9, %broadcast_in_dim3A_317], %add3A_325 : memref<64x129xf32, #tpu.memory_space<vmem>>[vector<16xi32>, vector<16xi32>], vector<16xf32>,
        %get3A_326 = arith.index_cast %scan3A_316 : i32 to index
        %get3A_327 = arith.constant 32 : index
        %get3A_328 = tpu.vector_load %arg19[%get3A_326, %get3A_327] {strides = array<i32>} : memref<128x64xf32, #tpu.memory_space<vmem>>, vector<16xf32>,
        %add3A_329 = arith.addf %get3A_328, %get3A_257 : vector<16xf32>
        tpu.vector_store_idx %arg14[%add3A_13, %broadcast_in_dim3A_317], %add3A_329 : memref<64x129xf32, #tpu.memory_space<vmem>>[vector<16xi32>, vector<16xi32>], vector<16xf32>,
        %get3A_330 = arith.index_cast %scan3A_316 : i32 to index
        %get3A_331 = arith.constant 48 : index
        %get3A_332 = tpu.vector_load %arg19[%get3A_330, %get3A_331] {strides = array<i32>} : memref<128x64xf32, #tpu.memory_space<vmem>>, vector<16xf32>,
        %add3A_333 = arith.addf %get3A_332, %get3A_260 : vector<16xf32>
        tpu.vector_store_idx %arg14[%add3A_17, %broadcast_in_dim3A_317], %add3A_333 : memref<64x129xf32, #tpu.memory_space<vmem>>[vector<16xi32>, vector<16xi32>], vector<16xf32>,
        %scan3A_334 = arith.constant 3 : i32
        %scan3A_335 = arith.addi %scan3A_279, %scan3A_334 : i32
        %broadcast_in_dim3A_336 = vector.broadcast %scan3A_335 : i32 to vector<16xi32>
        %get3A_337 = arith.index_cast %scan3A_335 : i32 to index
        %get3A_338 = arith.constant 0 : index
        %get3A_339 = tpu.vector_load %arg19[%get3A_337, %get3A_338] {strides = array<i32>} : memref<128x64xf32, #tpu.memory_space<vmem>>, vector<16xf32>,
        %add3A_340 = arith.addf %get3A_339, %get3A_251 : vector<16xf32>
        tpu.vector_store_idx %arg14[%add3A_5, %broadcast_in_dim3A_336], %add3A_340 : memref<64x129xf32, #tpu.memory_space<vmem>>[vector<16xi32>, vector<16xi32>], vector<16xf32>,
        %get3A_341 = arith.index_cast %scan3A_335 : i32 to index
        %get3A_342 = arith.constant 16 : index
        %get3A_343 = tpu.vector_load %arg19[%get3A_341, %get3A_342] {strides = array<i32>} : memref<128x64xf32, #tpu.memory_space<vmem>>, vector<16xf32>,
        %add3A_344 = arith.addf %get3A_343, %get3A_254 : vector<16xf32>
        tpu.vector_store_idx %arg14[%add3A_9, %broadcast_in_dim3A_336], %add3A_344 : memref<64x129xf32, #tpu.memory_space<vmem>>[vector<16xi32>, vector<16xi32>], vector<16xf32>,
        %get3A_345 = arith.index_cast %scan3A_335 : i32 to index
        %get3A_346 = arith.constant 32 : index
        %get3A_347 = tpu.vector_load %arg19[%get3A_345, %get3A_346] {strides = array<i32>} : memref<128x64xf32, #tpu.memory_space<vmem>>, vector<16xf32>,
        %add3A_348 = arith.addf %get3A_347, %get3A_257 : vector<16xf32>
        tpu.vector_store_idx %arg14[%add3A_13, %broadcast_in_dim3A_336], %add3A_348 : memref<64x129xf32, #tpu.memory_space<vmem>>[vector<16xi32>, vector<16xi32>], vector<16xf32>,
        %get3A_349 = arith.index_cast %scan3A_335 : i32 to index
        %get3A_350 = arith.constant 48 : index
        %get3A_351 = tpu.vector_load %arg19[%get3A_349, %get3A_350] {strides = array<i32>} : memref<128x64xf32, #tpu.memory_space<vmem>>, vector<16xf32>,
        %add3A_352 = arith.addf %get3A_351, %get3A_260 : vector<16xf32>
        tpu.vector_store_idx %arg14[%add3A_17, %broadcast_in_dim3A_336], %add3A_352 : memref<64x129xf32, #tpu.memory_space<vmem>>[vector<16xi32>, vector<16xi32>], vector<16xf32>,
        %scan3A_353 = arith.constant 4 : i32
        %scan3A_354 = arith.addi %scan3A_279, %scan3A_353 : i32
        %broadcast_in_dim3A_355 = vector.broadcast %scan3A_354 : i32 to vector<16xi32>
        %get3A_356 = arith.index_cast %scan3A_354 : i32 to index
        %get3A_357 = arith.constant 0 : index
        %get3A_358 = tpu.vector_load %arg19[%get3A_356, %get3A_357] {strides = array<i32>} : memref<128x64xf32, #tpu.memory_space<vmem>>, vector<16xf32>,
        %add3A_359 = arith.addf %get3A_358, %get3A_251 : vector<16xf32>
        tpu.vector_store_idx %arg14[%add3A_5, %broadcast_in_dim3A_355], %add3A_359 : memref<64x129xf32, #tpu.memory_space<vmem>>[vector<16xi32>, vector<16xi32>], vector<16xf32>,
        %get3A_360 = arith.index_cast %scan3A_354 : i32 to index
        %get3A_361 = arith.constant 16 : index
        %get3A_362 = tpu.vector_load %arg19[%get3A_360, %get3A_361] {strides = array<i32>} : memref<128x64xf32, #tpu.memory_space<vmem>>, vector<16xf32>,
        %add3A_363 = arith.addf %get3A_362, %get3A_254 : vector<16xf32>
        tpu.vector_store_idx %arg14[%add3A_9, %broadcast_in_dim3A_355], %add3A_363 : memref<64x129xf32, #tpu.memory_space<vmem>>[vector<16xi32>, vector<16xi32>], vector<16xf32>,
        %get3A_364 = arith.index_cast %scan3A_354 : i32 to index
        %get3A_365 = arith.constant 32 : index
        %get3A_366 = tpu.vector_load %arg19[%get3A_364, %get3A_365] {strides = array<i32>} : memref<128x64xf32, #tpu.memory_space<vmem>>, vector<16xf32>,
        %add3A_367 = arith.addf %get3A_366, %get3A_257 : vector<16xf32>
        tpu.vector_store_idx %arg14[%add3A_13, %broadcast_in_dim3A_355], %add3A_367 : memref<64x129xf32, #tpu.memory_space<vmem>>[vector<16xi32>, vector<16xi32>], vector<16xf32>,
        %get3A_368 = arith.index_cast %scan3A_354 : i32 to index
        %get3A_369 = arith.constant 48 : index
        %get3A_370 = tpu.vector_load %arg19[%get3A_368, %get3A_369] {strides = array<i32>} : memref<128x64xf32, #tpu.memory_space<vmem>>, vector<16xf32>,
        %add3A_371 = arith.addf %get3A_370, %get3A_260 : vector<16xf32>
        tpu.vector_store_idx %arg14[%add3A_17, %broadcast_in_dim3A_355], %add3A_371 : memref<64x129xf32, #tpu.memory_space<vmem>>[vector<16xi32>, vector<16xi32>], vector<16xf32>,
        %scan3A_372 = arith.constant 5 : i32
        %scan3A_373 = arith.addi %scan3A_279, %scan3A_372 : i32
        %broadcast_in_dim3A_374 = vector.broadcast %scan3A_373 : i32 to vector<16xi32>
        %get3A_375 = arith.index_cast %scan3A_373 : i32 to index
        %get3A_376 = arith.constant 0 : index
        %get3A_377 = tpu.vector_load %arg19[%get3A_375, %get3A_376] {strides = array<i32>} : memref<128x64xf32, #tpu.memory_space<vmem>>, vector<16xf32>,
        %add3A_378 = arith.addf %get3A_377, %get3A_251 : vector<16xf32>
        tpu.vector_store_idx %arg14[%add3A_5, %broadcast_in_dim3A_374], %add3A_378 : memref<64x129xf32, #tpu.memory_space<vmem>>[vector<16xi32>, vector<16xi32>], vector<16xf32>,
        %get3A_379 = arith.index_cast %scan3A_373 : i32 to index
        %get3A_380 = arith.constant 16 : index
        %get3A_381 = tpu.vector_load %arg19[%get3A_379, %get3A_380] {strides = array<i32>} : memref<128x64xf32, #tpu.memory_space<vmem>>, vector<16xf32>,
        %add3A_382 = arith.addf %get3A_381, %get3A_254 : vector<16xf32>
        tpu.vector_store_idx %arg14[%add3A_9, %broadcast_in_dim3A_374], %add3A_382 : memref<64x129xf32, #tpu.memory_space<vmem>>[vector<16xi32>, vector<16xi32>], vector<16xf32>,
        %get3A_383 = arith.index_cast %scan3A_373 : i32 to index
        %get3A_384 = arith.constant 32 : index
        %get3A_385 = tpu.vector_load %arg19[%get3A_383, %get3A_384] {strides = array<i32>} : memref<128x64xf32, #tpu.memory_space<vmem>>, vector<16xf32>,
        %add3A_386 = arith.addf %get3A_385, %get3A_257 : vector<16xf32>
        tpu.vector_store_idx %arg14[%add3A_13, %broadcast_in_dim3A_374], %add3A_386 : memref<64x129xf32, #tpu.memory_space<vmem>>[vector<16xi32>, vector<16xi32>], vector<16xf32>,
        %get3A_387 = arith.index_cast %scan3A_373 : i32 to index
        %get3A_388 = arith.constant 48 : index
        %get3A_389 = tpu.vector_load %arg19[%get3A_387, %get3A_388] {strides = array<i32>} : memref<128x64xf32, #tpu.memory_space<vmem>>, vector<16xf32>,
        %add3A_390 = arith.addf %get3A_389, %get3A_260 : vector<16xf32>
        tpu.vector_store_idx %arg14[%add3A_17, %broadcast_in_dim3A_374], %add3A_390 : memref<64x129xf32, #tpu.memory_space<vmem>>[vector<16xi32>, vector<16xi32>], vector<16xf32>,
        %scan3A_391 = arith.constant 6 : i32
        %scan3A_392 = arith.addi %scan3A_279, %scan3A_391 : i32
        %broadcast_in_dim3A_393 = vector.broadcast %scan3A_392 : i32 to vector<16xi32>
        %get3A_394 = arith.index_cast %scan3A_392 : i32 to index
        %get3A_395 = arith.constant 0 : index
        %get3A_396 = tpu.vector_load %arg19[%get3A_394, %get3A_395] {strides = array<i32>} : memref<128x64xf32, #tpu.memory_space<vmem>>, vector<16xf32>,
        %add3A_397 = arith.addf %get3A_396, %get3A_251 : vector<16xf32>
        tpu.vector_store_idx %arg14[%add3A_5, %broadcast_in_dim3A_393], %add3A_397 : memref<64x129xf32, #tpu.memory_space<vmem>>[vector<16xi32>, vector<16xi32>], vector<16xf32>,
        %get3A_398 = arith.index_cast %scan3A_392 : i32 to index
        %get3A_399 = arith.constant 16 : index
        %get3A_400 = tpu.vector_load %arg19[%get3A_398, %get3A_399] {strides = array<i32>} : memref<128x64xf32, #tpu.memory_space<vmem>>, vector<16xf32>,
        %add3A_401 = arith.addf %get3A_400, %get3A_254 : vector<16xf32>
        tpu.vector_store_idx %arg14[%add3A_9, %broadcast_in_dim3A_393], %add3A_401 : memref<64x129xf32, #tpu.memory_space<vmem>>[vector<16xi32>, vector<16xi32>], vector<16xf32>,
        %get3A_402 = arith.index_cast %scan3A_392 : i32 to index
        %get3A_403 = arith.constant 32 : index
        %get3A_404 = tpu.vector_load %arg19[%get3A_402, %get3A_403] {strides = array<i32>} : memref<128x64xf32, #tpu.memory_space<vmem>>, vector<16xf32>,
        %add3A_405 = arith.addf %get3A_404, %get3A_257 : vector<16xf32>
        tpu.vector_store_idx %arg14[%add3A_13, %broadcast_in_dim3A_393], %add3A_405 : memref<64x129xf32, #tpu.memory_space<vmem>>[vector<16xi32>, vector<16xi32>], vector<16xf32>,
        %get3A_406 = arith.index_cast %scan3A_392 : i32 to index
        %get3A_407 = arith.constant 48 : index
        %get3A_408 = tpu.vector_load %arg19[%get3A_406, %get3A_407] {strides = array<i32>} : memref<128x64xf32, #tpu.memory_space<vmem>>, vector<16xf32>,
        %add3A_409 = arith.addf %get3A_408, %get3A_260 : vector<16xf32>
        tpu.vector_store_idx %arg14[%add3A_17, %broadcast_in_dim3A_393], %add3A_409 : memref<64x129xf32, #tpu.memory_space<vmem>>[vector<16xi32>, vector<16xi32>], vector<16xf32>,
        %scan3A_410 = arith.constant 7 : i32
        %scan3A_411 = arith.addi %scan3A_279, %scan3A_410 : i32
        %broadcast_in_dim3A_412 = vector.broadcast %scan3A_411 : i32 to vector<16xi32>
        %get3A_413 = arith.index_cast %scan3A_411 : i32 to index
        %get3A_414 = arith.constant 0 : index
        %get3A_415 = tpu.vector_load %arg19[%get3A_413, %get3A_414] {strides = array<i32>} : memref<128x64xf32, #tpu.memory_space<vmem>>, vector<16xf32>,
        %add3A_416 = arith.addf %get3A_415, %get3A_251 : vector<16xf32>
        tpu.vector_store_idx %arg14[%add3A_5, %broadcast_in_dim3A_412], %add3A_416 : memref<64x129xf32, #tpu.memory_space<vmem>>[vector<16xi32>, vector<16xi32>], vector<16xf32>,
        %get3A_417 = arith.index_cast %scan3A_411 : i32 to index
        %get3A_418 = arith.constant 16 : index
        %get3A_419 = tpu.vector_load %arg19[%get3A_417, %get3A_418] {strides = array<i32>} : memref<128x64xf32, #tpu.memory_space<vmem>>, vector<16xf32>,
        %add3A_420 = arith.addf %get3A_419, %get3A_254 : vector<16xf32>
        tpu.vector_store_idx %arg14[%add3A_9, %broadcast_in_dim3A_412], %add3A_420 : memref<64x129xf32, #tpu.memory_space<vmem>>[vector<16xi32>, vector<16xi32>], vector<16xf32>,
        %get3A_421 = arith.index_cast %scan3A_411 : i32 to index
        %get3A_422 = arith.constant 32 : index
        %get3A_423 = tpu.vector_load %arg19[%get3A_421, %get3A_422] {strides = array<i32>} : memref<128x64xf32, #tpu.memory_space<vmem>>, vector<16xf32>,
        %add3A_424 = arith.addf %get3A_423, %get3A_257 : vector<16xf32>
        tpu.vector_store_idx %arg14[%add3A_13, %broadcast_in_dim3A_412], %add3A_424 : memref<64x129xf32, #tpu.memory_space<vmem>>[vector<16xi32>, vector<16xi32>], vector<16xf32>,
        %get3A_425 = arith.index_cast %scan3A_411 : i32 to index
        %get3A_426 = arith.constant 48 : index
        %get3A_427 = tpu.vector_load %arg19[%get3A_425, %get3A_426] {strides = array<i32>} : memref<128x64xf32, #tpu.memory_space<vmem>>, vector<16xf32>,
        %add3A_428 = arith.addf %get3A_427, %get3A_260 : vector<16xf32>
        tpu.vector_store_idx %arg14[%add3A_17, %broadcast_in_dim3A_412], %add3A_428 : memref<64x129xf32, #tpu.memory_space<vmem>>[vector<16xi32>, vector<16xi32>], vector<16xf32>,
      }
      %scan3A_266 = arith.constant 128 : i32
      %dma_start3A_267 = arith.constant 0 : i32
      %dma_start3A_268 = arith.constant 0 : i32
      %dma_start3A_269 = tpu.memref_slice %arg14[%dma_start3A_267, %dma_start3A_268] : memref<64x129xf32, #tpu.memory_space<vmem>> -> memref<64x128xf32, #tpu.memory_space<vmem>>
      %dma_start3A_270 = arith.constant 0 : i32
      %dma_start3A_271 = tpu.memref_slice %arg5[%add3A_235, %dma_start3A_270, %mul3A_2] : memref<200x64x4096xf32, #tpu.memory_space<hbm>> -> memref<1x64x128xf32, #tpu.memory_space<hbm>>
      %dma_start3A_272 = tpu.memref_squeeze %dma_start3A_271 : memref<1x64x128xf32, #tpu.memory_space<hbm>> -> memref<64x128xf32, #tpu.memory_space<hbm>>
      %dma_start3A_273 = arith.constant 0 : i32
      %dma_start3A_274 = tpu.memref_slice %arg5[%add3A_235, %dma_start3A_273, %mul3A_2] : memref<200x64x4096xf32, #tpu.memory_space<hbm>> -> memref<1x64x128xf32, #tpu.memory_space<hbm>>
      %dma_start3A_275 = tpu.memref_squeeze %dma_start3A_274 : memref<1x64x128xf32, #tpu.memory_space<hbm>> -> memref<64x128xf32, #tpu.memory_space<hbm>>
      %dma_start3A_276 = arith.constant 0 : i32
      %dma_start3A_277 = arith.constant 0 : i32
      %dma_start3A_278 = tpu.memref_slice %arg14[%dma_start3A_276, %dma_start3A_277] : memref<64x129xf32, #tpu.memory_space<vmem>> -> memref<64x128xf32, #tpu.memory_space<vmem>>
      tpu.enqueue_dma source(%dma_start3A_278 : memref<64x128xf32, #tpu.memory_space<vmem>>) target(%dma_start3A_275 : memref<64x128xf32, #tpu.memory_space<hbm>>) target_semaphore(%arg23 : memref<!tpu.dma_semaphore, #tpu.memory_space<semaphore_mem>>)
    }
    %scan3A_42 = arith.constant 50 : i32
    %dma_wait3A = arith.constant 196 : i32
    %dma_wait3A_43 = arith.constant 0 : i32
    %dma_wait3A_44 = arith.constant 0 : i32
    %dma_wait3A_45 = tpu.memref_slice %arg11[%dma_wait3A_43, %dma_wait3A_44] : memref<64x129xf32, #tpu.memory_space<vmem>> -> memref<64x128xf32, #tpu.memory_space<vmem>>
    %dma_wait3A_46 = arith.constant 0 : i32
    %dma_wait3A_47 = tpu.memref_slice %arg5[%dma_wait3A, %dma_wait3A_46, %mul3A_2] : memref<200x64x4096xf32, #tpu.memory_space<hbm>> -> memref<1x64x128xf32, #tpu.memory_space<hbm>>
    %dma_wait3A_48 = tpu.memref_squeeze %dma_wait3A_47 : memref<1x64x128xf32, #tpu.memory_space<hbm>> -> memref<64x128xf32, #tpu.memory_space<hbm>>
    %dma_wait3A_49 = arith.constant 0 : i32
    %dma_wait3A_50 = tpu.memref_slice %arg5[%dma_wait3A, %dma_wait3A_49, %mul3A_2] : memref<200x64x4096xf32, #tpu.memory_space<hbm>> -> memref<1x64x128xf32, #tpu.memory_space<hbm>>
    %dma_wait3A_51 = tpu.memref_squeeze %dma_wait3A_50 : memref<1x64x128xf32, #tpu.memory_space<hbm>> -> memref<64x128xf32, #tpu.memory_space<hbm>>
    %dma_wait3A_52 = arith.constant 0 : i32
    %dma_wait3A_53 = arith.constant 0 : i32
    %dma_wait3A_54 = tpu.memref_slice %arg11[%dma_wait3A_52, %dma_wait3A_53] : memref<64x129xf32, #tpu.memory_space<vmem>> -> memref<64x128xf32, #tpu.memory_space<vmem>>
    tpu.wait_dma2 semaphore(%arg20 : memref<!tpu.dma_semaphore, #tpu.memory_space<semaphore_mem>>) src(%dma_wait3A_54 : memref<64x128xf32, #tpu.memory_space<vmem>>) dst(%dma_wait3A_51 : memref<64x128xf32, #tpu.memory_space<hbm>>)
    %dma_wait3A_55 = arith.constant 197 : i32
    %dma_wait3A_56 = arith.constant 0 : i32
    %dma_wait3A_57 = arith.constant 0 : i32
    %dma_wait3A_58 = tpu.memref_slice %arg12[%dma_wait3A_56, %dma_wait3A_57] : memref<64x129xf32, #tpu.memory_space<vmem>> -> memref<64x128xf32, #tpu.memory_space<vmem>>
    %dma_wait3A_59 = arith.constant 0 : i32
    %dma_wait3A_60 = tpu.memref_slice %arg5[%dma_wait3A_55, %dma_wait3A_59, %mul3A_2] : memref<200x64x4096xf32, #tpu.memory_space<hbm>> -> memref<1x64x128xf32, #tpu.memory_space<hbm>>
    %dma_wait3A_61 = tpu.memref_squeeze %dma_wait3A_60 : memref<1x64x128xf32, #tpu.memory_space<hbm>> -> memref<64x128xf32, #tpu.memory_space<hbm>>
    %dma_wait3A_62 = arith.constant 0 : i32
    %dma_wait3A_63 = tpu.memref_slice %arg5[%dma_wait3A_55, %dma_wait3A_62, %mul3A_2] : memref<200x64x4096xf32, #tpu.memory_space<hbm>> -> memref<1x64x128xf32, #tpu.memory_space<hbm>>
    %dma_wait3A_64 = tpu.memref_squeeze %dma_wait3A_63 : memref<1x64x128xf32, #tpu.memory_space<hbm>> -> memref<64x128xf32, #tpu.memory_space<hbm>>
    %dma_wait3A_65 = arith.constant 0 : i32
    %dma_wait3A_66 = arith.constant 0 : i32
    %dma_wait3A_67 = tpu.memref_slice %arg12[%dma_wait3A_65, %dma_wait3A_66] : memref<64x129xf32, #tpu.memory_space<vmem>> -> memref<64x128xf32, #tpu.memory_space<vmem>>
    tpu.wait_dma2 semaphore(%arg21 : memref<!tpu.dma_semaphore, #tpu.memory_space<semaphore_mem>>) src(%dma_wait3A_67 : memref<64x128xf32, #tpu.memory_space<vmem>>) dst(%dma_wait3A_64 : memref<64x128xf32, #tpu.memory_space<hbm>>)
    %dma_wait3A_68 = arith.constant 198 : i32
    %dma_wait3A_69 = arith.constant 0 : i32
    %dma_wait3A_70 = arith.constant 0 : i32
    %dma_wait3A_71 = tpu.memref_slice %arg13[%dma_wait3A_69, %dma_wait3A_70] : memref<64x129xf32, #tpu.memory_space<vmem>> -> memref<64x128xf32, #tpu.memory_space<vmem>>
    %dma_wait3A_72 = arith.constant 0 : i32
    %dma_wait3A_73 = tpu.memref_slice %arg5[%dma_wait3A_68, %dma_wait3A_72, %mul3A_2] : memref<200x64x4096xf32, #tpu.memory_space<hbm>> -> memref<1x64x128xf32, #tpu.memory_space<hbm>>
    %dma_wait3A_74 = tpu.memref_squeeze %dma_wait3A_73 : memref<1x64x128xf32, #tpu.memory_space<hbm>> -> memref<64x128xf32, #tpu.memory_space<hbm>>
    %dma_wait3A_75 = arith.constant 0 : i32
    %dma_wait3A_76 = tpu.memref_slice %arg5[%dma_wait3A_68, %dma_wait3A_75, %mul3A_2] : memref<200x64x4096xf32, #tpu.memory_space<hbm>> -> memref<1x64x128xf32, #tpu.memory_space<hbm>>
    %dma_wait3A_77 = tpu.memref_squeeze %dma_wait3A_76 : memref<1x64x128xf32, #tpu.memory_space<hbm>> -> memref<64x128xf32, #tpu.memory_space<hbm>>
    %dma_wait3A_78 = arith.constant 0 : i32
    %dma_wait3A_79 = arith.constant 0 : i32
    %dma_wait3A_80 = tpu.memref_slice %arg13[%dma_wait3A_78, %dma_wait3A_79] : memref<64x129xf32, #tpu.memory_space<vmem>> -> memref<64x128xf32, #tpu.memory_space<vmem>>
    tpu.wait_dma2 semaphore(%arg22 : memref<!tpu.dma_semaphore, #tpu.memory_space<semaphore_mem>>) src(%dma_wait3A_80 : memref<64x128xf32, #tpu.memory_space<vmem>>) dst(%dma_wait3A_77 : memref<64x128xf32, #tpu.memory_space<hbm>>)
    %dma_wait3A_81 = arith.constant 199 : i32
    %dma_wait3A_82 = arith.constant 0 : i32
    %dma_wait3A_83 = arith.constant 0 : i32
    %dma_wait3A_84 = tpu.memref_slice %arg14[%dma_wait3A_82, %dma_wait3A_83] : memref<64x129xf32, #tpu.memory_space<vmem>> -> memref<64x128xf32, #tpu.memory_space<vmem>>
    %dma_wait3A_85 = arith.constant 0 : i32
    %dma_wait3A_86 = tpu.memref_slice %arg5[%dma_wait3A_81, %dma_wait3A_85, %mul3A_2] : memref<200x64x4096xf32, #tpu.memory_space<hbm>> -> memref<1x64x128xf32, #tpu.memory_space<hbm>>
    %dma_wait3A_87 = tpu.memref_squeeze %dma_wait3A_86 : memref<1x64x128xf32, #tpu.memory_space<hbm>> -> memref<64x128xf32, #tpu.memory_space<hbm>>
    %dma_wait3A_88 = arith.constant 0 : i32
    %dma_wait3A_89 = tpu.memref_slice %arg5[%dma_wait3A_81, %dma_wait3A_88, %mul3A_2] : memref<200x64x4096xf32, #tpu.memory_space<hbm>> -> memref<1x64x128xf32, #tpu.memory_space<hbm>>
    %dma_wait3A_90 = tpu.memref_squeeze %dma_wait3A_89 : memref<1x64x128xf32, #tpu.memory_space<hbm>> -> memref<64x128xf32, #tpu.memory_space<hbm>>
    %dma_wait3A_91 = arith.constant 0 : i32
    %dma_wait3A_92 = arith.constant 0 : i32
    %dma_wait3A_93 = tpu.memref_slice %arg14[%dma_wait3A_91, %dma_wait3A_92] : memref<64x129xf32, #tpu.memory_space<vmem>> -> memref<64x128xf32, #tpu.memory_space<vmem>>
    tpu.wait_dma2 semaphore(%arg23 : memref<!tpu.dma_semaphore, #tpu.memory_space<semaphore_mem>>) src(%dma_wait3A_93 : memref<64x128xf32, #tpu.memory_space<vmem>>) dst(%dma_wait3A_90 : memref<64x128xf32, #tpu.memory_space<hbm>>)
    return
  }
}

</mosaic_0001>

<sc_bundles>
// kernel: kernel.3.cloned.1.call-start
scs
__scs_entry_jumppad:
0x0: {  	(pc) =	sbr.rel $0x88, $3  }
0x1: {  	(tag) =	ssettag $0x0;
	lr =	simm.s32 $0x1  }
0x2: {  	[smem:$0x3F9E] =	sst lr;
	_ =	strace $0xD0000000  }
0x3: {  	_ = 	snop  }
0x4: {  	_ = 	snop  }
0x5: {  	_ = 	snop  }
0x6: {  	_ = 	snop  }
0x7: {  	_ = 	snop  }
__scs_overlays_trampoline_lowered:
0x8: {  	[smem:$0x3FAD] =	sst s0  }
0x9: {  	[smem:$0x3FAE] =	sst s1  }
0xa: {  	[smem:$0x3FAF] =	sst s2  }
0xb: {  	[smem:$0x3FB0] =	sst s3  }
0xc: {  	[smem:$0x3FB1] =	sst s4  }
0xd: {  	[smem:$0x3FB2] =	sst s5  }
0xe: {  	[smem:$0x3FB3] =	sst s6  }
0xf: {  	[smem:$0x3FB4] =	sst s7  }
0x10: {  	[smem:$0x3FB5] =	sst s8  }
0x11: {  	[smem:$0x3FB6] =	sst s9;
	s0 =	simm.s32 @!p0 $0x0  }
0x12: {  	s1 =	sld [smem:$0x3F9C];
	s0 =	simm.s32 @p0 $0x1  }
0x13: {  	[smem:$0x3FB7] =	sst s0;
	s0 =	simm.s32 @!p1 $0x0  }
0x14: {  	s2 =	sld [smem:$0x3F9B];
	s0 =	simm.s32 @p1 $0x1  }
0x15: {  	[smem:$0x3FB8] =	sst s0;
	s0 =	simm.s32 @!p2 $0x0  }
0x16: {  	s3 =	sld [smem:$0x3FDB];
	s0 =	simm.s32 @p2 $0x1  }
0x17: {  	s4 =	simm.s32 $0x1BF5;
	[smem:$0x3FBA] =	sst s0  }
0x18: {  	s0 =	sld [smem:$0x3F9D];
	_ =	swait.ge [sflag:s4], $0x0  }
0x19: {  	s7 =	sld [smem:$0x3F9E]  }
0x1a: {  	s8 =	sadd.s32 $0xFFFFE003, lr  }
0x1b: {  	s9 =	sadd.s32 $0xFFFFFEF7, lr;
	s5 =	simm.s32 $0xFFFFFFFF;
	p2 =	slt.u32 s8, $0xFFFFF086  }
0x1c: {  	p1 =	slt.u32 s9, $0xF7A;
	s5 =	simm.s32 @!p2 $0x0  }
0x1d: {  	s5 =	simm.s32 @p1 $0x1;
	p0 =	seq.s32 s7, s2  }
0x1e: {  	s7 =	smul.u32 @!p0 $0xF7A, s2;
	p2 =	seq.s32 @!p0 s5, $0x0  }
0x1f: {  	s9 =	smul.u32 $0xF7A, s1;
	s8 =	simm.s32 @!p0 $0x1BF5;
	p2 =	por !p2, p0  }
0x20: {  	[sflag:s8] =	ssyncset.s32 @!p0 $0xFFFFF086;
	s6 =	sadd.s32 @!p0 s3, s7;
	s7 =	simm.s32 @!p0 $0x108  }
0x21: {  	s3 =	sadd.s32 s3, s9;
	s6 =	sadd.s32 @!p0 $0x88, s6;
	s7 =	simm.s32 @p2 $0x1082  }
0x22: {  	[simem:s7], [sflag:s8] =	dma.local @!p0 [hbm:s6], $0xF7A  }
0x23: {  	s9 =	sor.u32 $0xD0000000, s2;
	s6 =	simm.s32 $0x108;
	_ =	swait.ge @!p0 [sflag:s8], $0x0  }
0x24: {  	s3 =	sadd.s32 $0x88, s3;
	s6 =	simm.s32 @!p1 $0x1082;
	[sflag:s4] =	ssyncset.s32 $0xFFFFF086  }
0x25: {  	[simem:s6], [sflag:s4] =	dma.local [hbm:s3], $0xF7A  }
0x26: {  	[smem:$0x3F9E] =	sst s1;
	(tag) =	ssettag s2;
	_ =	strace s9  }
0x27: {  	s1 =	sld [smem:$0x3FAE]  }
0x28: {  	s2 =	sld [smem:$0x3FAF]  }
0x29: {  	s4 =	sld [smem:$0x3FB1]  }
0x2a: {  	p0 =	seq.s32 s5, $0x0;
	s5 =	sld [smem:$0x3FB2]  }
0x2b: {  	s6 =	sld [smem:$0x3FB3]  }
0x2c: {  	s7 =	sld [smem:$0x3FB4]  }
0x2d: {  	s3 =	simm.s32 $0x108;
	s8 =	sld [smem:$0x3FB5]  }
0x2e: {  	s3 =	simm.s32 @!p0 $0x1082;
	s9 =	sld [smem:$0x3FB6]  }
0x2f: {  	lr =	sadd.s32 s0, s3;
	s0 =	sld [smem:$0x3FAD]  }
0x30: {  	s3 =	sld [smem:$0x3FB0]  }
0x31: {  	[smem:$0x3FB9] =	sst s10  }
0x32: {  	s10 =	sld [smem:$0x3FB7];
	_ =	sdelay $0x3  }
0x33: {  	p0 =	seq.s32 s10, $0x1;
	s10 =	sld [smem:$0x3FB9];
	_ =	sdelay $0x3  }
0x34: {  	[smem:$0x3FB9] =	sst s10  }
0x35: {  	s10 =	sld [smem:$0x3FB8];
	_ =	sdelay $0x3  }
0x36: {  	p1 =	seq.s32 s10, $0x1;
	s10 =	sld [smem:$0x3FB9];
	_ =	sdelay $0x3  }
0x37: {  	[smem:$0x3FB9] =	sst s10  }
0x38: {  	s10 =	sld [smem:$0x3FBA]  }
0x39: {  	_ = 	snop;
	(pc) =	sbr.ind lr, $3  }
0x3a: {  	_ = 	snop  }
0x3b: {  	_ = 	snop  }
0x3c: {  	p2 =	seq.s32 s10, $0x1;
	s10 =	sld [smem:$0x3FB9]  }
0x3d: {  	_ =	shalt  }
0x3e: {  	_ =	shalt  }
0x3f: {  	_ =	shalt  }
0x40: {  	_ =	shalt  }
0x41: {  	_ =	shalt  }
0x42: {  	_ =	shalt  }
0x43: {  	_ =	shalt  }
0x44: {  	_ =	shalt  }
0x45: {  	_ =	shalt  }
0x46: {  	_ =	shalt  }
0x47: {  	_ =	shalt  }
0x48: {  	_ =	shalt  }
0x49: {  	_ =	shalt  }
0x4a: {  	_ =	shalt  }
0x4b: {  	_ =	shalt  }
0x4c: {  	_ =	shalt  }
0x4d: {  	_ =	shalt  }
0x4e: {  	_ =	shalt  }
0x4f: {  	_ =	shalt  }
0x50: {  	_ =	shalt  }
0x51: {  	_ =	shalt  }
0x52: {  	_ =	shalt  }
0x53: {  	_ =	shalt  }
0x54: {  	_ =	shalt  }
0x55: {  	_ =	shalt  }
0x56: {  	_ =	shalt  }
0x57: {  	_ =	shalt  }
0x58: {  	_ =	shalt  }
0x59: {  	_ =	shalt  }
0x5a: {  	_ =	shalt  }
0x5b: {  	_ =	shalt  }
0x5c: {  	_ =	shalt  }
0x5d: {  	_ =	shalt  }
0x5e: {  	_ =	shalt  }
0x5f: {  	_ =	shalt  }
0x60: {  	_ =	shalt  }
0x61: {  	_ =	shalt  }
0x62: {  	_ =	shalt  }
0x63: {  	_ =	shalt  }
0x64: {  	_ =	shalt  }
0x65: {  	_ =	shalt  }
0x66: {  	_ =	shalt  }
0x67: {  	_ =	shalt  }
0x68: {  	_ =	shalt  }
0x69: {  	_ =	shalt  }
0x6a: {  	_ =	shalt  }
0x6b: {  	_ =	shalt  }
0x6c: {  	_ =	shalt  }
0x6d: {  	_ =	shalt  }
0x6e: {  	_ =	shalt  }
0x6f: {  	_ =	shalt  }
0x70: {  	_ =	shalt  }
0x71: {  	_ =	shalt  }
0x72: {  	_ =	shalt  }
0x73: {  	_ =	shalt  }
0x74: {  	_ =	shalt  }
0x75: {  	_ =	shalt  }
0x76: {  	_ =	shalt  }
0x77: {  	_ =	shalt  }
0x78: {  	_ =	shalt  }
0x79: {  	_ =	shalt  }
0x7a: {  	_ =	shalt  }
0x7b: {  	_ =	shalt  }
0x7c: {  	_ =	shalt  }
0x7d: {  	_ =	shalt  }
0x7e: {  	_ =	shalt  }
0x7f: {  	_ =	shalt  }
0x80: {  	_ =	shalt  }
0x81: {  	_ =	shalt  }
0x82: {  	_ =	shalt  }
0x83: {  	_ =	shalt  }
0x84: {  	_ =	shalt  }
0x85: {  	_ =	shalt  }
0x86: {  	_ =	shalt  }
0x87: {  	_ =	shalt  }
.Lfunc_end0:
.L_simem_size_0:
called_computation_lowered:
.L_overlay_start_0:
0x88: {  	s2 =	sld [smem:$0x3FD9]  }
0x89: {  	s3 =	sld [smem:$0x3FFE];
	_ =	sdelay $0x1  }
0x8a: {  	s1 =	srdreg.scid  }
0x8b: {  	s0 =	sand.u32 $0x1, s1  }
0x8c: {  	s17 =	sshll.u32 s0, $0xA;
	s2 =	sadd.s32 s3, s2  }
0x8d: {  	s2 =	sadd.s32 s2, s17  }
0x8e: {  	[smem:$0x3FC5] =	sst s2  }
0x8f: {  	_ = 	snop  }
0x90: {  	s2 =	sld [smem:$0x3FD0];
	(tm) =	ssettm $0x1  }
0x91: {  	s18 =	sld [smem:$0x3FFB];
	_ =	sdelay $0x3  }
0x92: {  	_ =	strace s18  }
0x93: {  	s3 =	sld [smem:$0x3FFC];
	_ =	sdelay $0x3  }
0x94: {  	_ =	strace s3  }
0x95: {  	s3 =	sld [smem:$0x3FFD];
	_ =	sdelay $0x3  }
0x96: {  	_ =	strace s3  }
0x97: {  	_ =	strace $0x8FFFFFFF  }
0x98: {  	s19 =	sld [smem:$0x3FDB];
	_ =	sdelay $0x1  }
0x99: {  	s4 =	simm.s32 $_scs_section_size  }
0x9a: {  	s5 =	simm.s32 $_size__tile_overlayer_lowered;
	s6 =	simm.s32 $_tile_overlayer_lowered  }
0x9b: {  	s22 =	simm.s32 $0x1BFF;
	s21 =	sshll.u32 s6, $0x1;
	s3 =	sadd.s32 s4, s19  }
0x9c: {  	s7 =	simm.s32 $0x0;
	s20 =	sshll.u32 s5, $0x1;
	s5 =	sadd.s32 s21, s3  }
0x9d: {  	[timem:s7], [sflag:s22] =	dma.local [hbm:s5], s20  }
0x9e: {  	_ =	swait.ge [sflag:s22], s20  }
0x9f: {  	s4 =	ssub.s32 $0x0, s20;
	[sflag:s22] =	ssyncset.done $0x0  }
0xa0: {  	[sflag:s22] =	ssyncadd.s32 s4;
	_ =	sdelay $0x1  }
0xa1: {  	s23 =	simm.s32 $0x1B8B  }
0xa2: {  	_ =	swait.ge [sflag:s23], $0x1  }
0xa3: {  	[sflag:s23] =	ssyncset.done $0x0  }
0xa4: {  	s25 =	simm.s32 $0x1B8E;
	s24 =	sld [smem:$0x3FFE];
	[sflag:s23] =	ssyncadd.s32 $0xFFFFFFFF  }
0xa5: {  	s26 =	simm.s32 $execute0_lowered;
	[smem:$0x3FD2] =	sst s25  }
0xa6: {  	s5 =	sshll.u32 s26, $0x1;
	_ =	strace $0x80000046;
	[dreg:$0x1] =	wrdreg $0xFFFFFFFF  }
0xa7: {  	s28 =	simm.s32 $_size_execute0_lowered;
	s3 =	sadd.s32 s3, s5;
	[dreg:$0x0] =	wrdreg $0x0  }
0xa8: {  	s5 =	sshll.u32 s28, $0x1;
	[dreg:$0x2] =	wrdreg s3  }
0xa9: {  	[dreg:$0x3] =	wrdreg s5  }
0xaa: {  	[dreg:$0x4] =	wrdreg $0xC0  }
0xab: {  	_ =	task [dreg:s7], $0x5FFFF  }
0xac: {  	[dreg:$0x1] =	wrdreg $0xFFFFFFFF  }
0xad: {  	[dreg:$0x0] =	wrdreg $0x60  }
0xae: {  	[dreg:$0x2] =	wrdreg s2  }
0xaf: {  	[dreg:$0x3] =	wrdreg s24  }
0xb0: {  	[dreg:$0x4] =	wrdreg $0x9  }
0xb1: {  	_ =	task.clear_ibuf [dreg:s7], $0x5FFFF;
	_ =	strace $0x90000046  }
0xb2: {  	s29 =	simm.s32 $0x9;
	_ =	strace $0x80000048  }
0xb3: {  	_ =	swait.ge [sflag:s29], $0x1  }
0xb4: {  	[sflag:s29] =	ssyncadd.s32 $0xFFFFFFFF  }
0xb5: {  	_ =	strace $0x90000048  }
0xb6: {  	_ =	sfence  }
0xb7: {  	s30 =	sld [smem:$0x0];
	_ =	sdelay $0x2  }
0xb8: {  	s31 =	sshll.u32 s1, $0xD;
	s1 =	sshrl.u32 s1, $0x2  }
0xb9: {  	s3 =	sand.u32 $0x4000, s31;
	s1 =	sadd.s32 s1, s30  }
0xba: {  	s0 =	sor.u32 s3, s0;
	s1 =	sshll.u32 s1, $0x11  }
0xbb: {  	s0 =	sor.u32 s1, s0  }
0xbc: {  	s0 =	sadd.s32 $0x8F2B, s0  }
0xbd: {  	[sflag:s0] =	ssyncadd.remote.s32 $0x1  }
0xbe: {  	_ =	sfence.sel $0xFFFF  }
0xbf: {  	[dreg:$0x0] =	wrdreg $0xFFFFFFFF;
	(pc) =	sbr.abs _section_cstart, $3  }
0xc0: {  	[dreg:$0x1] =	wrdreg $0xFFFFFFFF  }
0xc1: {  	_ =	task.clear_ibuf [dreg:s7], $0x2FFFF;
	_ =	strace $0x9FFFFFFF  }
0xc2: {  	(tm) =	ssettm $0x7FFFFFFF  }
0xc3: {  	_ =	shalt  }
tec
execute0_lowered:
.L_overlay_start_1:
0x0: {  	(tag) =	ssettag $0x1  }
0x1: {  	s0 =	rddreg [dreg:$0x0];
	v0 =	vlaneseq.u32  }
0x2: {  	s2 =	rddreg [dreg:$0x1];
	v0 =	vmul.u32 $0x88, v0  }
0x3: {  	s1 =	simm.s32 $0x0;
	s4 =	srdreg.scid;
	s5 =	stileid.u32;
	v1 =	vimm.s32 $0x0;
	vm0 =	vcmask $0x300  }
0x4: {  	s9 =	simm.s32 $0x80;
	s11 =	simm.s32 $0x9;
	s17 =	simm.s32 $0x17E00;
	v1 =	vsel vm0, $0x3, v1;
	v2 =	vadd.s32 $0x880, v0  }
0x5: {  	s18 =	simm.s32 $0x1;
	s19 =	simm.s32 $0x6400;
	s20 =	simm.s32 $0x2;
	v3 =	vadd.s32 $0x1100, v0;
	v4 =	vadd.s32 $0x1980, v0;
	v5 =	vor.u32 $0x1, v0  }
0x6: {  	s21 =	simm.s32 $0x8600;
	s22 =	simm.s32 $0x3;
	s23 =	simm.s32 $0xA800;
	v6 =	vadd.s32 $0x881, v0;
	v7 =	vadd.s32 $0x1101, v0;
	v8 =	vadd.s32 $0x1981, v0  }
0x7: {  	s24 =	simm.s32 $0x4;
	s25 =	simm.s32 $0xCA00;
	s28 =	simm.s32 $0x6;
	v9 =	vor.u32 $0x2, v0;
	v10 =	vadd.s32 $0x882, v0;
	v11 =	vadd.s32 $0x1102, v0  }
0x8: {  	s29 =	simm.s32 $0x7;
	s30 =	simm.s32 $0x8;
	s31 =	simm.s32 $0x0;
	v12 =	vadd.s32 $0x1982, v0;
	v13 =	vor.u32 $0x3, v0;
	v14 =	vadd.s32 $0x883, v0  }
0x9: {  	[smem:$0x7FF] =	sst s1;
	s3 =	sadd.s32 $0xF42C00, s2;
	s4 =	sand.u32 $0x1, s4;
	v15 =	vadd.s32 $0x1103, v0;
	v16 =	vadd.s32 $0x1983, v0;
	v17 =	vor.u32 $0x4, v0  }
0xa: {  	s5 =	sshll.u32 s5, $0x8;
	s7 =	ssub.s32 $0x2, s4;
	s4 =	sshll.u32 s4, $0x7;
	v18 =	vadd.s32 $0x884, v0;
	v19 =	vadd.s32 $0x1104, v0;
	v20 =	vadd.s32 $0x1984, v0  }
0xb: {  	s6 =	sadd.s32 $0x800, s2;
	_ =	strace $0x80000047;
	s5 =	sor.u32 s4, s5;
	v21 =	vor.u32 $0x5, v0;
	v22 =	vadd.s32 $0x885, v0;
	v23 =	vadd.s32 $0x1105, v0  }
0xc: {  	[dreg:$0x3] =	wrdreg s6;
	s8 =	sshrl.u32 s7, $0x1;
	v24 =	vadd.s32 $0x1985, v0;
	v25 =	vor.u32 $0x6, v0;
	v26 =	vadd.s32 $0x886, v0;
	s4 =	sshrl.u32 s5, $0x3  }
0xd: {  	s6 =	sadd.s32 $0x1000, s2;
	v27 =	vadd.s32 $0x1106, v0;
	v28 =	vadd.s32 $0x1986, v0;
	v29 =	vor.u32 $0x7, v0;
	s26 =	ssub.s32 s7, s8;
	s0 =	sadd.s32 s0, s4  }
0xe: {  	v30 =	vadd.s32 $0x887, v0;
	v31 =	vadd.s32 $0x1107, v0;
	v32 =	vadd.s32 $0x1987, v0;
	s8 =	smax.u32 s26, $0x1;
	s26 =	simm.s32 $0x5;
	[dreg:$0x4] =	wrdreg s0  }
.LBB2_1:
0xf: {  	s0 =	rddreg [dreg:$0x4];
	s2 =	simm.s32 $0x1000  }
0x10: {  	[tilespmem:s1], [sflag:$0x9] =	stream.strided.gather [hbm4b:s0+s9], $0x6400, s2, s9, $0x38;
	[tilespmem:$0x19E00] =	vst v63  }
0x11: {  	_ =	swait.ge [sflag:s11], $0x6400  }
0x12: {  	[sflag:s11] =	ssyncset.done $0x0  }
0x13: {  	s12 =	simm.s32 $0xEC00;
	s10 =	rddreg [dreg:$0x3];
	[sflag:s11] =	ssyncadd.s32 $0xFFFF9C00  }
0x14: {  	[tilespmem:s12], [sflag:$0x9] =	stream.linear.gather [hbm4b:s10+s1], $0x3200, $0x38;
	[tilespmem:$0x19E00] =	vst v63  }
0x15: {  	_ =	swait.ge [sflag:s11], $0x3200  }
0x16: {  	[sflag:s11] =	ssyncset.done $0x0  }
0x17: {  	s13 =	simm.s32 $0x11E00;
	[sflag:s11] =	ssyncadd.s32 $0xFFFFCE00  }
0x18: {  	[tilespmem:s13], [sflag:$0x1] =	stream.indirect.gather [hbm4b:s3+s9], $0x40, s1, s9, $0xb8;
	[tilespmem:$0x19E00] =	vst v63  }
0x19: {  	s14 =	simm.s32 $0x13E00  }
0x1a: {  	[tilespmem:s14], [sflag:$0x2] =	stream.indirect.gather [hbm4b:s3+s9], $0x40, s9, s9, $0xb8;
	[tilespmem:$0x19E00] =	vst v63  }
0x1b: {  	s15 =	simm.s32 $0x100;
	s16 =	simm.s32 $0x15E00;
	s0 =	simm.s32 $0x0  }
0x1c: {  	[tilespmem:s16], [sflag:$0x3] =	stream.indirect.gather [hbm4b:s3+s9], $0x40, s15, s9, $0xb8;
	[tilespmem:$0x19E00] =	vst v63  }
.LBB2_2:
0x1d: {  	p0 =	seq.s32 s0, $0x0  }
0x1e: {  	s4 =	simm.s32 @!p0 $0x8  }
0x1f: {  	s2 =	sshllo.u32 s0, $0x2;
	_ =	swait.ge @!p0 [sflag:s4], $0x2000  }
0x20: {  	s10 =	sshll.u32 s2, $0x7;
	[sflag:s4] =	ssyncset.done @!p0 $0x0  }
0x21: {  	s12 =	sand.u32 $0x3FFFFF80, s10;
	[sflag:s4] =	ssyncadd.s32 @!p0 $0xFFFFE000  }
0x22: {  	[tilespmem:s17], [sflag:$0x4] =	stream.indirect.gather [hbm4b:s3+s9], $0x40, s12, s9, $0xb8;
	[tilespmem:$0x19E00] =	vst v63  }
0x23: {  	s13 =	simm.s32 $0x0;
	_ =	swait.ge [sflag:s18], $0x2000  }
0x24: {  	s14 =	sshll.u32 s0, $0x8;
	v33 =	vmov s13;
	[sflag:s18] =	ssyncset.done $0x0  }
0x25: {  	s15 =	sand.u32 $0x3FFFFF00, s14;
	v33 =	vshrl.u32 v33, $0x3;
	[sflag:s18] =	ssyncadd.s32 $0xFFFFE000  }
0x26: {  	s10 =	simm.s32 $0x11F00;
	v33 =	vshll.u32 v33, v1;
	v35 =	vld [tilespmem:s15+$0xEC00]  }
0x27: {  	v38 =	vbroadcast v33, $0x0;
	v37 =	vld [tilespmem:s10+$0xFFFFFF00];
	_ =	sdelay $0x1  }
0x28: {  	v39 =	vadd.s32 v0, v38;
	_ =	sdelay $0x2  }
0x29: {  	v36 =	vld [tilespmem:s15+$0xEC10];
	v37 =	vadd.f32 v37, v35  }
0x2a: {  	v34 =	vld [tilespmem:s15+$0xEC20]  }
0x2b: {  	v33 =	vld [tilespmem:s15+$0xEC30];
	[tilespmem:v39+s19+$0x0] =	vst.idx.msk $0xffff, v37  }
0x2c: {  	v37 =	vld [tilespmem:s10+$0xFFFFFF10];
	_ =	sdelay $0x1  }
0x2d: {  	v48 =	vadd.s32 v2, v38;
	_ =	sdelay $0x2  }
0x2e: {  	v37 =	vadd.f32 v37, v36;
	_ =	sdelay $0x1  }
0x2f: {  	[tilespmem:v48+s19+$0x0] =	vst.idx.msk $0xffff, v37  }
0x30: {  	v37 =	vld [tilespmem:s10+$0xFFFFFF20];
	_ =	sdelay $0x1  }
0x31: {  	v49 =	vadd.s32 v3, v38;
	_ =	sdelay $0x2  }
0x32: {  	v37 =	vadd.f32 v37, v34;
	_ =	sdelay $0x1  }
0x33: {  	[tilespmem:v49+s19+$0x0] =	vst.idx.msk $0xffff, v37  }
0x34: {  	v37 =	vld [tilespmem:s10+$0xFFFFFF30];
	_ =	sdelay $0x1  }
0x35: {  	v38 =	vadd.s32 v4, v38;
	_ =	sdelay $0x1  }
0x36: {  	s16 =	simm.s32 $0x1  }
0x37: {  	v50 =	vmov s16;
	v37 =	vadd.f32 v37, v33  }
0x38: {  	v39 =	vshrl.u32 v50, $0x3  }
0x39: {  	v51 =	vshll.u32 v39, v1;
	[tilespmem:v38+s19+$0x0] =	vst.idx.msk $0xffff, v37  }
0x3a: {  	v37 =	vbroadcast v51, $0x0;
	v38 =	vld [tilespmem:s10+$0xFFFFFF40];
	_ =	sdelay $0x1  }
0x3b: {  	v52 =	vadd.s32 v5, v37;
	_ =	sdelay $0x2  }
0x3c: {  	v38 =	vadd.f32 v38, v35;
	_ =	sdelay $0x1  }
0x3d: {  	[tilespmem:v52+s19+$0x0] =	vst.idx.msk $0xffff, v38  }
0x3e: {  	v38 =	vld [tilespmem:s10+$0xFFFFFF50];
	_ =	sdelay $0x1  }
0x3f: {  	v53 =	vadd.s32 v6, v37;
	_ =	sdelay $0x2  }
0x40: {  	v38 =	vadd.f32 v38, v36;
	_ =	sdelay $0x1  }
0x41: {  	[tilespmem:v53+s19+$0x0] =	vst.idx.msk $0xffff, v38  }
0x42: {  	v38 =	vld [tilespmem:s10+$0xFFFFFF60];
	_ =	sdelay $0x1  }
0x43: {  	v54 =	vadd.s32 v7, v37;
	_ =	sdelay $0x2  }
0x44: {  	v38 =	vadd.f32 v38, v34;
	_ =	sdelay $0x1  }
0x45: {  	[tilespmem:v54+s19+$0x0] =	vst.idx.msk $0xffff, v38  }
0x46: {  	v38 =	vld [tilespmem:s10+$0xFFFFFF70];
	_ =	sdelay $0x1  }
0x47: {  	v37 =	vadd.s32 v8, v37;
	_ =	sdelay $0x1  }
0x48: {  	s7 =	simm.s32 $0x2  }
0x49: {  	v55 =	vmov s7;
	v38 =	vadd.f32 v38, v33  }
0x4a: {  	v39 =	vshrl.u32 v55, $0x3  }
0x4b: {  	v56 =	vshll.u32 v39, v1;
	[tilespmem:v37+s19+$0x0] =	vst.idx.msk $0xffff, v38  }
0x4c: {  	v37 =	vbroadcast v56, $0x0;
	v38 =	vld [tilespmem:s10+$0xFFFFFF80];
	_ =	sdelay $0x1  }
0x4d: {  	v57 =	vadd.s32 v9, v37;
	_ =	sdelay $0x2  }
0x4e: {  	v38 =	vadd.f32 v38, v35;
	_ =	sdelay $0x1  }
0x4f: {  	[tilespmem:v57+s19+$0x0] =	vst.idx.msk $0xffff, v38  }
0x50: {  	v38 =	vld [tilespmem:s10+$0xFFFFFF90];
	_ =	sdelay $0x1  }
0x51: {  	v58 =	vadd.s32 v10, v37;
	_ =	sdelay $0x2  }
0x52: {  	v38 =	vadd.f32 v38, v36;
	_ =	sdelay $0x1  }
0x53: {  	[tilespmem:v58+s19+$0x0] =	vst.idx.msk $0xffff, v38  }
0x54: {  	v38 =	vld [tilespmem:s10+$0xFFFFFFA0];
	_ =	sdelay $0x1  }
0x55: {  	v59 =	vadd.s32 v11, v37;
	_ =	sdelay $0x2  }
0x56: {  	v38 =	vadd.f32 v38, v34;
	_ =	sdelay $0x1  }
0x57: {  	[tilespmem:v59+s19+$0x0] =	vst.idx.msk $0xffff, v38  }
0x58: {  	v38 =	vld [tilespmem:s10+$0xFFFFFFB0];
	_ =	sdelay $0x1  }
0x59: {  	v37 =	vadd.s32 v12, v37;
	_ =	sdelay $0x1  }
0x5a: {  	s12 =	simm.s32 $0x3  }
0x5b: {  	v60 =	vmov s12;
	v38 =	vadd.f32 v38, v33  }
0x5c: {  	v39 =	vshrl.u32 v60, $0x3  }
0x5d: {  	v61 =	vshll.u32 v39, v1;
	[tilespmem:v37+s19+$0x0] =	vst.idx.msk $0xffff, v38  }
0x5e: {  	v37 =	vbroadcast v61, $0x0;
	v38 =	vld [tilespmem:s10+$0xFFFFFFC0];
	_ =	sdelay $0x1  }
0x5f: {  	v62 =	vadd.s32 v13, v37;
	_ =	sdelay $0x2  }
0x60: {  	v38 =	vadd.f32 v38, v35;
	_ =	sdelay $0x1  }
0x61: {  	[tilespmem:v62+s19+$0x0] =	vst.idx.msk $0xffff, v38  }
0x62: {  	v38 =	vld [tilespmem:s10+$0xFFFFFFD0];
	_ =	sdelay $0x1  }
0x63: {  	v63 =	vadd.s32 v14, v37;
	_ =	sdelay $0x2  }
0x64: {  	v38 =	vadd.f32 v38, v36;
	_ =	sdelay $0x1  }
0x65: {  	[tilespmem:v63+s19+$0x0] =	vst.idx.msk $0xffff, v38  }
0x66: {  	v38 =	vld [tilespmem:s10+$0xFFFFFFE0];
	_ =	sdelay $0x1  }
0x67: {  	v42 =	vadd.s32 v15, v37;
	_ =	sdelay $0x2  }
0x68: {  	v38 =	vadd.f32 v38, v34;
	_ =	sdelay $0x1  }
0x69: {  	[tilespmem:v42+s19+$0x0] =	vst.idx.msk $0xffff, v38  }
0x6a: {  	v38 =	vld [tilespmem:s10+$0xFFFFFFF0];
	_ =	sdelay $0x1  }
0x6b: {  	v37 =	vadd.s32 v16, v37;
	_ =	sdelay $0x1  }
0x6c: {  	s13 =	simm.s32 $0x4  }
0x6d: {  	v43 =	vmov s13;
	v38 =	vadd.f32 v38, v33  }
0x6e: {  	v39 =	vshrl.u32 v43, $0x3  }
0x6f: {  	v44 =	vshll.u32 v39, v1;
	[tilespmem:v37+s19+$0x0] =	vst.idx.msk $0xffff, v38  }
0x70: {  	v37 =	vbroadcast v44, $0x0;
	v38 =	vld [tilespmem:s10+$0x0];
	_ =	sdelay $0x1  }
0x71: {  	v45 =	vadd.s32 v17, v37;
	_ =	sdelay $0x2  }
0x72: {  	v38 =	vadd.f32 v38, v35;
	_ =	sdelay $0x1  }
0x73: {  	[tilespmem:v45+s19+$0x0] =	vst.idx.msk $0xffff, v38  }
0x74: {  	v38 =	vld [tilespmem:s10+$0x10];
	_ =	sdelay $0x1  }
0x75: {  	v46 =	vadd.s32 v18, v37;
	_ =	sdelay $0x2  }
0x76: {  	v38 =	vadd.f32 v38, v36;
	_ =	sdelay $0x1  }
0x77: {  	[tilespmem:v46+s19+$0x0] =	vst.idx.msk $0xffff, v38  }
0x78: {  	v38 =	vld [tilespmem:s10+$0x20];
	_ =	sdelay $0x1  }
0x79: {  	v47 =	vadd.s32 v19, v37;
	_ =	sdelay $0x2  }
0x7a: {  	v38 =	vadd.f32 v38, v34;
	_ =	sdelay $0x1  }
0x7b: {  	[tilespmem:v47+s19+$0x0] =	vst.idx.msk $0xffff, v38  }
0x7c: {  	v38 =	vld [tilespmem:s10+$0x30];
	_ =	sdelay $0x1  }
0x7d: {  	v37 =	vadd.s32 v20, v37;
	_ =	sdelay $0x1  }
0x7e: {  	s14 =	simm.s32 $0x5  }
0x7f: {  	v48 =	vmov s14;
	v38 =	vadd.f32 v38, v33  }
0x80: {  	v39 =	vshrl.u32 v48, $0x3  }
0x81: {  	v49 =	vshll.u32 v39, v1;
	[tilespmem:v37+s19+$0x0] =	vst.idx.msk $0xffff, v38  }
0x82: {  	v37 =	vbroadcast v49, $0x0;
	v38 =	vld [tilespmem:s10+$0x40];
	_ =	sdelay $0x1  }
0x83: {  	v50 =	vadd.s32 v21, v37;
	_ =	sdelay $0x2  }
0x84: {  	v38 =	vadd.f32 v38, v35;
	_ =	sdelay $0x1  }
0x85: {  	[tilespmem:v50+s19+$0x0] =	vst.idx.msk $0xffff, v38  }
0x86: {  	v38 =	vld [tilespmem:s10+$0x50];
	_ =	sdelay $0x1  }
0x87: {  	v51 =	vadd.s32 v22, v37;
	_ =	sdelay $0x2  }
0x88: {  	v38 =	vadd.f32 v38, v36;
	_ =	sdelay $0x1  }
0x89: {  	[tilespmem:v51+s19+$0x0] =	vst.idx.msk $0xffff, v38  }
0x8a: {  	v38 =	vld [tilespmem:s10+$0x60];
	_ =	sdelay $0x1  }
0x8b: {  	v52 =	vadd.s32 v23, v37;
	_ =	sdelay $0x2  }
0x8c: {  	v38 =	vadd.f32 v38, v34;
	_ =	sdelay $0x1  }
0x8d: {  	[tilespmem:v52+s19+$0x0] =	vst.idx.msk $0xffff, v38  }
0x8e: {  	v38 =	vld [tilespmem:s10+$0x70];
	_ =	sdelay $0x1  }
0x8f: {  	v37 =	vadd.s32 v24, v37;
	_ =	sdelay $0x1  }
0x90: {  	s15 =	simm.s32 $0x6  }
0x91: {  	v53 =	vmov s15;
	v38 =	vadd.f32 v38, v33  }
0x92: {  	v39 =	vshrl.u32 v53, $0x3  }
0x93: {  	v54 =	vshll.u32 v39, v1;
	[tilespmem:v37+s19+$0x0] =	vst.idx.msk $0xffff, v38  }
0x94: {  	v37 =	vbroadcast v54, $0x0;
	v38 =	vld [tilespmem:s10+$0x80];
	_ =	sdelay $0x1  }
0x95: {  	v55 =	vadd.s32 v25, v37;
	_ =	sdelay $0x2  }
0x96: {  	v38 =	vadd.f32 v38, v35;
	_ =	sdelay $0x1  }
0x97: {  	[tilespmem:v55+s19+$0x0] =	vst.idx.msk $0xffff, v38  }
0x98: {  	v38 =	vld [tilespmem:s10+$0x90];
	_ =	sdelay $0x1  }
0x99: {  	v56 =	vadd.s32 v26, v37;
	_ =	sdelay $0x2  }
0x9a: {  	v38 =	vadd.f32 v38, v36;
	_ =	sdelay $0x1  }
0x9b: {  	[tilespmem:v56+s19+$0x0] =	vst.idx.msk $0xffff, v38  }
0x9c: {  	v38 =	vld [tilespmem:s10+$0xA0];
	_ =	sdelay $0x1  }
0x9d: {  	v57 =	vadd.s32 v27, v37;
	_ =	sdelay $0x2  }
0x9e: {  	v38 =	vadd.f32 v38, v34;
	_ =	sdelay $0x1  }
0x9f: {  	[tilespmem:v57+s19+$0x0] =	vst.idx.msk $0xffff, v38  }
0xa0: {  	v38 =	vld [tilespmem:s10+$0xB0];
	_ =	sdelay $0x1  }
0xa1: {  	v37 =	vadd.s32 v28, v37;
	_ =	sdelay $0x1  }
0xa2: {  	s16 =	simm.s32 $0x7  }
0xa3: {  	v58 =	vmov s16;
	v38 =	vadd.f32 v38, v33  }
0xa4: {  	v39 =	vshrl.u32 v58, $0x3  }
0xa5: {  	v59 =	vshll.u32 v39, v1;
	[tilespmem:v37+s19+$0x0] =	vst.idx.msk $0xffff, v38  }
0xa6: {  	v37 =	vbroadcast v59, $0x0;
	v38 =	vld [tilespmem:s10+$0xC0];
	_ =	sdelay $0x1  }
0xa7: {  	v60 =	vadd.s32 v29, v37;
	_ =	sdelay $0x2  }
0xa8: {  	v38 =	vadd.f32 v38, v35;
	_ =	sdelay $0x1  }
0xa9: {  	[tilespmem:v60+s19+$0x0] =	vst.idx.msk $0xffff, v38  }
0xaa: {  	v38 =	vld [tilespmem:s10+$0xD0];
	_ =	sdelay $0x1  }
0xab: {  	v61 =	vadd.s32 v30, v37;
	_ =	sdelay $0x2  }
0xac: {  	v38 =	vadd.f32 v38, v36;
	_ =	sdelay $0x1  }
0xad: {  	[tilespmem:v61+s19+$0x0] =	vst.idx.msk $0xffff, v38  }
0xae: {  	v38 =	vld [tilespmem:s10+$0xE0];
	_ =	sdelay $0x1  }
0xaf: {  	v62 =	vadd.s32 v31, v37;
	_ =	sdelay $0x2  }
0xb0: {  	v38 =	vadd.f32 v38, v34;
	_ =	sdelay $0x1  }
0xb1: {  	[tilespmem:v62+s19+$0x0] =	vst.idx.msk $0xffff, v38  }
0xb2: {  	v38 =	vld [tilespmem:s10+$0xF0];
	_ =	sdelay $0x1  }
0xb3: {  	v37 =	vadd.s32 v32, v37  }
0xb4: {  	s13 =	simm.s32 $0x8  }
0xb5: {  	v63 =	vmov s13  }
0xb6: {  	s12 =	sshll.u32 s0, $0x2;
	s14 =	simm.s32 $0x10;
	v39 =	vshrl.u32 v63, $0x3;
	v38 =	vadd.f32 v38, v33  }
.LBB2_3:
0xb7: {  	p0 =	slt.u32 s14, $0x78  }
0xb8: {  	v39 =	vshll.u32 v39, v1;
	[tilespmem:v37+s19+$0x0] =	vst.idx.msk $0xffff, v38;
	s10 =	sadd.s32 $0x200, s10;
	s15 =	smov.u32 s14;
	s14 =	sadd.s32 $0x8, s14  }
0xb9: {  	v37 =	vld [tilespmem:s10+$0xFFFFFF00];
	v38 =	vbroadcast v39, $0x0;
	_ =	sdelay $0x1  }
0xba: {  	v39 =	vadd.s32 v0, v38;
	_ =	sdelay $0x2  }
0xbb: {  	v37 =	vadd.f32 v37, v35;
	_ =	sdelay $0x1  }
0xbc: {  	[tilespmem:v39+s19+$0x0] =	vst.idx.msk $0xffff, v37  }
0xbd: {  	v37 =	vld [tilespmem:s10+$0xFFFFFF10];
	_ =	sdelay $0x1  }
0xbe: {  	v39 =	vadd.s32 v2, v38;
	_ =	sdelay $0x2  }
0xbf: {  	v37 =	vadd.f32 v37, v36;
	_ =	sdelay $0x1  }
0xc0: {  	[tilespmem:v39+s19+$0x0] =	vst.idx.msk $0xffff, v37  }
0xc1: {  	v37 =	vld [tilespmem:s10+$0xFFFFFF20];
	_ =	sdelay $0x1  }
0xc2: {  	v39 =	vadd.s32 v3, v38;
	_ =	sdelay $0x2  }
0xc3: {  	v37 =	vadd.f32 v37, v34;
	_ =	sdelay $0x1  }
0xc4: {  	[tilespmem:v39+s19+$0x0] =	vst.idx.msk $0xffff, v37  }
0xc5: {  	v37 =	vld [tilespmem:s10+$0xFFFFFF30];
	_ =	sdelay $0x1  }
0xc6: {  	v38 =	vadd.s32 v4, v38;
	_ =	sdelay $0x1  }
0xc7: {  	s4 =	sadd.s32 $0x1, s13  }
0xc8: {  	v39 =	vmov s4;
	v37 =	vadd.f32 v37, v33  }
0xc9: {  	v39 =	vshrl.u32 v39, $0x3  }
0xca: {  	[tilespmem:v38+s19+$0x0] =	vst.idx.msk $0xffff, v37;
	v37 =	vshll.u32 v39, v1  }
0xcb: {  	v38 =	vld [tilespmem:s10+$0xFFFFFF40];
	v37 =	vbroadcast v37, $0x0;
	_ =	sdelay $0x1  }
0xcc: {  	v39 =	vadd.s32 v5, v37;
	_ =	sdelay $0x2  }
0xcd: {  	v38 =	vadd.f32 v38, v35;
	_ =	sdelay $0x1  }
0xce: {  	[tilespmem:v39+s19+$0x0] =	vst.idx.msk $0xffff, v38  }
0xcf: {  	v38 =	vld [tilespmem:s10+$0xFFFFFF50];
	_ =	sdelay $0x1  }
0xd0: {  	v39 =	vadd.s32 v6, v37;
	_ =	sdelay $0x2  }
0xd1: {  	v38 =	vadd.f32 v38, v36;
	_ =	sdelay $0x1  }
0xd2: {  	[tilespmem:v39+s19+$0x0] =	vst.idx.msk $0xffff, v38  }
0xd3: {  	v38 =	vld [tilespmem:s10+$0xFFFFFF60];
	_ =	sdelay $0x1  }
0xd4: {  	v39 =	vadd.s32 v7, v37;
	_ =	sdelay $0x2  }
0xd5: {  	v38 =	vadd.f32 v38, v34;
	_ =	sdelay $0x1  }
0xd6: {  	[tilespmem:v39+s19+$0x0] =	vst.idx.msk $0xffff, v38  }
0xd7: {  	v38 =	vld [tilespmem:s10+$0xFFFFFF70];
	_ =	sdelay $0x1  }
0xd8: {  	v37 =	vadd.s32 v8, v37;
	_ =	sdelay $0x1  }
0xd9: {  	s4 =	sadd.s32 $0x2, s13  }
0xda: {  	v39 =	vmov s4;
	v38 =	vadd.f32 v38, v33  }
0xdb: {  	v39 =	vshrl.u32 v39, $0x3  }
0xdc: {  	[tilespmem:v37+s19+$0x0] =	vst.idx.msk $0xffff, v38;
	v37 =	vshll.u32 v39, v1  }
0xdd: {  	v38 =	vld [tilespmem:s10+$0xFFFFFF80];
	v37 =	vbroadcast v37, $0x0;
	_ =	sdelay $0x1  }
0xde: {  	v39 =	vadd.s32 v9, v37;
	_ =	sdelay $0x2  }
0xdf: {  	v38 =	vadd.f32 v38, v35;
	_ =	sdelay $0x1  }
0xe0: {  	[tilespmem:v39+s19+$0x0] =	vst.idx.msk $0xffff, v38  }
0xe1: {  	v38 =	vld [tilespmem:s10+$0xFFFFFF90];
	_ =	sdelay $0x1  }
0xe2: {  	v39 =	vadd.s32 v10, v37;
	_ =	sdelay $0x2  }
0xe3: {  	v38 =	vadd.f32 v38, v36;
	_ =	sdelay $0x1  }
0xe4: {  	[tilespmem:v39+s19+$0x0] =	vst.idx.msk $0xffff, v38  }
0xe5: {  	v38 =	vld [tilespmem:s10+$0xFFFFFFA0];
	_ =	sdelay $0x1  }
0xe6: {  	v39 =	vadd.s32 v11, v37;
	_ =	sdelay $0x2  }
0xe7: {  	v38 =	vadd.f32 v38, v34;
	_ =	sdelay $0x1  }
0xe8: {  	[tilespmem:v39+s19+$0x0] =	vst.idx.msk $0xffff, v38  }
0xe9: {  	v38 =	vld [tilespmem:s10+$0xFFFFFFB0];
	_ =	sdelay $0x1  }
0xea: {  	v37 =	vadd.s32 v12, v37;
	_ =	sdelay $0x1  }
0xeb: {  	s4 =	sadd.s32 $0x3, s13  }
0xec: {  	v39 =	vmov s4;
	v38 =	vadd.f32 v38, v33  }
0xed: {  	v39 =	vshrl.u32 v39, $0x3  }
0xee: {  	[tilespmem:v37+s19+$0x0] =	vst.idx.msk $0xffff, v38;
	v37 =	vshll.u32 v39, v1  }
0xef: {  	v38 =	vld [tilespmem:s10+$0xFFFFFFC0];
	v37 =	vbroadcast v37, $0x0;
	_ =	sdelay $0x1  }
0xf0: {  	v39 =	vadd.s32 v13, v37;
	_ =	sdelay $0x2  }
0xf1: {  	v38 =	vadd.f32 v38, v35;
	_ =	sdelay $0x1  }
0xf2: {  	[tilespmem:v39+s19+$0x0] =	vst.idx.msk $0xffff, v38  }
0xf3: {  	v38 =	vld [tilespmem:s10+$0xFFFFFFD0];
	_ =	sdelay $0x1  }
0xf4: {  	v39 =	vadd.s32 v14, v37;
	_ =	sdelay $0x2  }
0xf5: {  	v38 =	vadd.f32 v38, v36;
	_ =	sdelay $0x1  }
0xf6: {  	[tilespmem:v39+s19+$0x0] =	vst.idx.msk $0xffff, v38  }
0xf7: {  	v38 =	vld [tilespmem:s10+$0xFFFFFFE0];
	_ =	sdelay $0x1  }
0xf8: {  	v39 =	vadd.s32 v15, v37;
	_ =	sdelay $0x2  }
0xf9: {  	v38 =	vadd.f32 v38, v34;
	_ =	sdelay $0x1  }
0xfa: {  	[tilespmem:v39+s19+$0x0] =	vst.idx.msk $0xffff, v38  }
0xfb: {  	v38 =	vld [tilespmem:s10+$0xFFFFFFF0];
	_ =	sdelay $0x1  }
0xfc: {  	v37 =	vadd.s32 v16, v37;
	_ =	sdelay $0x1  }
0xfd: {  	s4 =	sadd.s32 $0x4, s13  }
0xfe: {  	v39 =	vmov s4;
	v38 =	vadd.f32 v38, v33  }
0xff: {  	v39 =	vshrl.u32 v39, $0x3  }
0x100: {  	[tilespmem:v37+s19+$0x0] =	vst.idx.msk $0xffff, v38;
	v37 =	vshll.u32 v39, v1  }
0x101: {  	v38 =	vld [tilespmem:s10+$0x0];
	v37 =	vbroadcast v37, $0x0;
	_ =	sdelay $0x1  }
0x102: {  	v39 =	vadd.s32 v17, v37;
	_ =	sdelay $0x2  }
0x103: {  	v38 =	vadd.f32 v38, v35;
	_ =	sdelay $0x1  }
0x104: {  	[tilespmem:v39+s19+$0x0] =	vst.idx.msk $0xffff, v38  }
0x105: {  	v38 =	vld [tilespmem:s10+$0x10];
	_ =	sdelay $0x1  }
0x106: {  	v39 =	vadd.s32 v18, v37;
	_ =	sdelay $0x2  }
0x107: {  	v38 =	vadd.f32 v38, v36;
	_ =	sdelay $0x1  }
0x108: {  	[tilespmem:v39+s19+$0x0] =	vst.idx.msk $0xffff, v38  }
0x109: {  	v38 =	vld [tilespmem:s10+$0x20];
	_ =	sdelay $0x1  }
0x10a: {  	v39 =	vadd.s32 v19, v37;
	_ =	sdelay $0x2  }
0x10b: {  	v38 =	vadd.f32 v38, v34;
	_ =	sdelay $0x1  }
0x10c: {  	[tilespmem:v39+s19+$0x0] =	vst.idx.msk $0xffff, v38  }
0x10d: {  	v38 =	vld [tilespmem:s10+$0x30];
	_ =	sdelay $0x1  }
0x10e: {  	v37 =	vadd.s32 v20, v37;
	_ =	sdelay $0x1  }
0x10f: {  	s4 =	sadd.s32 $0x5, s13  }
0x110: {  	v39 =	vmov s4;
	v38 =	vadd.f32 v38, v33  }
0x111: {  	v39 =	vshrl.u32 v39, $0x3  }
0x112: {  	[tilespmem:v37+s19+$0x0] =	vst.idx.msk $0xffff, v38;
	v37 =	vshll.u32 v39, v1  }
0x113: {  	v38 =	vld [tilespmem:s10+$0x40];
	v37 =	vbroadcast v37, $0x0;
	_ =	sdelay $0x1  }
0x114: {  	v39 =	vadd.s32 v21, v37;
	_ =	sdelay $0x2  }
0x115: {  	v38 =	vadd.f32 v38, v35;
	_ =	sdelay $0x1  }
0x116: {  	[tilespmem:v39+s19+$0x0] =	vst.idx.msk $0xffff, v38  }
0x117: {  	v38 =	vld [tilespmem:s10+$0x50];
	_ =	sdelay $0x1  }
0x118: {  	v39 =	vadd.s32 v22, v37;
	_ =	sdelay $0x2  }
0x119: {  	v38 =	vadd.f32 v38, v36;
	_ =	sdelay $0x1  }
0x11a: {  	[tilespmem:v39+s19+$0x0] =	vst.idx.msk $0xffff, v38  }
0x11b: {  	v38 =	vld [tilespmem:s10+$0x60];
	_ =	sdelay $0x1  }
0x11c: {  	v39 =	vadd.s32 v23, v37;
	_ =	sdelay $0x2  }
0x11d: {  	v38 =	vadd.f32 v38, v34;
	_ =	sdelay $0x1  }
0x11e: {  	[tilespmem:v39+s19+$0x0] =	vst.idx.msk $0xffff, v38  }
0x11f: {  	v38 =	vld [tilespmem:s10+$0x70];
	_ =	sdelay $0x1  }
0x120: {  	v37 =	vadd.s32 v24, v37;
	_ =	sdelay $0x1  }
0x121: {  	s4 =	sadd.s32 $0x6, s13  }
0x122: {  	v39 =	vmov s4;
	v38 =	vadd.f32 v38, v33  }
0x123: {  	v39 =	vshrl.u32 v39, $0x3  }
0x124: {  	[tilespmem:v37+s19+$0x0] =	vst.idx.msk $0xffff, v38;
	v37 =	vshll.u32 v39, v1  }
0x125: {  	v38 =	vld [tilespmem:s10+$0x80];
	v37 =	vbroadcast v37, $0x0;
	_ =	sdelay $0x1  }
0x126: {  	v39 =	vadd.s32 v25, v37;
	_ =	sdelay $0x2  }
0x127: {  	v38 =	vadd.f32 v38, v35;
	_ =	sdelay $0x1  }
0x128: {  	[tilespmem:v39+s19+$0x0] =	vst.idx.msk $0xffff, v38  }
0x129: {  	v38 =	vld [tilespmem:s10+$0x90];
	_ =	sdelay $0x1  }
0x12a: {  	v39 =	vadd.s32 v26, v37;
	_ =	sdelay $0x2  }
0x12b: {  	v38 =	vadd.f32 v38, v36;
	_ =	sdelay $0x1  }
0x12c: {  	[tilespmem:v39+s19+$0x0] =	vst.idx.msk $0xffff, v38  }
0x12d: {  	v38 =	vld [tilespmem:s10+$0xA0];
	_ =	sdelay $0x1  }
0x12e: {  	v39 =	vadd.s32 v27, v37;
	_ =	sdelay $0x2  }
0x12f: {  	v38 =	vadd.f32 v38, v34;
	_ =	sdelay $0x1  }
0x130: {  	[tilespmem:v39+s19+$0x0] =	vst.idx.msk $0xffff, v38  }
0x131: {  	v38 =	vld [tilespmem:s10+$0xB0];
	_ =	sdelay $0x1  }
0x132: {  	v37 =	vadd.s32 v28, v37;
	_ =	sdelay $0x1  }
0x133: {  	s4 =	sadd.s32 $0x7, s13;
	s13 =	smov.u32 s15  }
0x134: {  	v39 =	vmov s4;
	v38 =	vadd.f32 v38, v33  }
0x135: {  	v39 =	vshrl.u32 v39, $0x3  }
0x136: {  	[tilespmem:v37+s19+$0x0] =	vst.idx.msk $0xffff, v38;
	v37 =	vshll.u32 v39, v1  }
0x137: {  	v38 =	vld [tilespmem:s10+$0xC0];
	v37 =	vbroadcast v37, $0x0;
	_ =	sdelay $0x1  }
0x138: {  	v39 =	vadd.s32 v29, v37;
	_ =	sdelay $0x2  }
0x139: {  	v38 =	vadd.f32 v38, v35;
	_ =	sdelay $0x1  }
0x13a: {  	[tilespmem:v39+s19+$0x0] =	vst.idx.msk $0xffff, v38  }
0x13b: {  	v38 =	vld [tilespmem:s10+$0xD0];
	_ =	sdelay $0x1  }
0x13c: {  	v39 =	vadd.s32 v30, v37;
	_ =	sdelay $0x2  }
0x13d: {  	v38 =	vadd.f32 v38, v36;
	_ =	sdelay $0x1  }
0x13e: {  	[tilespmem:v39+s19+$0x0] =	vst.idx.msk $0xffff, v38  }
0x13f: {  	v38 =	vld [tilespmem:s10+$0xE0];
	_ =	sdelay $0x1  }
0x140: {  	v39 =	vadd.s32 v31, v37;
	_ =	sdelay $0x2  }
0x141: {  	v38 =	vadd.f32 v38, v34;
	_ =	sdelay $0x1  }
0x142: {  	[tilespmem:v39+s19+$0x0] =	vst.idx.msk $0xffff, v38  }
0x143: {  	v38 =	vld [tilespmem:s10+$0xF0];
	_ =	sdelay $0x1  }
.Ltmp0:
0x144: {  	v37 =	vadd.s32 v32, v37;
	(pc) =	sbr.rel @p0 .LBB2_3-.Ltmp0, $3  }
0x145: {  	_ =	sdelay $0x1  }
0x146: {  	v39 =	vmov s13;
	v38 =	vadd.f32 v38, v33  }
0x147: {  	v39 =	vshrl.u32 v39, $0x3  }
0x148: {  	_ =	sdelay $0x3  }
0x149: {  	v39 =	vshll.u32 v39, v1;
	[tilespmem:v37+s19+$0x0] =	vst.idx.msk $0xffff, v38;
	s4 =	sadd.s32 $0x200, s10  }
0x14a: {  	v37 =	vld [tilespmem:s4+$0xFFFFFF00];
	v45 =	vbroadcast v39, $0x0;
	_ =	sdelay $0x1  }
0x14b: {  	v39 =	vadd.s32 v0, v45;
	_ =	sdelay $0x2  }
0x14c: {  	v37 =	vadd.f32 v37, v35;
	_ =	sdelay $0x1  }
0x14d: {  	[tilespmem:v39+s19+$0x0] =	vst.idx.msk $0xffff, v37  }
0x14e: {  	v37 =	vld [tilespmem:s4+$0xFFFFFF10];
	_ =	sdelay $0x1  }
0x14f: {  	v46 =	vadd.s32 v2, v45;
	_ =	sdelay $0x2  }
0x150: {  	v37 =	vadd.f32 v37, v36;
	_ =	sdelay $0x1  }
0x151: {  	[tilespmem:v46+s19+$0x0] =	vst.idx.msk $0xffff, v37  }
0x152: {  	v37 =	vld [tilespmem:s4+$0xFFFFFF20];
	_ =	sdelay $0x1  }
0x153: {  	v47 =	vadd.s32 v3, v45;
	_ =	sdelay $0x2  }
0x154: {  	v37 =	vadd.f32 v37, v34;
	_ =	sdelay $0x1  }
0x155: {  	[tilespmem:v47+s19+$0x0] =	vst.idx.msk $0xffff, v37  }
0x156: {  	v37 =	vld [tilespmem:s4+$0xFFFFFF30];
	_ =	sdelay $0x1  }
0x157: {  	v38 =	vadd.s32 v4, v45;
	_ =	sdelay $0x1  }
0x158: {  	s7 =	sadd.s32 $0x1, s13  }
0x159: {  	v48 =	vmov s7;
	v37 =	vadd.f32 v37, v33  }
0x15a: {  	v39 =	vshrl.u32 v48, $0x3  }
0x15b: {  	v49 =	vshll.u32 v39, v1;
	[tilespmem:v38+s19+$0x0] =	vst.idx.msk $0xffff, v37  }
0x15c: {  	v37 =	vbroadcast v49, $0x0;
	v38 =	vld [tilespmem:s4+$0xFFFFFF40];
	_ =	sdelay $0x1  }
0x15d: {  	v50 =	vadd.s32 v5, v37;
	_ =	sdelay $0x2  }
0x15e: {  	v38 =	vadd.f32 v38, v35;
	_ =	sdelay $0x1  }
0x15f: {  	[tilespmem:v50+s19+$0x0] =	vst.idx.msk $0xffff, v38  }
0x160: {  	v38 =	vld [tilespmem:s4+$0xFFFFFF50];
	_ =	sdelay $0x1  }
0x161: {  	v51 =	vadd.s32 v6, v37;
	_ =	sdelay $0x2  }
0x162: {  	v38 =	vadd.f32 v38, v36;
	_ =	sdelay $0x1  }
0x163: {  	[tilespmem:v51+s19+$0x0] =	vst.idx.msk $0xffff, v38  }
0x164: {  	v38 =	vld [tilespmem:s4+$0xFFFFFF60];
	_ =	sdelay $0x1  }
0x165: {  	v52 =	vadd.s32 v7, v37;
	_ =	sdelay $0x2  }
0x166: {  	v38 =	vadd.f32 v38, v34;
	_ =	sdelay $0x1  }
0x167: {  	[tilespmem:v52+s19+$0x0] =	vst.idx.msk $0xffff, v38  }
0x168: {  	v38 =	vld [tilespmem:s4+$0xFFFFFF70];
	_ =	sdelay $0x1  }
0x169: {  	v37 =	vadd.s32 v8, v37;
	_ =	sdelay $0x1  }
0x16a: {  	s14 =	sadd.s32 $0x2, s13  }
0x16b: {  	v53 =	vmov s14;
	v38 =	vadd.f32 v38, v33  }
0x16c: {  	v39 =	vshrl.u32 v53, $0x3  }
0x16d: {  	v54 =	vshll.u32 v39, v1;
	[tilespmem:v37+s19+$0x0] =	vst.idx.msk $0xffff, v38  }
0x16e: {  	v37 =	vbroadcast v54, $0x0;
	v38 =	vld [tilespmem:s4+$0xFFFFFF80];
	_ =	sdelay $0x1  }
0x16f: {  	v55 =	vadd.s32 v9, v37;
	_ =	sdelay $0x2  }
0x170: {  	v38 =	vadd.f32 v38, v35;
	_ =	sdelay $0x1  }
0x171: {  	[tilespmem:v55+s19+$0x0] =	vst.idx.msk $0xffff, v38  }
0x172: {  	v38 =	vld [tilespmem:s4+$0xFFFFFF90];
	_ =	sdelay $0x1  }
0x173: {  	v56 =	vadd.s32 v10, v37;
	_ =	sdelay $0x2  }
0x174: {  	v38 =	vadd.f32 v38, v36;
	_ =	sdelay $0x1  }
0x175: {  	[tilespmem:v56+s19+$0x0] =	vst.idx.msk $0xffff, v38  }
0x176: {  	v38 =	vld [tilespmem:s4+$0xFFFFFFA0];
	_ =	sdelay $0x1  }
0x177: {  	v57 =	vadd.s32 v11, v37;
	_ =	sdelay $0x2  }
0x178: {  	v38 =	vadd.f32 v38, v34;
	_ =	sdelay $0x1  }
0x179: {  	[tilespmem:v57+s19+$0x0] =	vst.idx.msk $0xffff, v38  }
0x17a: {  	v38 =	vld [tilespmem:s4+$0xFFFFFFB0];
	_ =	sdelay $0x1  }
0x17b: {  	v37 =	vadd.s32 v12, v37;
	_ =	sdelay $0x1  }
0x17c: {  	s15 =	sadd.s32 $0x3, s13  }
0x17d: {  	v58 =	vmov s15;
	v38 =	vadd.f32 v38, v33  }
0x17e: {  	v39 =	vshrl.u32 v58, $0x3  }
0x17f: {  	v59 =	vshll.u32 v39, v1;
	[tilespmem:v37+s19+$0x0] =	vst.idx.msk $0xffff, v38  }
0x180: {  	v37 =	vbroadcast v59, $0x0;
	v38 =	vld [tilespmem:s4+$0xFFFFFFC0];
	_ =	sdelay $0x1  }
0x181: {  	v60 =	vadd.s32 v13, v37;
	_ =	sdelay $0x2  }
0x182: {  	v38 =	vadd.f32 v38, v35;
	_ =	sdelay $0x1  }
0x183: {  	[tilespmem:v60+s19+$0x0] =	vst.idx.msk $0xffff, v38  }
0x184: {  	v38 =	vld [tilespmem:s4+$0xFFFFFFD0];
	_ =	sdelay $0x1  }
0x185: {  	v61 =	vadd.s32 v14, v37;
	_ =	sdelay $0x2  }
0x186: {  	v38 =	vadd.f32 v38, v36;
	_ =	sdelay $0x1  }
0x187: {  	[tilespmem:v61+s19+$0x0] =	vst.idx.msk $0xffff, v38  }
0x188: {  	v38 =	vld [tilespmem:s4+$0xFFFFFFE0];
	_ =	sdelay $0x1  }
0x189: {  	v62 =	vadd.s32 v15, v37;
	_ =	sdelay $0x2  }
0x18a: {  	v38 =	vadd.f32 v38, v34;
	_ =	sdelay $0x1  }
0x18b: {  	[tilespmem:v62+s19+$0x0] =	vst.idx.msk $0xffff, v38  }
0x18c: {  	v38 =	vld [tilespmem:s4+$0xFFFFFFF0];
	_ =	sdelay $0x1  }
0x18d: {  	v37 =	vadd.s32 v16, v37;
	_ =	sdelay $0x1  }
0x18e: {  	s16 =	sadd.s32 $0x4, s13  }
0x18f: {  	v63 =	vmov s16;
	v38 =	vadd.f32 v38, v33  }
0x190: {  	v39 =	vshrl.u32 v63, $0x3  }
0x191: {  	v41 =	vshll.u32 v39, v1;
	[tilespmem:v37+s19+$0x0] =	vst.idx.msk $0xffff, v38  }
0x192: {  	v37 =	vbroadcast v41, $0x0;
	v38 =	vld [tilespmem:s4+$0x0];
	_ =	sdelay $0x1  }
0x193: {  	v42 =	vadd.s32 v17, v37;
	_ =	sdelay $0x2  }
0x194: {  	v38 =	vadd.f32 v38, v35;
	_ =	sdelay $0x1  }
0x195: {  	[tilespmem:v42+s19+$0x0] =	vst.idx.msk $0xffff, v38  }
0x196: {  	v38 =	vld [tilespmem:s4+$0x10];
	_ =	sdelay $0x1  }
0x197: {  	v43 =	vadd.s32 v18, v37;
	_ =	sdelay $0x2  }
0x198: {  	v38 =	vadd.f32 v38, v36;
	_ =	sdelay $0x1  }
0x199: {  	[tilespmem:v43+s19+$0x0] =	vst.idx.msk $0xffff, v38  }
0x19a: {  	v38 =	vld [tilespmem:s4+$0x20];
	_ =	sdelay $0x1  }
0x19b: {  	v44 =	vadd.s32 v19, v37;
	_ =	sdelay $0x2  }
0x19c: {  	v38 =	vadd.f32 v38, v34;
	_ =	sdelay $0x1  }
0x19d: {  	[tilespmem:v44+s19+$0x0] =	vst.idx.msk $0xffff, v38  }
0x19e: {  	v38 =	vld [tilespmem:s4+$0x30];
	_ =	sdelay $0x1  }
0x19f: {  	v37 =	vadd.s32 v20, v37;
	_ =	sdelay $0x1  }
0x1a0: {  	s7 =	sadd.s32 $0x5, s13  }
0x1a1: {  	v45 =	vmov s7;
	v38 =	vadd.f32 v38, v33  }
0x1a2: {  	v39 =	vshrl.u32 v45, $0x3  }
0x1a3: {  	v46 =	vshll.u32 v39, v1;
	[tilespmem:v37+s19+$0x0] =	vst.idx.msk $0xffff, v38  }
0x1a4: {  	v37 =	vbroadcast v46, $0x0;
	v38 =	vld [tilespmem:s4+$0x40];
	_ =	sdelay $0x1  }
0x1a5: {  	v47 =	vadd.s32 v21, v37;
	_ =	sdelay $0x2  }
0x1a6: {  	v38 =	vadd.f32 v38, v35;
	_ =	sdelay $0x1  }
0x1a7: {  	[tilespmem:v47+s19+$0x0] =	vst.idx.msk $0xffff, v38  }
0x1a8: {  	v38 =	vld [tilespmem:s4+$0x50];
	_ =	sdelay $0x1  }
0x1a9: {  	v48 =	vadd.s32 v22, v37;
	_ =	sdelay $0x2  }
0x1aa: {  	v38 =	vadd.f32 v38, v36;
	_ =	sdelay $0x1  }
0x1ab: {  	[tilespmem:v48+s19+$0x0] =	vst.idx.msk $0xffff, v38  }
0x1ac: {  	v38 =	vld [tilespmem:s4+$0x60];
	_ =	sdelay $0x1  }
0x1ad: {  	v49 =	vadd.s32 v23, v37;
	_ =	sdelay $0x2  }
0x1ae: {  	v38 =	vadd.f32 v38, v34;
	_ =	sdelay $0x1  }
0x1af: {  	[tilespmem:v49+s19+$0x0] =	vst.idx.msk $0xffff, v38  }
0x1b0: {  	v38 =	vld [tilespmem:s4+$0x70];
	_ =	sdelay $0x1  }
0x1b1: {  	v37 =	vadd.s32 v24, v37;
	_ =	sdelay $0x1  }
0x1b2: {  	s14 =	sadd.s32 $0x6, s13  }
0x1b3: {  	v50 =	vmov s14;
	v38 =	vadd.f32 v38, v33  }
0x1b4: {  	v39 =	vshrl.u32 v50, $0x3  }
0x1b5: {  	v51 =	vshll.u32 v39, v1;
	[tilespmem:v37+s19+$0x0] =	vst.idx.msk $0xffff, v38  }
0x1b6: {  	v37 =	vbroadcast v51, $0x0;
	v38 =	vld [tilespmem:s4+$0x80];
	_ =	sdelay $0x1  }
0x1b7: {  	v52 =	vadd.s32 v25, v37;
	_ =	sdelay $0x2  }
0x1b8: {  	v38 =	vadd.f32 v38, v35;
	_ =	sdelay $0x1  }
0x1b9: {  	[tilespmem:v52+s19+$0x0] =	vst.idx.msk $0xffff, v38  }
0x1ba: {  	v38 =	vld [tilespmem:s4+$0x90];
	_ =	sdelay $0x1  }
0x1bb: {  	v53 =	vadd.s32 v26, v37;
	_ =	sdelay $0x2  }
0x1bc: {  	v38 =	vadd.f32 v38, v36;
	_ =	sdelay $0x1  }
0x1bd: {  	[tilespmem:v53+s19+$0x0] =	vst.idx.msk $0xffff, v38  }
0x1be: {  	v38 =	vld [tilespmem:s4+$0xA0];
	_ =	sdelay $0x1  }
0x1bf: {  	v54 =	vadd.s32 v27, v37;
	_ =	sdelay $0x2  }
0x1c0: {  	v38 =	vadd.f32 v38, v34;
	_ =	sdelay $0x1  }
0x1c1: {  	[tilespmem:v54+s19+$0x0] =	vst.idx.msk $0xffff, v38  }
0x1c2: {  	v38 =	vld [tilespmem:s4+$0xB0];
	_ =	sdelay $0x1  }
0x1c3: {  	v37 =	vadd.s32 v28, v37;
	_ =	sdelay $0x1  }
0x1c4: {  	s15 =	sadd.s32 $0x7, s13  }
0x1c5: {  	v55 =	vmov s15;
	v38 =	vadd.f32 v38, v33  }
0x1c6: {  	v39 =	vshrl.u32 v55, $0x3  }
0x1c7: {  	v56 =	vshll.u32 v39, v1;
	[tilespmem:v37+s19+$0x0] =	vst.idx.msk $0xffff, v38  }
0x1c8: {  	v37 =	vbroadcast v56, $0x0;
	v38 =	vld [tilespmem:s4+$0xC0];
	_ =	sdelay $0x1  }
0x1c9: {  	v57 =	vadd.s32 v29, v37;
	_ =	sdelay $0x2  }
0x1ca: {  	v58 =	vadd.f32 v38, v35;
	_ =	sdelay $0x1  }
0x1cb: {  	[tilespmem:v57+s19+$0x0] =	vst.idx.msk $0xffff, v58  }
0x1cc: {  	v35 =	vld [tilespmem:s4+$0xD0];
	_ =	sdelay $0x1  }
0x1cd: {  	v59 =	vadd.s32 v30, v37;
	_ =	sdelay $0x2  }
0x1ce: {  	v35 =	vadd.f32 v35, v36;
	_ =	sdelay $0x1  }
0x1cf: {  	[tilespmem:v59+s19+$0x0] =	vst.idx.msk $0xffff, v35  }
0x1d0: {  	v35 =	vld [tilespmem:s4+$0xE0];
	_ =	sdelay $0x1  }
0x1d1: {  	v60 =	vadd.s32 v31, v37;
	_ =	sdelay $0x2  }
0x1d2: {  	v61 =	vadd.f32 v35, v34;
	_ =	sdelay $0x1  }
0x1d3: {  	[tilespmem:v60+s19+$0x0] =	vst.idx.msk $0xffff, v61  }
0x1d4: {  	v34 =	vld [tilespmem:s4+$0xF0];
	_ =	sdelay $0x1  }
0x1d5: {  	v62 =	vadd.s32 v32, v37  }
0x1d6: {  	s16 =	sshll.u32 s0, $0x14  }
0x1d7: {  	s4 =	sor.u32 s5, s16  }
0x1d8: {  	s4 =	sshrl.u32 s4, $0x3;
	v63 =	vadd.f32 v34, v33  }
0x1d9: {  	s10 =	simm.s32 $0x6400;
	s4 =	sadd.s32 s6, s4  }
0x1da: {  	s13 =	simm.s32 $0x200;
	s14 =	simm.s32 $0x6488;
	s15 =	sadd.s32 $0x0, s4;
	[tilespmem:v62+s19+$0x0] =	vst.idx.msk $0xffff, v63  }
.LBB2_5:
0x1db: {  	[hbm4b:s15+s1] =	stream.linear.scatter [tilespmem:s10], [sflag:$0x5], $0x80, $0x38;
	[tilespmem:$0x19E00] =	vst v63  }
0x1dc: {  	s15 =	smov.u32 s13;
	s10 =	smov.u32 s14;
	p0 =	sne.s32 s13, $0x7E00  }
.Ltmp1:
0x1dd: {  	s13 =	sadd.s32 $0x200, s13;
	(pc) =	sbr.rel @p0 .LBB2_5-.Ltmp1, $2  }
0x1de: {  	_ =	sdelay $0x2  }
0x1df: {  	s14 =	sadd.s32 $0x88, s14;
	s15 =	sadd.s32 s15, s4  }
0x1e0: {  	[hbm4b:s15+s1] =	stream.linear.scatter [tilespmem:s10], [sflag:$0x5], $0x80, $0x38;
	[tilespmem:$0x19E00] =	vst v63  }
0x1e1: {  	p0 =	seq.s32 s0, $0x31  }
0x1e2: {  	s4 =	simm.s32 @!p0 $0x5  }
0x1e3: {  	s10 =	sshll.u32 @!p0 s0, $0x9;
	_ =	swait.ge @!p0 [sflag:s4], $0x2000  }
0x1e4: {  	s13 =	simm.s32 @!p0 $0x80;
	s10 =	sand.u32 @!p0 $0x3FFFFE00, s10;
	[sflag:s4] =	ssyncset.done @!p0 $0x0  }
0x1e5: {  	s14 =	simm.s32 @!p0 $0x11E00;
	[sflag:s4] =	ssyncadd.s32 @!p0 $0xFFFFE000;
	s4 =	sadd.s32 @!p0 $0x200, s10  }
0x1e6: {  	[tilespmem:s14], [sflag:$0x1] =	stream.indirect.gather @!p0 [hbm4b:s3+s13], $0x40, s4, s13, $0xb8;
	[tilespmem:$0x19E00] =	vst v63  }
0x1e7: {  	s16 =	simm.s32 $0x0;
	s13 =	sor.u32 $0x1, s12;
	_ =	swait.ge [sflag:s20], $0x2000  }
0x1e8: {  	v33 =	vmov s16;
	s7 =	sshll.u32 s13, $0x6;
	[sflag:s20] =	ssyncset.done $0x0  }
0x1e9: {  	v33 =	vshrl.u32 v33, $0x3;
	s15 =	sand.u32 $0x3FFFFFC0, s7;
	[sflag:s20] =	ssyncadd.s32 $0xFFFFE000  }
0x1ea: {  	v33 =	vshll.u32 v33, v1;
	s14 =	simm.s32 $0x13F00;
	v35 =	vld [tilespmem:s15+$0xEC00]  }
0x1eb: {  	v38 =	vbroadcast v33, $0x0;
	v37 =	vld [tilespmem:s14+$0xFFFFFF00];
	_ =	sdelay $0x1  }
0x1ec: {  	v39 =	vadd.s32 v0, v38;
	_ =	sdelay $0x2  }
0x1ed: {  	v36 =	vld [tilespmem:s15+$0xEC10];
	v37 =	vadd.f32 v37, v35  }
0x1ee: {  	v34 =	vld [tilespmem:s15+$0xEC20]  }
0x1ef: {  	v33 =	vld [tilespmem:s15+$0xEC30];
	[tilespmem:v39+s21+$0x0] =	vst.idx.msk $0xffff, v37  }
0x1f0: {  	v37 =	vld [tilespmem:s14+$0xFFFFFF10];
	_ =	sdelay $0x1  }
0x1f1: {  	v48 =	vadd.s32 v2, v38;
	_ =	sdelay $0x2  }
0x1f2: {  	v37 =	vadd.f32 v37, v36;
	_ =	sdelay $0x1  }
0x1f3: {  	[tilespmem:v48+s21+$0x0] =	vst.idx.msk $0xffff, v37  }
0x1f4: {  	v37 =	vld [tilespmem:s14+$0xFFFFFF20];
	_ =	sdelay $0x1  }
0x1f5: {  	v49 =	vadd.s32 v3, v38;
	_ =	sdelay $0x2  }
0x1f6: {  	v37 =	vadd.f32 v37, v34;
	_ =	sdelay $0x1  }
0x1f7: {  	[tilespmem:v49+s21+$0x0] =	vst.idx.msk $0xffff, v37  }
0x1f8: {  	v37 =	vld [tilespmem:s14+$0xFFFFFF30];
	_ =	sdelay $0x1  }
0x1f9: {  	v38 =	vadd.s32 v4, v38;
	_ =	sdelay $0x1  }
0x1fa: {  	s16 =	simm.s32 $0x1  }
0x1fb: {  	v50 =	vmov s16;
	v37 =	vadd.f32 v37, v33  }
0x1fc: {  	v39 =	vshrl.u32 v50, $0x3  }
0x1fd: {  	v51 =	vshll.u32 v39, v1;
	[tilespmem:v38+s21+$0x0] =	vst.idx.msk $0xffff, v37  }
0x1fe: {  	v37 =	vbroadcast v51, $0x0;
	v38 =	vld [tilespmem:s14+$0xFFFFFF40];
	_ =	sdelay $0x1  }
0x1ff: {  	v52 =	vadd.s32 v5, v37;
	_ =	sdelay $0x2  }
0x200: {  	v38 =	vadd.f32 v38, v35;
	_ =	sdelay $0x1  }
0x201: {  	[tilespmem:v52+s21+$0x0] =	vst.idx.msk $0xffff, v38  }
0x202: {  	v38 =	vld [tilespmem:s14+$0xFFFFFF50];
	_ =	sdelay $0x1  }
0x203: {  	v53 =	vadd.s32 v6, v37;
	_ =	sdelay $0x2  }
0x204: {  	v38 =	vadd.f32 v38, v36;
	_ =	sdelay $0x1  }
0x205: {  	[tilespmem:v53+s21+$0x0] =	vst.idx.msk $0xffff, v38  }
0x206: {  	v38 =	vld [tilespmem:s14+$0xFFFFFF60];
	_ =	sdelay $0x1  }
0x207: {  	v54 =	vadd.s32 v7, v37;
	_ =	sdelay $0x2  }
0x208: {  	v38 =	vadd.f32 v38, v34;
	_ =	sdelay $0x1  }
0x209: {  	[tilespmem:v54+s21+$0x0] =	vst.idx.msk $0xffff, v38  }
0x20a: {  	v38 =	vld [tilespmem:s14+$0xFFFFFF70];
	_ =	sdelay $0x1  }
0x20b: {  	v37 =	vadd.s32 v8, v37;
	_ =	sdelay $0x1  }
0x20c: {  	s7 =	simm.s32 $0x2  }
0x20d: {  	v55 =	vmov s7;
	v38 =	vadd.f32 v38, v33  }
0x20e: {  	v39 =	vshrl.u32 v55, $0x3  }
0x20f: {  	v56 =	vshll.u32 v39, v1;
	[tilespmem:v37+s21+$0x0] =	vst.idx.msk $0xffff, v38  }
0x210: {  	v37 =	vbroadcast v56, $0x0;
	v38 =	vld [tilespmem:s14+$0xFFFFFF80];
	_ =	sdelay $0x1  }
0x211: {  	v57 =	vadd.s32 v9, v37;
	_ =	sdelay $0x2  }
0x212: {  	v38 =	vadd.f32 v38, v35;
	_ =	sdelay $0x1  }
0x213: {  	[tilespmem:v57+s21+$0x0] =	vst.idx.msk $0xffff, v38  }
0x214: {  	v38 =	vld [tilespmem:s14+$0xFFFFFF90];
	_ =	sdelay $0x1  }
0x215: {  	v58 =	vadd.s32 v10, v37;
	_ =	sdelay $0x2  }
0x216: {  	v38 =	vadd.f32 v38, v36;
	_ =	sdelay $0x1  }
0x217: {  	[tilespmem:v58+s21+$0x0] =	vst.idx.msk $0xffff, v38  }
0x218: {  	v38 =	vld [tilespmem:s14+$0xFFFFFFA0];
	_ =	sdelay $0x1  }
0x219: {  	v59 =	vadd.s32 v11, v37;
	_ =	sdelay $0x2  }
0x21a: {  	v38 =	vadd.f32 v38, v34;
	_ =	sdelay $0x1  }
0x21b: {  	[tilespmem:v59+s21+$0x0] =	vst.idx.msk $0xffff, v38  }
0x21c: {  	v38 =	vld [tilespmem:s14+$0xFFFFFFB0];
	_ =	sdelay $0x1  }
0x21d: {  	v37 =	vadd.s32 v12, v37;
	_ =	sdelay $0x1  }
0x21e: {  	s15 =	simm.s32 $0x3  }
0x21f: {  	v60 =	vmov s15;
	v38 =	vadd.f32 v38, v33  }
0x220: {  	v39 =	vshrl.u32 v60, $0x3  }
0x221: {  	v61 =	vshll.u32 v39, v1;
	[tilespmem:v37+s21+$0x0] =	vst.idx.msk $0xffff, v38  }
0x222: {  	v37 =	vbroadcast v61, $0x0;
	v38 =	vld [tilespmem:s14+$0xFFFFFFC0];
	_ =	sdelay $0x1  }
0x223: {  	v62 =	vadd.s32 v13, v37;
	_ =	sdelay $0x2  }
0x224: {  	v38 =	vadd.f32 v38, v35;
	_ =	sdelay $0x1  }
0x225: {  	[tilespmem:v62+s21+$0x0] =	vst.idx.msk $0xffff, v38  }
0x226: {  	v38 =	vld [tilespmem:s14+$0xFFFFFFD0];
	_ =	sdelay $0x1  }
0x227: {  	v63 =	vadd.s32 v14, v37;
	_ =	sdelay $0x2  }
0x228: {  	v38 =	vadd.f32 v38, v36;
	_ =	sdelay $0x1  }
0x229: {  	[tilespmem:v63+s21+$0x0] =	vst.idx.msk $0xffff, v38  }
0x22a: {  	v38 =	vld [tilespmem:s14+$0xFFFFFFE0];
	_ =	sdelay $0x1  }
0x22b: {  	v42 =	vadd.s32 v15, v37;
	_ =	sdelay $0x2  }
0x22c: {  	v38 =	vadd.f32 v38, v34;
	_ =	sdelay $0x1  }
0x22d: {  	[tilespmem:v42+s21+$0x0] =	vst.idx.msk $0xffff, v38  }
0x22e: {  	v38 =	vld [tilespmem:s14+$0xFFFFFFF0];
	_ =	sdelay $0x1  }
0x22f: {  	v37 =	vadd.s32 v16, v37;
	_ =	sdelay $0x1  }
0x230: {  	s16 =	simm.s32 $0x4  }
0x231: {  	v43 =	vmov s16;
	v38 =	vadd.f32 v38, v33  }
0x232: {  	v39 =	vshrl.u32 v43, $0x3  }
0x233: {  	v44 =	vshll.u32 v39, v1;
	[tilespmem:v37+s21+$0x0] =	vst.idx.msk $0xffff, v38  }
0x234: {  	v37 =	vbroadcast v44, $0x0;
	v38 =	vld [tilespmem:s14+$0x0];
	_ =	sdelay $0x1  }
0x235: {  	v45 =	vadd.s32 v17, v37;
	_ =	sdelay $0x2  }
0x236: {  	v38 =	vadd.f32 v38, v35;
	_ =	sdelay $0x1  }
0x237: {  	[tilespmem:v45+s21+$0x0] =	vst.idx.msk $0xffff, v38  }
0x238: {  	v38 =	vld [tilespmem:s14+$0x10];
	_ =	sdelay $0x1  }
0x239: {  	v46 =	vadd.s32 v18, v37;
	_ =	sdelay $0x2  }
0x23a: {  	v38 =	vadd.f32 v38, v36;
	_ =	sdelay $0x1  }
0x23b: {  	[tilespmem:v46+s21+$0x0] =	vst.idx.msk $0xffff, v38  }
0x23c: {  	v38 =	vld [tilespmem:s14+$0x20];
	_ =	sdelay $0x1  }
0x23d: {  	v47 =	vadd.s32 v19, v37;
	_ =	sdelay $0x2  }
0x23e: {  	v38 =	vadd.f32 v38, v34;
	_ =	sdelay $0x1  }
0x23f: {  	[tilespmem:v47+s21+$0x0] =	vst.idx.msk $0xffff, v38  }
0x240: {  	v38 =	vld [tilespmem:s14+$0x30];
	_ =	sdelay $0x1  }
0x241: {  	v37 =	vadd.s32 v20, v37;
	_ =	sdelay $0x1  }
0x242: {  	s7 =	simm.s32 $0x5  }
0x243: {  	v48 =	vmov s7;
	v38 =	vadd.f32 v38, v33  }
0x244: {  	v39 =	vshrl.u32 v48, $0x3  }
0x245: {  	v49 =	vshll.u32 v39, v1;
	[tilespmem:v37+s21+$0x0] =	vst.idx.msk $0xffff, v38  }
0x246: {  	v37 =	vbroadcast v49, $0x0;
	v38 =	vld [tilespmem:s14+$0x40];
	_ =	sdelay $0x1  }
0x247: {  	v50 =	vadd.s32 v21, v37;
	_ =	sdelay $0x2  }
0x248: {  	v38 =	vadd.f32 v38, v35;
	_ =	sdelay $0x1  }
0x249: {  	[tilespmem:v50+s21+$0x0] =	vst.idx.msk $0xffff, v38  }
0x24a: {  	v38 =	vld [tilespmem:s14+$0x50];
	_ =	sdelay $0x1  }
0x24b: {  	v51 =	vadd.s32 v22, v37;
	_ =	sdelay $0x2  }
0x24c: {  	v38 =	vadd.f32 v38, v36;
	_ =	sdelay $0x1  }
0x24d: {  	[tilespmem:v51+s21+$0x0] =	vst.idx.msk $0xffff, v38  }
0x24e: {  	v38 =	vld [tilespmem:s14+$0x60];
	_ =	sdelay $0x1  }
0x24f: {  	v52 =	vadd.s32 v23, v37;
	_ =	sdelay $0x2  }
0x250: {  	v38 =	vadd.f32 v38, v34;
	_ =	sdelay $0x1  }
0x251: {  	[tilespmem:v52+s21+$0x0] =	vst.idx.msk $0xffff, v38  }
0x252: {  	v38 =	vld [tilespmem:s14+$0x70];
	_ =	sdelay $0x1  }
0x253: {  	v37 =	vadd.s32 v24, v37;
	_ =	sdelay $0x1  }
0x254: {  	s15 =	simm.s32 $0x6  }
0x255: {  	v53 =	vmov s15;
	v38 =	vadd.f32 v38, v33  }
0x256: {  	v39 =	vshrl.u32 v53, $0x3  }
0x257: {  	v54 =	vshll.u32 v39, v1;
	[tilespmem:v37+s21+$0x0] =	vst.idx.msk $0xffff, v38  }
0x258: {  	v37 =	vbroadcast v54, $0x0;
	v38 =	vld [tilespmem:s14+$0x80];
	_ =	sdelay $0x1  }
0x259: {  	v55 =	vadd.s32 v25, v37;
	_ =	sdelay $0x2  }
0x25a: {  	v38 =	vadd.f32 v38, v35;
	_ =	sdelay $0x1  }
0x25b: {  	[tilespmem:v55+s21+$0x0] =	vst.idx.msk $0xffff, v38  }
0x25c: {  	v38 =	vld [tilespmem:s14+$0x90];
	_ =	sdelay $0x1  }
0x25d: {  	v56 =	vadd.s32 v26, v37;
	_ =	sdelay $0x2  }
0x25e: {  	v38 =	vadd.f32 v38, v36;
	_ =	sdelay $0x1  }
0x25f: {  	[tilespmem:v56+s21+$0x0] =	vst.idx.msk $0xffff, v38  }
0x260: {  	v38 =	vld [tilespmem:s14+$0xA0];
	_ =	sdelay $0x1  }
0x261: {  	v57 =	vadd.s32 v27, v37;
	_ =	sdelay $0x2  }
0x262: {  	v38 =	vadd.f32 v38, v34;
	_ =	sdelay $0x1  }
0x263: {  	[tilespmem:v57+s21+$0x0] =	vst.idx.msk $0xffff, v38  }
0x264: {  	v38 =	vld [tilespmem:s14+$0xB0];
	_ =	sdelay $0x1  }
0x265: {  	v37 =	vadd.s32 v28, v37;
	_ =	sdelay $0x1  }
0x266: {  	s16 =	simm.s32 $0x7  }
0x267: {  	v58 =	vmov s16;
	v38 =	vadd.f32 v38, v33  }
0x268: {  	v39 =	vshrl.u32 v58, $0x3  }
0x269: {  	v59 =	vshll.u32 v39, v1;
	[tilespmem:v37+s21+$0x0] =	vst.idx.msk $0xffff, v38  }
0x26a: {  	v37 =	vbroadcast v59, $0x0;
	v38 =	vld [tilespmem:s14+$0xC0];
	_ =	sdelay $0x1  }
0x26b: {  	v60 =	vadd.s32 v29, v37;
	_ =	sdelay $0x2  }
0x26c: {  	v38 =	vadd.f32 v38, v35;
	_ =	sdelay $0x1  }
0x26d: {  	[tilespmem:v60+s21+$0x0] =	vst.idx.msk $0xffff, v38  }
0x26e: {  	v38 =	vld [tilespmem:s14+$0xD0];
	_ =	sdelay $0x1  }
0x26f: {  	v61 =	vadd.s32 v30, v37;
	_ =	sdelay $0x2  }
0x270: {  	v38 =	vadd.f32 v38, v36;
	_ =	sdelay $0x1  }
0x271: {  	[tilespmem:v61+s21+$0x0] =	vst.idx.msk $0xffff, v38  }
0x272: {  	v38 =	vld [tilespmem:s14+$0xE0];
	_ =	sdelay $0x1  }
0x273: {  	v62 =	vadd.s32 v31, v37;
	_ =	sdelay $0x2  }
0x274: {  	v38 =	vadd.f32 v38, v34;
	_ =	sdelay $0x1  }
0x275: {  	[tilespmem:v62+s21+$0x0] =	vst.idx.msk $0xffff, v38  }
0x276: {  	v38 =	vld [tilespmem:s14+$0xF0];
	_ =	sdelay $0x1  }
0x277: {  	v37 =	vadd.s32 v32, v37  }
0x278: {  	s15 =	simm.s32 $0x8  }
0x279: {  	v63 =	vmov s15  }
0x27a: {  	s16 =	simm.s32 $0x10;
	v39 =	vshrl.u32 v63, $0x3;
	v38 =	vadd.f32 v38, v33  }
.LBB2_7:
0x27b: {  	p1 =	slt.u32 s16, $0x78  }
0x27c: {  	v39 =	vshll.u32 v39, v1;
	[tilespmem:v37+s21+$0x0] =	vst.idx.msk $0xffff, v38;
	s14 =	sadd.s32 $0x200, s14;
	s4 =	smov.u32 s16;
	s16 =	sadd.s32 $0x8, s16  }
0x27d: {  	v37 =	vld [tilespmem:s14+$0xFFFFFF00];
	v38 =	vbroadcast v39, $0x0;
	_ =	sdelay $0x1  }
0x27e: {  	v39 =	vadd.s32 v0, v38;
	_ =	sdelay $0x2  }
0x27f: {  	v37 =	vadd.f32 v37, v35;
	_ =	sdelay $0x1  }
0x280: {  	[tilespmem:v39+s21+$0x0] =	vst.idx.msk $0xffff, v37  }
0x281: {  	v37 =	vld [tilespmem:s14+$0xFFFFFF10];
	_ =	sdelay $0x1  }
0x282: {  	v39 =	vadd.s32 v2, v38;
	_ =	sdelay $0x2  }
0x283: {  	v37 =	vadd.f32 v37, v36;
	_ =	sdelay $0x1  }
0x284: {  	[tilespmem:v39+s21+$0x0] =	vst.idx.msk $0xffff, v37  }
0x285: {  	v37 =	vld [tilespmem:s14+$0xFFFFFF20];
	_ =	sdelay $0x1  }
0x286: {  	v39 =	vadd.s32 v3, v38;
	_ =	sdelay $0x2  }
0x287: {  	v37 =	vadd.f32 v37, v34;
	_ =	sdelay $0x1  }
0x288: {  	[tilespmem:v39+s21+$0x0] =	vst.idx.msk $0xffff, v37  }
0x289: {  	v37 =	vld [tilespmem:s14+$0xFFFFFF30];
	_ =	sdelay $0x1  }
0x28a: {  	v38 =	vadd.s32 v4, v38;
	_ =	sdelay $0x1  }
0x28b: {  	s7 =	sadd.s32 $0x1, s15  }
0x28c: {  	v39 =	vmov s7;
	v37 =	vadd.f32 v37, v33  }
0x28d: {  	v39 =	vshrl.u32 v39, $0x3  }
0x28e: {  	[tilespmem:v38+s21+$0x0] =	vst.idx.msk $0xffff, v37;
	v37 =	vshll.u32 v39, v1  }
0x28f: {  	v38 =	vld [tilespmem:s14+$0xFFFFFF40];
	v37 =	vbroadcast v37, $0x0;
	_ =	sdelay $0x1  }
0x290: {  	v39 =	vadd.s32 v5, v37;
	_ =	sdelay $0x2  }
0x291: {  	v38 =	vadd.f32 v38, v35;
	_ =	sdelay $0x1  }
0x292: {  	[tilespmem:v39+s21+$0x0] =	vst.idx.msk $0xffff, v38  }
0x293: {  	v38 =	vld [tilespmem:s14+$0xFFFFFF50];
	_ =	sdelay $0x1  }
0x294: {  	v39 =	vadd.s32 v6, v37;
	_ =	sdelay $0x2  }
0x295: {  	v38 =	vadd.f32 v38, v36;
	_ =	sdelay $0x1  }
0x296: {  	[tilespmem:v39+s21+$0x0] =	vst.idx.msk $0xffff, v38  }
0x297: {  	v38 =	vld [tilespmem:s14+$0xFFFFFF60];
	_ =	sdelay $0x1  }
0x298: {  	v39 =	vadd.s32 v7, v37;
	_ =	sdelay $0x2  }
0x299: {  	v38 =	vadd.f32 v38, v34;
	_ =	sdelay $0x1  }
0x29a: {  	[tilespmem:v39+s21+$0x0] =	vst.idx.msk $0xffff, v38  }
0x29b: {  	v38 =	vld [tilespmem:s14+$0xFFFFFF70];
	_ =	sdelay $0x1  }
0x29c: {  	v37 =	vadd.s32 v8, v37;
	_ =	sdelay $0x1  }
0x29d: {  	s7 =	sadd.s32 $0x2, s15  }
0x29e: {  	v39 =	vmov s7;
	v38 =	vadd.f32 v38, v33  }
0x29f: {  	v39 =	vshrl.u32 v39, $0x3  }
0x2a0: {  	[tilespmem:v37+s21+$0x0] =	vst.idx.msk $0xffff, v38;
	v37 =	vshll.u32 v39, v1  }
0x2a1: {  	v38 =	vld [tilespmem:s14+$0xFFFFFF80];
	v37 =	vbroadcast v37, $0x0;
	_ =	sdelay $0x1  }
0x2a2: {  	v39 =	vadd.s32 v9, v37;
	_ =	sdelay $0x2  }
0x2a3: {  	v38 =	vadd.f32 v38, v35;
	_ =	sdelay $0x1  }
0x2a4: {  	[tilespmem:v39+s21+$0x0] =	vst.idx.msk $0xffff, v38  }
0x2a5: {  	v38 =	vld [tilespmem:s14+$0xFFFFFF90];
	_ =	sdelay $0x1  }
0x2a6: {  	v39 =	vadd.s32 v10, v37;
	_ =	sdelay $0x2  }
0x2a7: {  	v38 =	vadd.f32 v38, v36;
	_ =	sdelay $0x1  }
0x2a8: {  	[tilespmem:v39+s21+$0x0] =	vst.idx.msk $0xffff, v38  }
0x2a9: {  	v38 =	vld [tilespmem:s14+$0xFFFFFFA0];
	_ =	sdelay $0x1  }
0x2aa: {  	v39 =	vadd.s32 v11, v37;
	_ =	sdelay $0x2  }
0x2ab: {  	v38 =	vadd.f32 v38, v34;
	_ =	sdelay $0x1  }
0x2ac: {  	[tilespmem:v39+s21+$0x0] =	vst.idx.msk $0xffff, v38  }
0x2ad: {  	v38 =	vld [tilespmem:s14+$0xFFFFFFB0];
	_ =	sdelay $0x1  }
0x2ae: {  	v37 =	vadd.s32 v12, v37;
	_ =	sdelay $0x1  }
0x2af: {  	s7 =	sadd.s32 $0x3, s15  }
0x2b0: {  	v39 =	vmov s7;
	v38 =	vadd.f32 v38, v33  }
0x2b1: {  	v39 =	vshrl.u32 v39, $0x3  }
0x2b2: {  	[tilespmem:v37+s21+$0x0] =	vst.idx.msk $0xffff, v38;
	v37 =	vshll.u32 v39, v1  }
0x2b3: {  	v38 =	vld [tilespmem:s14+$0xFFFFFFC0];
	v37 =	vbroadcast v37, $0x0;
	_ =	sdelay $0x1  }
0x2b4: {  	v39 =	vadd.s32 v13, v37;
	_ =	sdelay $0x2  }
0x2b5: {  	v38 =	vadd.f32 v38, v35;
	_ =	sdelay $0x1  }
0x2b6: {  	[tilespmem:v39+s21+$0x0] =	vst.idx.msk $0xffff, v38  }
0x2b7: {  	v38 =	vld [tilespmem:s14+$0xFFFFFFD0];
	_ =	sdelay $0x1  }
0x2b8: {  	v39 =	vadd.s32 v14, v37;
	_ =	sdelay $0x2  }
0x2b9: {  	v38 =	vadd.f32 v38, v36;
	_ =	sdelay $0x1  }
0x2ba: {  	[tilespmem:v39+s21+$0x0] =	vst.idx.msk $0xffff, v38  }
0x2bb: {  	v38 =	vld [tilespmem:s14+$0xFFFFFFE0];
	_ =	sdelay $0x1  }
0x2bc: {  	v39 =	vadd.s32 v15, v37;
	_ =	sdelay $0x2  }
0x2bd: {  	v38 =	vadd.f32 v38, v34;
	_ =	sdelay $0x1  }
0x2be: {  	[tilespmem:v39+s21+$0x0] =	vst.idx.msk $0xffff, v38  }
0x2bf: {  	v38 =	vld [tilespmem:s14+$0xFFFFFFF0];
	_ =	sdelay $0x1  }
0x2c0: {  	v37 =	vadd.s32 v16, v37;
	_ =	sdelay $0x1  }
0x2c1: {  	s7 =	sadd.s32 $0x4, s15  }
0x2c2: {  	v39 =	vmov s7;
	v38 =	vadd.f32 v38, v33  }
0x2c3: {  	v39 =	vshrl.u32 v39, $0x3  }
0x2c4: {  	[tilespmem:v37+s21+$0x0] =	vst.idx.msk $0xffff, v38;
	v37 =	vshll.u32 v39, v1  }
0x2c5: {  	v38 =	vld [tilespmem:s14+$0x0];
	v37 =	vbroadcast v37, $0x0;
	_ =	sdelay $0x1  }
0x2c6: {  	v39 =	vadd.s32 v17, v37;
	_ =	sdelay $0x2  }
0x2c7: {  	v38 =	vadd.f32 v38, v35;
	_ =	sdelay $0x1  }
0x2c8: {  	[tilespmem:v39+s21+$0x0] =	vst.idx.msk $0xffff, v38  }
0x2c9: {  	v38 =	vld [tilespmem:s14+$0x10];
	_ =	sdelay $0x1  }
0x2ca: {  	v39 =	vadd.s32 v18, v37;
	_ =	sdelay $0x2  }
0x2cb: {  	v38 =	vadd.f32 v38, v36;
	_ =	sdelay $0x1  }
0x2cc: {  	[tilespmem:v39+s21+$0x0] =	vst.idx.msk $0xffff, v38  }
0x2cd: {  	v38 =	vld [tilespmem:s14+$0x20];
	_ =	sdelay $0x1  }
0x2ce: {  	v39 =	vadd.s32 v19, v37;
	_ =	sdelay $0x2  }
0x2cf: {  	v38 =	vadd.f32 v38, v34;
	_ =	sdelay $0x1  }
0x2d0: {  	[tilespmem:v39+s21+$0x0] =	vst.idx.msk $0xffff, v38  }
0x2d1: {  	v38 =	vld [tilespmem:s14+$0x30];
	_ =	sdelay $0x1  }
0x2d2: {  	v37 =	vadd.s32 v20, v37;
	_ =	sdelay $0x1  }
0x2d3: {  	s7 =	sadd.s32 $0x5, s15  }
0x2d4: {  	v39 =	vmov s7;
	v38 =	vadd.f32 v38, v33  }
0x2d5: {  	v39 =	vshrl.u32 v39, $0x3  }
0x2d6: {  	[tilespmem:v37+s21+$0x0] =	vst.idx.msk $0xffff, v38;
	v37 =	vshll.u32 v39, v1  }
0x2d7: {  	v38 =	vld [tilespmem:s14+$0x40];
	v37 =	vbroadcast v37, $0x0;
	_ =	sdelay $0x1  }
0x2d8: {  	v39 =	vadd.s32 v21, v37;
	_ =	sdelay $0x2  }
0x2d9: {  	v38 =	vadd.f32 v38, v35;
	_ =	sdelay $0x1  }
0x2da: {  	[tilespmem:v39+s21+$0x0] =	vst.idx.msk $0xffff, v38  }
0x2db: {  	v38 =	vld [tilespmem:s14+$0x50];
	_ =	sdelay $0x1  }
0x2dc: {  	v39 =	vadd.s32 v22, v37;
	_ =	sdelay $0x2  }
0x2dd: {  	v38 =	vadd.f32 v38, v36;
	_ =	sdelay $0x1  }
0x2de: {  	[tilespmem:v39+s21+$0x0] =	vst.idx.msk $0xffff, v38  }
0x2df: {  	v38 =	vld [tilespmem:s14+$0x60];
	_ =	sdelay $0x1  }
0x2e0: {  	v39 =	vadd.s32 v23, v37;
	_ =	sdelay $0x2  }
0x2e1: {  	v38 =	vadd.f32 v38, v34;
	_ =	sdelay $0x1  }
0x2e2: {  	[tilespmem:v39+s21+$0x0] =	vst.idx.msk $0xffff, v38  }
0x2e3: {  	v38 =	vld [tilespmem:s14+$0x70];
	_ =	sdelay $0x1  }
0x2e4: {  	v37 =	vadd.s32 v24, v37;
	_ =	sdelay $0x1  }
0x2e5: {  	s7 =	sadd.s32 $0x6, s15  }
0x2e6: {  	v39 =	vmov s7;
	v38 =	vadd.f32 v38, v33  }
0x2e7: {  	v39 =	vshrl.u32 v39, $0x3  }
0x2e8: {  	[tilespmem:v37+s21+$0x0] =	vst.idx.msk $0xffff, v38;
	v37 =	vshll.u32 v39, v1  }
0x2e9: {  	v38 =	vld [tilespmem:s14+$0x80];
	v37 =	vbroadcast v37, $0x0;
	_ =	sdelay $0x1  }
0x2ea: {  	v39 =	vadd.s32 v25, v37;
	_ =	sdelay $0x2  }
0x2eb: {  	v38 =	vadd.f32 v38, v35;
	_ =	sdelay $0x1  }
0x2ec: {  	[tilespmem:v39+s21+$0x0] =	vst.idx.msk $0xffff, v38  }
0x2ed: {  	v38 =	vld [tilespmem:s14+$0x90];
	_ =	sdelay $0x1  }
0x2ee: {  	v39 =	vadd.s32 v26, v37;
	_ =	sdelay $0x2  }
0x2ef: {  	v38 =	vadd.f32 v38, v36;
	_ =	sdelay $0x1  }
0x2f0: {  	[tilespmem:v39+s21+$0x0] =	vst.idx.msk $0xffff, v38  }
0x2f1: {  	v38 =	vld [tilespmem:s14+$0xA0];
	_ =	sdelay $0x1  }
0x2f2: {  	v39 =	vadd.s32 v27, v37;
	_ =	sdelay $0x2  }
0x2f3: {  	v38 =	vadd.f32 v38, v34;
	_ =	sdelay $0x1  }
0x2f4: {  	[tilespmem:v39+s21+$0x0] =	vst.idx.msk $0xffff, v38  }
0x2f5: {  	v38 =	vld [tilespmem:s14+$0xB0];
	_ =	sdelay $0x1  }
0x2f6: {  	v37 =	vadd.s32 v28, v37;
	_ =	sdelay $0x1  }
0x2f7: {  	s7 =	sadd.s32 $0x7, s15;
	s15 =	smov.u32 s4  }
0x2f8: {  	v39 =	vmov s7;
	v38 =	vadd.f32 v38, v33  }
0x2f9: {  	v39 =	vshrl.u32 v39, $0x3  }
0x2fa: {  	[tilespmem:v37+s21+$0x0] =	vst.idx.msk $0xffff, v38;
	v37 =	vshll.u32 v39, v1  }
0x2fb: {  	v38 =	vld [tilespmem:s14+$0xC0];
	v37 =	vbroadcast v37, $0x0;
	_ =	sdelay $0x1  }
0x2fc: {  	v39 =	vadd.s32 v29, v37;
	_ =	sdelay $0x2  }
0x2fd: {  	v38 =	vadd.f32 v38, v35;
	_ =	sdelay $0x1  }
0x2fe: {  	[tilespmem:v39+s21+$0x0] =	vst.idx.msk $0xffff, v38  }
0x2ff: {  	v38 =	vld [tilespmem:s14+$0xD0];
	_ =	sdelay $0x1  }
0x300: {  	v39 =	vadd.s32 v30, v37;
	_ =	sdelay $0x2  }
0x301: {  	v38 =	vadd.f32 v38, v36;
	_ =	sdelay $0x1  }
0x302: {  	[tilespmem:v39+s21+$0x0] =	vst.idx.msk $0xffff, v38  }
0x303: {  	v38 =	vld [tilespmem:s14+$0xE0];
	_ =	sdelay $0x1  }
0x304: {  	v39 =	vadd.s32 v31, v37;
	_ =	sdelay $0x2  }
0x305: {  	v38 =	vadd.f32 v38, v34;
	_ =	sdelay $0x1  }
0x306: {  	[tilespmem:v39+s21+$0x0] =	vst.idx.msk $0xffff, v38  }
0x307: {  	v38 =	vld [tilespmem:s14+$0xF0];
	_ =	sdelay $0x1  }
.Ltmp2:
0x308: {  	v37 =	vadd.s32 v32, v37;
	(pc) =	sbr.rel @p1 .LBB2_7-.Ltmp2, $3  }
0x309: {  	_ =	sdelay $0x1  }
0x30a: {  	v39 =	vmov s15;
	v38 =	vadd.f32 v38, v33  }
0x30b: {  	v39 =	vshrl.u32 v39, $0x3  }
0x30c: {  	_ =	sdelay $0x3  }
0x30d: {  	v39 =	vshll.u32 v39, v1;
	[tilespmem:v37+s21+$0x0] =	vst.idx.msk $0xffff, v38;
	s4 =	sadd.s32 $0x200, s14  }
0x30e: {  	v37 =	vld [tilespmem:s4+$0xFFFFFF00];
	v45 =	vbroadcast v39, $0x0;
	_ =	sdelay $0x1  }
0x30f: {  	v39 =	vadd.s32 v0, v45;
	_ =	sdelay $0x2  }
0x310: {  	v37 =	vadd.f32 v37, v35;
	_ =	sdelay $0x1  }
0x311: {  	[tilespmem:v39+s21+$0x0] =	vst.idx.msk $0xffff, v37  }
0x312: {  	v37 =	vld [tilespmem:s4+$0xFFFFFF10];
	_ =	sdelay $0x1  }
0x313: {  	v46 =	vadd.s32 v2, v45;
	_ =	sdelay $0x2  }
0x314: {  	v37 =	vadd.f32 v37, v36;
	_ =	sdelay $0x1  }
0x315: {  	[tilespmem:v46+s21+$0x0] =	vst.idx.msk $0xffff, v37  }
0x316: {  	v37 =	vld [tilespmem:s4+$0xFFFFFF20];
	_ =	sdelay $0x1  }
0x317: {  	v47 =	vadd.s32 v3, v45;
	_ =	sdelay $0x2  }
0x318: {  	v37 =	vadd.f32 v37, v34;
	_ =	sdelay $0x1  }
0x319: {  	[tilespmem:v47+s21+$0x0] =	vst.idx.msk $0xffff, v37  }
0x31a: {  	v37 =	vld [tilespmem:s4+$0xFFFFFF30];
	_ =	sdelay $0x1  }
0x31b: {  	v38 =	vadd.s32 v4, v45;
	_ =	sdelay $0x1  }
0x31c: {  	s7 =	sadd.s32 $0x1, s15  }
0x31d: {  	v48 =	vmov s7;
	v37 =	vadd.f32 v37, v33  }
0x31e: {  	v39 =	vshrl.u32 v48, $0x3  }
0x31f: {  	v49 =	vshll.u32 v39, v1;
	[tilespmem:v38+s21+$0x0] =	vst.idx.msk $0xffff, v37  }
0x320: {  	v37 =	vbroadcast v49, $0x0;
	v38 =	vld [tilespmem:s4+$0xFFFFFF40];
	_ =	sdelay $0x1  }
0x321: {  	v50 =	vadd.s32 v5, v37;
	_ =	sdelay $0x2  }
0x322: {  	v38 =	vadd.f32 v38, v35;
	_ =	sdelay $0x1  }
0x323: {  	[tilespmem:v50+s21+$0x0] =	vst.idx.msk $0xffff, v38  }
0x324: {  	v38 =	vld [tilespmem:s4+$0xFFFFFF50];
	_ =	sdelay $0x1  }
0x325: {  	v51 =	vadd.s32 v6, v37;
	_ =	sdelay $0x2  }
0x326: {  	v38 =	vadd.f32 v38, v36;
	_ =	sdelay $0x1  }
0x327: {  	[tilespmem:v51+s21+$0x0] =	vst.idx.msk $0xffff, v38  }
0x328: {  	v38 =	vld [tilespmem:s4+$0xFFFFFF60];
	_ =	sdelay $0x1  }
0x329: {  	v52 =	vadd.s32 v7, v37;
	_ =	sdelay $0x2  }
0x32a: {  	v38 =	vadd.f32 v38, v34;
	_ =	sdelay $0x1  }
0x32b: {  	[tilespmem:v52+s21+$0x0] =	vst.idx.msk $0xffff, v38  }
0x32c: {  	v38 =	vld [tilespmem:s4+$0xFFFFFF70];
	_ =	sdelay $0x1  }
0x32d: {  	v37 =	vadd.s32 v8, v37;
	_ =	sdelay $0x1  }
0x32e: {  	s14 =	sadd.s32 $0x2, s15  }
0x32f: {  	v53 =	vmov s14;
	v38 =	vadd.f32 v38, v33  }
0x330: {  	v39 =	vshrl.u32 v53, $0x3  }
0x331: {  	v54 =	vshll.u32 v39, v1;
	[tilespmem:v37+s21+$0x0] =	vst.idx.msk $0xffff, v38  }
0x332: {  	v37 =	vbroadcast v54, $0x0;
	v38 =	vld [tilespmem:s4+$0xFFFFFF80];
	_ =	sdelay $0x1  }
0x333: {  	v55 =	vadd.s32 v9, v37;
	_ =	sdelay $0x2  }
0x334: {  	v38 =	vadd.f32 v38, v35;
	_ =	sdelay $0x1  }
0x335: {  	[tilespmem:v55+s21+$0x0] =	vst.idx.msk $0xffff, v38  }
0x336: {  	v38 =	vld [tilespmem:s4+$0xFFFFFF90];
	_ =	sdelay $0x1  }
0x337: {  	v56 =	vadd.s32 v10, v37;
	_ =	sdelay $0x2  }
0x338: {  	v38 =	vadd.f32 v38, v36;
	_ =	sdelay $0x1  }
0x339: {  	[tilespmem:v56+s21+$0x0] =	vst.idx.msk $0xffff, v38  }
0x33a: {  	v38 =	vld [tilespmem:s4+$0xFFFFFFA0];
	_ =	sdelay $0x1  }
0x33b: {  	v57 =	vadd.s32 v11, v37;
	_ =	sdelay $0x2  }
0x33c: {  	v38 =	vadd.f32 v38, v34;
	_ =	sdelay $0x1  }
0x33d: {  	[tilespmem:v57+s21+$0x0] =	vst.idx.msk $0xffff, v38  }
0x33e: {  	v38 =	vld [tilespmem:s4+$0xFFFFFFB0];
	_ =	sdelay $0x1  }
0x33f: {  	v37 =	vadd.s32 v12, v37;
	_ =	sdelay $0x1  }
0x340: {  	s16 =	sadd.s32 $0x3, s15  }
0x341: {  	v58 =	vmov s16;
	v38 =	vadd.f32 v38, v33  }
0x342: {  	v39 =	vshrl.u32 v58, $0x3  }
0x343: {  	v59 =	vshll.u32 v39, v1;
	[tilespmem:v37+s21+$0x0] =	vst.idx.msk $0xffff, v38  }
0x344: {  	v37 =	vbroadcast v59, $0x0;
	v38 =	vld [tilespmem:s4+$0xFFFFFFC0];
	_ =	sdelay $0x1  }
0x345: {  	v60 =	vadd.s32 v13, v37;
	_ =	sdelay $0x2  }
0x346: {  	v38 =	vadd.f32 v38, v35;
	_ =	sdelay $0x1  }
0x347: {  	[tilespmem:v60+s21+$0x0] =	vst.idx.msk $0xffff, v38  }
0x348: {  	v38 =	vld [tilespmem:s4+$0xFFFFFFD0];
	_ =	sdelay $0x1  }
0x349: {  	v61 =	vadd.s32 v14, v37;
	_ =	sdelay $0x2  }
0x34a: {  	v38 =	vadd.f32 v38, v36;
	_ =	sdelay $0x1  }
0x34b: {  	[tilespmem:v61+s21+$0x0] =	vst.idx.msk $0xffff, v38  }
0x34c: {  	v38 =	vld [tilespmem:s4+$0xFFFFFFE0];
	_ =	sdelay $0x1  }
0x34d: {  	v62 =	vadd.s32 v15, v37;
	_ =	sdelay $0x2  }
0x34e: {  	v38 =	vadd.f32 v38, v34;
	_ =	sdelay $0x1  }
0x34f: {  	[tilespmem:v62+s21+$0x0] =	vst.idx.msk $0xffff, v38  }
0x350: {  	v38 =	vld [tilespmem:s4+$0xFFFFFFF0];
	_ =	sdelay $0x1  }
0x351: {  	v37 =	vadd.s32 v16, v37;
	_ =	sdelay $0x1  }
0x352: {  	s14 =	sadd.s32 $0x4, s15  }
0x353: {  	v63 =	vmov s14;
	v38 =	vadd.f32 v38, v33  }
0x354: {  	v39 =	vshrl.u32 v63, $0x3  }
0x355: {  	v41 =	vshll.u32 v39, v1;
	[tilespmem:v37+s21+$0x0] =	vst.idx.msk $0xffff, v38  }
0x356: {  	v37 =	vbroadcast v41, $0x0;
	v38 =	vld [tilespmem:s4+$0x0];
	_ =	sdelay $0x1  }
0x357: {  	v42 =	vadd.s32 v17, v37;
	_ =	sdelay $0x2  }
0x358: {  	v38 =	vadd.f32 v38, v35;
	_ =	sdelay $0x1  }
0x359: {  	[tilespmem:v42+s21+$0x0] =	vst.idx.msk $0xffff, v38  }
0x35a: {  	v38 =	vld [tilespmem:s4+$0x10];
	_ =	sdelay $0x1  }
0x35b: {  	v43 =	vadd.s32 v18, v37;
	_ =	sdelay $0x2  }
0x35c: {  	v38 =	vadd.f32 v38, v36;
	_ =	sdelay $0x1  }
0x35d: {  	[tilespmem:v43+s21+$0x0] =	vst.idx.msk $0xffff, v38  }
0x35e: {  	v38 =	vld [tilespmem:s4+$0x20];
	_ =	sdelay $0x1  }
0x35f: {  	v44 =	vadd.s32 v19, v37;
	_ =	sdelay $0x2  }
0x360: {  	v38 =	vadd.f32 v38, v34;
	_ =	sdelay $0x1  }
0x361: {  	[tilespmem:v44+s21+$0x0] =	vst.idx.msk $0xffff, v38  }
0x362: {  	v38 =	vld [tilespmem:s4+$0x30];
	_ =	sdelay $0x1  }
0x363: {  	v37 =	vadd.s32 v20, v37;
	_ =	sdelay $0x1  }
0x364: {  	s16 =	sadd.s32 $0x5, s15  }
0x365: {  	v45 =	vmov s16;
	v38 =	vadd.f32 v38, v33  }
0x366: {  	v39 =	vshrl.u32 v45, $0x3  }
0x367: {  	v46 =	vshll.u32 v39, v1;
	[tilespmem:v37+s21+$0x0] =	vst.idx.msk $0xffff, v38  }
0x368: {  	v37 =	vbroadcast v46, $0x0;
	v38 =	vld [tilespmem:s4+$0x40];
	_ =	sdelay $0x1  }
0x369: {  	v47 =	vadd.s32 v21, v37;
	_ =	sdelay $0x2  }
0x36a: {  	v38 =	vadd.f32 v38, v35;
	_ =	sdelay $0x1  }
0x36b: {  	[tilespmem:v47+s21+$0x0] =	vst.idx.msk $0xffff, v38  }
0x36c: {  	v38 =	vld [tilespmem:s4+$0x50];
	_ =	sdelay $0x1  }
0x36d: {  	v48 =	vadd.s32 v22, v37;
	_ =	sdelay $0x2  }
0x36e: {  	v38 =	vadd.f32 v38, v36;
	_ =	sdelay $0x1  }
0x36f: {  	[tilespmem:v48+s21+$0x0] =	vst.idx.msk $0xffff, v38  }
0x370: {  	v38 =	vld [tilespmem:s4+$0x60];
	_ =	sdelay $0x1  }
0x371: {  	v49 =	vadd.s32 v23, v37;
	_ =	sdelay $0x2  }
0x372: {  	v38 =	vadd.f32 v38, v34;
	_ =	sdelay $0x1  }
0x373: {  	[tilespmem:v49+s21+$0x0] =	vst.idx.msk $0xffff, v38  }
0x374: {  	v38 =	vld [tilespmem:s4+$0x70];
	_ =	sdelay $0x1  }
0x375: {  	v37 =	vadd.s32 v24, v37;
	_ =	sdelay $0x1  }
0x376: {  	s14 =	sadd.s32 $0x6, s15  }
0x377: {  	v50 =	vmov s14;
	v38 =	vadd.f32 v38, v33  }
0x378: {  	v39 =	vshrl.u32 v50, $0x3  }
0x379: {  	v51 =	vshll.u32 v39, v1;
	[tilespmem:v37+s21+$0x0] =	vst.idx.msk $0xffff, v38  }
0x37a: {  	v37 =	vbroadcast v51, $0x0;
	v38 =	vld [tilespmem:s4+$0x80];
	_ =	sdelay $0x1  }
0x37b: {  	v52 =	vadd.s32 v25, v37;
	_ =	sdelay $0x2  }
0x37c: {  	v38 =	vadd.f32 v38, v35;
	_ =	sdelay $0x1  }
0x37d: {  	[tilespmem:v52+s21+$0x0] =	vst.idx.msk $0xffff, v38  }
0x37e: {  	v38 =	vld [tilespmem:s4+$0x90];
	_ =	sdelay $0x1  }
0x37f: {  	v53 =	vadd.s32 v26, v37;
	_ =	sdelay $0x2  }
0x380: {  	v38 =	vadd.f32 v38, v36;
	_ =	sdelay $0x1  }
0x381: {  	[tilespmem:v53+s21+$0x0] =	vst.idx.msk $0xffff, v38  }
0x382: {  	v38 =	vld [tilespmem:s4+$0xA0];
	_ =	sdelay $0x1  }
0x383: {  	v54 =	vadd.s32 v27, v37;
	_ =	sdelay $0x2  }
0x384: {  	v38 =	vadd.f32 v38, v34;
	_ =	sdelay $0x1  }
0x385: {  	[tilespmem:v54+s21+$0x0] =	vst.idx.msk $0xffff, v38  }
0x386: {  	v38 =	vld [tilespmem:s4+$0xB0];
	_ =	sdelay $0x1  }
0x387: {  	v37 =	vadd.s32 v28, v37;
	_ =	sdelay $0x1  }
0x388: {  	s15 =	sadd.s32 $0x7, s15  }
0x389: {  	v55 =	vmov s15;
	v38 =	vadd.f32 v38, v33  }
0x38a: {  	v39 =	vshrl.u32 v55, $0x3  }
0x38b: {  	v56 =	vshll.u32 v39, v1;
	[tilespmem:v37+s21+$0x0] =	vst.idx.msk $0xffff, v38  }
0x38c: {  	v37 =	vbroadcast v56, $0x0;
	v38 =	vld [tilespmem:s4+$0xC0];
	_ =	sdelay $0x1  }
0x38d: {  	v57 =	vadd.s32 v29, v37;
	_ =	sdelay $0x2  }
0x38e: {  	v58 =	vadd.f32 v38, v35;
	_ =	sdelay $0x1  }
0x38f: {  	[tilespmem:v57+s21+$0x0] =	vst.idx.msk $0xffff, v58  }
0x390: {  	v35 =	vld [tilespmem:s4+$0xD0];
	_ =	sdelay $0x1  }
0x391: {  	v59 =	vadd.s32 v30, v37;
	_ =	sdelay $0x2  }
0x392: {  	v35 =	vadd.f32 v35, v36;
	_ =	sdelay $0x1  }
0x393: {  	[tilespmem:v59+s21+$0x0] =	vst.idx.msk $0xffff, v35  }
0x394: {  	v35 =	vld [tilespmem:s4+$0xE0];
	_ =	sdelay $0x1  }
0x395: {  	v60 =	vadd.s32 v31, v37;
	_ =	sdelay $0x2  }
0x396: {  	v61 =	vadd.f32 v35, v34;
	_ =	sdelay $0x1  }
0x397: {  	[tilespmem:v60+s21+$0x0] =	vst.idx.msk $0xffff, v61  }
0x398: {  	v34 =	vld [tilespmem:s4+$0xF0];
	_ =	sdelay $0x1  }
0x399: {  	v62 =	vadd.s32 v32, v37  }
0x39a: {  	s16 =	sshll.u32 s13, $0x12  }
0x39b: {  	s4 =	sor.u32 s5, s16  }
0x39c: {  	s4 =	sshrl.u32 s4, $0x3;
	v63 =	vadd.f32 v34, v33  }
0x39d: {  	s13 =	simm.s32 $0x8600;
	s4 =	sadd.s32 s6, s4  }
0x39e: {  	s14 =	simm.s32 $0x200;
	s15 =	simm.s32 $0x8688;
	s16 =	sadd.s32 $0x0, s4;
	[tilespmem:v62+s21+$0x0] =	vst.idx.msk $0xffff, v63  }
.LBB2_9:
0x39f: {  	[hbm4b:s16+s1] =	stream.linear.scatter [tilespmem:s13], [sflag:$0x6], $0x80, $0x38;
	[tilespmem:$0x19E00] =	vst v63  }
0x3a0: {  	s7 =	smov.u32 s14;
	s13 =	smov.u32 s15;
	p1 =	sne.s32 s14, $0x7E00  }
.Ltmp3:
0x3a1: {  	s14 =	sadd.s32 $0x200, s14;
	(pc) =	sbr.rel @p1 .LBB2_9-.Ltmp3, $2  }
0x3a2: {  	_ =	sdelay $0x2  }
0x3a3: {  	s15 =	sadd.s32 $0x88, s15;
	s16 =	sadd.s32 s7, s4  }
0x3a4: {  	[hbm4b:s16+s1] =	stream.linear.scatter [tilespmem:s13], [sflag:$0x6], $0x80, $0x38;
	[tilespmem:$0x19E00] =	vst v63  }
0x3a5: {  	s4 =	simm.s32 @!p0 $0x6  }
0x3a6: {  	_ =	swait.ge @!p0 [sflag:s4], $0x2000  }
0x3a7: {  	s7 =	simm.s32 @!p0 $0x80;
	[sflag:s4] =	ssyncset.done @!p0 $0x0  }
0x3a8: {  	s13 =	simm.s32 @!p0 $0x13E00;
	[sflag:s4] =	ssyncadd.s32 @!p0 $0xFFFFE000;
	s4 =	sadd.s32 @!p0 $0x280, s10  }
0x3a9: {  	[tilespmem:s13], [sflag:$0x2] =	stream.indirect.gather @!p0 [hbm4b:s3+s7], $0x40, s4, s7, $0xb8;
	[tilespmem:$0x19E00] =	vst v63  }
0x3aa: {  	s12 =	sor.u32 $0x2, s12;
	s15 =	simm.s32 $0x0;
	_ =	swait.ge [sflag:s22], $0x2000  }
0x3ab: {  	s16 =	sshll.u32 s12, $0x6;
	v33 =	vmov s15;
	[sflag:s22] =	ssyncset.done $0x0  }
0x3ac: {  	v33 =	vshrl.u32 v33, $0x3;
	s7 =	sand.u32 $0x3FFFFFC0, s16;
	[sflag:s22] =	ssyncadd.s32 $0xFFFFE000  }
0x3ad: {  	v33 =	vshll.u32 v33, v1;
	s13 =	simm.s32 $0x15F00;
	v35 =	vld [tilespmem:s7+$0xEC00]  }
0x3ae: {  	v38 =	vbroadcast v33, $0x0;
	v37 =	vld [tilespmem:s13+$0xFFFFFF00];
	_ =	sdelay $0x1  }
0x3af: {  	v39 =	vadd.s32 v0, v38;
	_ =	sdelay $0x2  }
0x3b0: {  	v36 =	vld [tilespmem:s7+$0xEC10];
	v37 =	vadd.f32 v37, v35  }
0x3b1: {  	v34 =	vld [tilespmem:s7+$0xEC20]  }
0x3b2: {  	v33 =	vld [tilespmem:s7+$0xEC30];
	[tilespmem:v39+s23+$0x0] =	vst.idx.msk $0xffff, v37  }
0x3b3: {  	v37 =	vld [tilespmem:s13+$0xFFFFFF10];
	_ =	sdelay $0x1  }
0x3b4: {  	v48 =	vadd.s32 v2, v38;
	_ =	sdelay $0x2  }
0x3b5: {  	v37 =	vadd.f32 v37, v36;
	_ =	sdelay $0x1  }
0x3b6: {  	[tilespmem:v48+s23+$0x0] =	vst.idx.msk $0xffff, v37  }
0x3b7: {  	v37 =	vld [tilespmem:s13+$0xFFFFFF20];
	_ =	sdelay $0x1  }
0x3b8: {  	v49 =	vadd.s32 v3, v38;
	_ =	sdelay $0x2  }
0x3b9: {  	v37 =	vadd.f32 v37, v34;
	_ =	sdelay $0x1  }
0x3ba: {  	[tilespmem:v49+s23+$0x0] =	vst.idx.msk $0xffff, v37  }
0x3bb: {  	v37 =	vld [tilespmem:s13+$0xFFFFFF30];
	_ =	sdelay $0x1  }
0x3bc: {  	v38 =	vadd.s32 v4, v38;
	_ =	sdelay $0x1  }
0x3bd: {  	s14 =	simm.s32 $0x1  }
0x3be: {  	v50 =	vmov s14;
	v37 =	vadd.f32 v37, v33  }
0x3bf: {  	v39 =	vshrl.u32 v50, $0x3  }
0x3c0: {  	v51 =	vshll.u32 v39, v1;
	[tilespmem:v38+s23+$0x0] =	vst.idx.msk $0xffff, v37  }
0x3c1: {  	v37 =	vbroadcast v51, $0x0;
	v38 =	vld [tilespmem:s13+$0xFFFFFF40];
	_ =	sdelay $0x1  }
0x3c2: {  	v52 =	vadd.s32 v5, v37;
	_ =	sdelay $0x2  }
0x3c3: {  	v38 =	vadd.f32 v38, v35;
	_ =	sdelay $0x1  }
0x3c4: {  	[tilespmem:v52+s23+$0x0] =	vst.idx.msk $0xffff, v38  }
0x3c5: {  	v38 =	vld [tilespmem:s13+$0xFFFFFF50];
	_ =	sdelay $0x1  }
0x3c6: {  	v53 =	vadd.s32 v6, v37;
	_ =	sdelay $0x2  }
0x3c7: {  	v38 =	vadd.f32 v38, v36;
	_ =	sdelay $0x1  }
0x3c8: {  	[tilespmem:v53+s23+$0x0] =	vst.idx.msk $0xffff, v38  }
0x3c9: {  	v38 =	vld [tilespmem:s13+$0xFFFFFF60];
	_ =	sdelay $0x1  }
0x3ca: {  	v54 =	vadd.s32 v7, v37;
	_ =	sdelay $0x2  }
0x3cb: {  	v38 =	vadd.f32 v38, v34;
	_ =	sdelay $0x1  }
0x3cc: {  	[tilespmem:v54+s23+$0x0] =	vst.idx.msk $0xffff, v38  }
0x3cd: {  	v38 =	vld [tilespmem:s13+$0xFFFFFF70];
	_ =	sdelay $0x1  }
0x3ce: {  	v37 =	vadd.s32 v8, v37;
	_ =	sdelay $0x1  }
0x3cf: {  	s15 =	simm.s32 $0x2  }
0x3d0: {  	v55 =	vmov s15;
	v38 =	vadd.f32 v38, v33  }
0x3d1: {  	v39 =	vshrl.u32 v55, $0x3  }
0x3d2: {  	v56 =	vshll.u32 v39, v1;
	[tilespmem:v37+s23+$0x0] =	vst.idx.msk $0xffff, v38  }
0x3d3: {  	v37 =	vbroadcast v56, $0x0;
	v38 =	vld [tilespmem:s13+$0xFFFFFF80];
	_ =	sdelay $0x1  }
0x3d4: {  	v57 =	vadd.s32 v9, v37;
	_ =	sdelay $0x2  }
0x3d5: {  	v38 =	vadd.f32 v38, v35;
	_ =	sdelay $0x1  }
0x3d6: {  	[tilespmem:v57+s23+$0x0] =	vst.idx.msk $0xffff, v38  }
0x3d7: {  	v38 =	vld [tilespmem:s13+$0xFFFFFF90];
	_ =	sdelay $0x1  }
0x3d8: {  	v58 =	vadd.s32 v10, v37;
	_ =	sdelay $0x2  }
0x3d9: {  	v38 =	vadd.f32 v38, v36;
	_ =	sdelay $0x1  }
0x3da: {  	[tilespmem:v58+s23+$0x0] =	vst.idx.msk $0xffff, v38  }
0x3db: {  	v38 =	vld [tilespmem:s13+$0xFFFFFFA0];
	_ =	sdelay $0x1  }
0x3dc: {  	v59 =	vadd.s32 v11, v37;
	_ =	sdelay $0x2  }
0x3dd: {  	v38 =	vadd.f32 v38, v34;
	_ =	sdelay $0x1  }
0x3de: {  	[tilespmem:v59+s23+$0x0] =	vst.idx.msk $0xffff, v38  }
0x3df: {  	v38 =	vld [tilespmem:s13+$0xFFFFFFB0];
	_ =	sdelay $0x1  }
0x3e0: {  	v37 =	vadd.s32 v12, v37;
	_ =	sdelay $0x1  }
0x3e1: {  	s16 =	simm.s32 $0x3  }
0x3e2: {  	v60 =	vmov s16;
	v38 =	vadd.f32 v38, v33  }
0x3e3: {  	v39 =	vshrl.u32 v60, $0x3  }
0x3e4: {  	v61 =	vshll.u32 v39, v1;
	[tilespmem:v37+s23+$0x0] =	vst.idx.msk $0xffff, v38  }
0x3e5: {  	v37 =	vbroadcast v61, $0x0;
	v38 =	vld [tilespmem:s13+$0xFFFFFFC0];
	_ =	sdelay $0x1  }
0x3e6: {  	v62 =	vadd.s32 v13, v37;
	_ =	sdelay $0x2  }
0x3e7: {  	v38 =	vadd.f32 v38, v35;
	_ =	sdelay $0x1  }
0x3e8: {  	[tilespmem:v62+s23+$0x0] =	vst.idx.msk $0xffff, v38  }
0x3e9: {  	v38 =	vld [tilespmem:s13+$0xFFFFFFD0];
	_ =	sdelay $0x1  }
0x3ea: {  	v63 =	vadd.s32 v14, v37;
	_ =	sdelay $0x2  }
0x3eb: {  	v38 =	vadd.f32 v38, v36;
	_ =	sdelay $0x1  }
0x3ec: {  	[tilespmem:v63+s23+$0x0] =	vst.idx.msk $0xffff, v38  }
0x3ed: {  	v38 =	vld [tilespmem:s13+$0xFFFFFFE0];
	_ =	sdelay $0x1  }
0x3ee: {  	v42 =	vadd.s32 v15, v37;
	_ =	sdelay $0x2  }
0x3ef: {  	v38 =	vadd.f32 v38, v34;
	_ =	sdelay $0x1  }
0x3f0: {  	[tilespmem:v42+s23+$0x0] =	vst.idx.msk $0xffff, v38  }
0x3f1: {  	v38 =	vld [tilespmem:s13+$0xFFFFFFF0];
	_ =	sdelay $0x1  }
0x3f2: {  	v37 =	vadd.s32 v16, v37;
	_ =	sdelay $0x1  }
0x3f3: {  	s7 =	simm.s32 $0x4  }
0x3f4: {  	v43 =	vmov s7;
	v38 =	vadd.f32 v38, v33  }
0x3f5: {  	v39 =	vshrl.u32 v43, $0x3  }
0x3f6: {  	v44 =	vshll.u32 v39, v1;
	[tilespmem:v37+s23+$0x0] =	vst.idx.msk $0xffff, v38  }
0x3f7: {  	v37 =	vbroadcast v44, $0x0;
	v38 =	vld [tilespmem:s13+$0x0];
	_ =	sdelay $0x1  }
0x3f8: {  	v45 =	vadd.s32 v17, v37;
	_ =	sdelay $0x2  }
0x3f9: {  	v38 =	vadd.f32 v38, v35;
	_ =	sdelay $0x1  }
0x3fa: {  	[tilespmem:v45+s23+$0x0] =	vst.idx.msk $0xffff, v38  }
0x3fb: {  	v38 =	vld [tilespmem:s13+$0x10];
	_ =	sdelay $0x1  }
0x3fc: {  	v46 =	vadd.s32 v18, v37;
	_ =	sdelay $0x2  }
0x3fd: {  	v38 =	vadd.f32 v38, v36;
	_ =	sdelay $0x1  }
0x3fe: {  	[tilespmem:v46+s23+$0x0] =	vst.idx.msk $0xffff, v38  }
0x3ff: {  	v38 =	vld [tilespmem:s13+$0x20];
	_ =	sdelay $0x1  }
0x400: {  	v47 =	vadd.s32 v19, v37;
	_ =	sdelay $0x2  }
0x401: {  	v38 =	vadd.f32 v38, v34;
	_ =	sdelay $0x1  }
0x402: {  	[tilespmem:v47+s23+$0x0] =	vst.idx.msk $0xffff, v38  }
0x403: {  	v38 =	vld [tilespmem:s13+$0x30];
	_ =	sdelay $0x1  }
0x404: {  	v37 =	vadd.s32 v20, v37;
	_ =	sdelay $0x1  }
0x405: {  	s14 =	simm.s32 $0x5  }
0x406: {  	v48 =	vmov s14;
	v38 =	vadd.f32 v38, v33  }
0x407: {  	v39 =	vshrl.u32 v48, $0x3  }
0x408: {  	v49 =	vshll.u32 v39, v1;
	[tilespmem:v37+s23+$0x0] =	vst.idx.msk $0xffff, v38  }
0x409: {  	v37 =	vbroadcast v49, $0x0;
	v38 =	vld [tilespmem:s13+$0x40];
	_ =	sdelay $0x1  }
0x40a: {  	v50 =	vadd.s32 v21, v37;
	_ =	sdelay $0x2  }
0x40b: {  	v38 =	vadd.f32 v38, v35;
	_ =	sdelay $0x1  }
0x40c: {  	[tilespmem:v50+s23+$0x0] =	vst.idx.msk $0xffff, v38  }
0x40d: {  	v38 =	vld [tilespmem:s13+$0x50];
	_ =	sdelay $0x1  }
0x40e: {  	v51 =	vadd.s32 v22, v37;
	_ =	sdelay $0x2  }
0x40f: {  	v38 =	vadd.f32 v38, v36;
	_ =	sdelay $0x1  }
0x410: {  	[tilespmem:v51+s23+$0x0] =	vst.idx.msk $0xffff, v38  }
0x411: {  	v38 =	vld [tilespmem:s13+$0x60];
	_ =	sdelay $0x1  }
0x412: {  	v52 =	vadd.s32 v23, v37;
	_ =	sdelay $0x2  }
0x413: {  	v38 =	vadd.f32 v38, v34;
	_ =	sdelay $0x1  }
0x414: {  	[tilespmem:v52+s23+$0x0] =	vst.idx.msk $0xffff, v38  }
0x415: {  	v38 =	vld [tilespmem:s13+$0x70];
	_ =	sdelay $0x1  }
0x416: {  	v37 =	vadd.s32 v24, v37;
	_ =	sdelay $0x1  }
0x417: {  	s15 =	simm.s32 $0x6  }
0x418: {  	v53 =	vmov s15;
	v38 =	vadd.f32 v38, v33  }
0x419: {  	v39 =	vshrl.u32 v53, $0x3  }
0x41a: {  	v54 =	vshll.u32 v39, v1;
	[tilespmem:v37+s23+$0x0] =	vst.idx.msk $0xffff, v38  }
0x41b: {  	v37 =	vbroadcast v54, $0x0;
	v38 =	vld [tilespmem:s13+$0x80];
	_ =	sdelay $0x1  }
0x41c: {  	v55 =	vadd.s32 v25, v37;
	_ =	sdelay $0x2  }
0x41d: {  	v38 =	vadd.f32 v38, v35;
	_ =	sdelay $0x1  }
0x41e: {  	[tilespmem:v55+s23+$0x0] =	vst.idx.msk $0xffff, v38  }
0x41f: {  	v38 =	vld [tilespmem:s13+$0x90];
	_ =	sdelay $0x1  }
0x420: {  	v56 =	vadd.s32 v26, v37;
	_ =	sdelay $0x2  }
0x421: {  	v38 =	vadd.f32 v38, v36;
	_ =	sdelay $0x1  }
0x422: {  	[tilespmem:v56+s23+$0x0] =	vst.idx.msk $0xffff, v38  }
0x423: {  	v38 =	vld [tilespmem:s13+$0xA0];
	_ =	sdelay $0x1  }
0x424: {  	v57 =	vadd.s32 v27, v37;
	_ =	sdelay $0x2  }
0x425: {  	v38 =	vadd.f32 v38, v34;
	_ =	sdelay $0x1  }
0x426: {  	[tilespmem:v57+s23+$0x0] =	vst.idx.msk $0xffff, v38  }
0x427: {  	v38 =	vld [tilespmem:s13+$0xB0];
	_ =	sdelay $0x1  }
0x428: {  	v37 =	vadd.s32 v28, v37;
	_ =	sdelay $0x1  }
0x429: {  	s16 =	simm.s32 $0x7  }
0x42a: {  	v58 =	vmov s16;
	v38 =	vadd.f32 v38, v33  }
0x42b: {  	v39 =	vshrl.u32 v58, $0x3  }
0x42c: {  	v59 =	vshll.u32 v39, v1;
	[tilespmem:v37+s23+$0x0] =	vst.idx.msk $0xffff, v38  }
0x42d: {  	v37 =	vbroadcast v59, $0x0;
	v38 =	vld [tilespmem:s13+$0xC0];
	_ =	sdelay $0x1  }
0x42e: {  	v60 =	vadd.s32 v29, v37;
	_ =	sdelay $0x2  }
0x42f: {  	v38 =	vadd.f32 v38, v35;
	_ =	sdelay $0x1  }
0x430: {  	[tilespmem:v60+s23+$0x0] =	vst.idx.msk $0xffff, v38  }
0x431: {  	v38 =	vld [tilespmem:s13+$0xD0];
	_ =	sdelay $0x1  }
0x432: {  	v61 =	vadd.s32 v30, v37;
	_ =	sdelay $0x2  }
0x433: {  	v38 =	vadd.f32 v38, v36;
	_ =	sdelay $0x1  }
0x434: {  	[tilespmem:v61+s23+$0x0] =	vst.idx.msk $0xffff, v38  }
0x435: {  	v38 =	vld [tilespmem:s13+$0xE0];
	_ =	sdelay $0x1  }
0x436: {  	v62 =	vadd.s32 v31, v37;
	_ =	sdelay $0x2  }
0x437: {  	v38 =	vadd.f32 v38, v34;
	_ =	sdelay $0x1  }
0x438: {  	[tilespmem:v62+s23+$0x0] =	vst.idx.msk $0xffff, v38  }
0x439: {  	v38 =	vld [tilespmem:s13+$0xF0];
	_ =	sdelay $0x1  }
0x43a: {  	v37 =	vadd.s32 v32, v37  }
0x43b: {  	s14 =	simm.s32 $0x8  }
0x43c: {  	v63 =	vmov s14  }
0x43d: {  	s15 =	simm.s32 $0x10;
	v39 =	vshrl.u32 v63, $0x3;
	v38 =	vadd.f32 v38, v33  }
.LBB2_11:
0x43e: {  	p1 =	slt.u32 s15, $0x78  }
0x43f: {  	v39 =	vshll.u32 v39, v1;
	[tilespmem:v37+s23+$0x0] =	vst.idx.msk $0xffff, v38;
	s13 =	sadd.s32 $0x200, s13;
	s4 =	smov.u32 s15;
	s15 =	sadd.s32 $0x8, s15  }
0x440: {  	v37 =	vld [tilespmem:s13+$0xFFFFFF00];
	v38 =	vbroadcast v39, $0x0;
	_ =	sdelay $0x1  }
0x441: {  	v39 =	vadd.s32 v0, v38;
	_ =	sdelay $0x2  }
0x442: {  	v37 =	vadd.f32 v37, v35;
	_ =	sdelay $0x1  }
0x443: {  	[tilespmem:v39+s23+$0x0] =	vst.idx.msk $0xffff, v37  }
0x444: {  	v37 =	vld [tilespmem:s13+$0xFFFFFF10];
	_ =	sdelay $0x1  }
0x445: {  	v39 =	vadd.s32 v2, v38;
	_ =	sdelay $0x2  }
0x446: {  	v37 =	vadd.f32 v37, v36;
	_ =	sdelay $0x1  }
0x447: {  	[tilespmem:v39+s23+$0x0] =	vst.idx.msk $0xffff, v37  }
0x448: {  	v37 =	vld [tilespmem:s13+$0xFFFFFF20];
	_ =	sdelay $0x1  }
0x449: {  	v39 =	vadd.s32 v3, v38;
	_ =	sdelay $0x2  }
0x44a: {  	v37 =	vadd.f32 v37, v34;
	_ =	sdelay $0x1  }
0x44b: {  	[tilespmem:v39+s23+$0x0] =	vst.idx.msk $0xffff, v37  }
0x44c: {  	v37 =	vld [tilespmem:s13+$0xFFFFFF30];
	_ =	sdelay $0x1  }
0x44d: {  	v38 =	vadd.s32 v4, v38;
	_ =	sdelay $0x1  }
0x44e: {  	s7 =	sadd.s32 $0x1, s14  }
0x44f: {  	v39 =	vmov s7;
	v37 =	vadd.f32 v37, v33  }
0x450: {  	v39 =	vshrl.u32 v39, $0x3  }
0x451: {  	[tilespmem:v38+s23+$0x0] =	vst.idx.msk $0xffff, v37;
	v37 =	vshll.u32 v39, v1  }
0x452: {  	v38 =	vld [tilespmem:s13+$0xFFFFFF40];
	v37 =	vbroadcast v37, $0x0;
	_ =	sdelay $0x1  }
0x453: {  	v39 =	vadd.s32 v5, v37;
	_ =	sdelay $0x2  }
0x454: {  	v38 =	vadd.f32 v38, v35;
	_ =	sdelay $0x1  }
0x455: {  	[tilespmem:v39+s23+$0x0] =	vst.idx.msk $0xffff, v38  }
0x456: {  	v38 =	vld [tilespmem:s13+$0xFFFFFF50];
	_ =	sdelay $0x1  }
0x457: {  	v39 =	vadd.s32 v6, v37;
	_ =	sdelay $0x2  }
0x458: {  	v38 =	vadd.f32 v38, v36;
	_ =	sdelay $0x1  }
0x459: {  	[tilespmem:v39+s23+$0x0] =	vst.idx.msk $0xffff, v38  }
0x45a: {  	v38 =	vld [tilespmem:s13+$0xFFFFFF60];
	_ =	sdelay $0x1  }
0x45b: {  	v39 =	vadd.s32 v7, v37;
	_ =	sdelay $0x2  }
0x45c: {  	v38 =	vadd.f32 v38, v34;
	_ =	sdelay $0x1  }
0x45d: {  	[tilespmem:v39+s23+$0x0] =	vst.idx.msk $0xffff, v38  }
0x45e: {  	v38 =	vld [tilespmem:s13+$0xFFFFFF70];
	_ =	sdelay $0x1  }
0x45f: {  	v37 =	vadd.s32 v8, v37;
	_ =	sdelay $0x1  }
0x460: {  	s7 =	sadd.s32 $0x2, s14  }
0x461: {  	v39 =	vmov s7;
	v38 =	vadd.f32 v38, v33  }
0x462: {  	v39 =	vshrl.u32 v39, $0x3  }
0x463: {  	[tilespmem:v37+s23+$0x0] =	vst.idx.msk $0xffff, v38;
	v37 =	vshll.u32 v39, v1  }
0x464: {  	v38 =	vld [tilespmem:s13+$0xFFFFFF80];
	v37 =	vbroadcast v37, $0x0;
	_ =	sdelay $0x1  }
0x465: {  	v39 =	vadd.s32 v9, v37;
	_ =	sdelay $0x2  }
0x466: {  	v38 =	vadd.f32 v38, v35;
	_ =	sdelay $0x1  }
0x467: {  	[tilespmem:v39+s23+$0x0] =	vst.idx.msk $0xffff, v38  }
0x468: {  	v38 =	vld [tilespmem:s13+$0xFFFFFF90];
	_ =	sdelay $0x1  }
0x469: {  	v39 =	vadd.s32 v10, v37;
	_ =	sdelay $0x2  }
0x46a: {  	v38 =	vadd.f32 v38, v36;
	_ =	sdelay $0x1  }
0x46b: {  	[tilespmem:v39+s23+$0x0] =	vst.idx.msk $0xffff, v38  }
0x46c: {  	v38 =	vld [tilespmem:s13+$0xFFFFFFA0];
	_ =	sdelay $0x1  }
0x46d: {  	v39 =	vadd.s32 v11, v37;
	_ =	sdelay $0x2  }
0x46e: {  	v38 =	vadd.f32 v38, v34;
	_ =	sdelay $0x1  }
0x46f: {  	[tilespmem:v39+s23+$0x0] =	vst.idx.msk $0xffff, v38  }
0x470: {  	v38 =	vld [tilespmem:s13+$0xFFFFFFB0];
	_ =	sdelay $0x1  }
0x471: {  	v37 =	vadd.s32 v12, v37;
	_ =	sdelay $0x1  }
0x472: {  	s7 =	sadd.s32 $0x3, s14  }
0x473: {  	v39 =	vmov s7;
	v38 =	vadd.f32 v38, v33  }
0x474: {  	v39 =	vshrl.u32 v39, $0x3  }
0x475: {  	[tilespmem:v37+s23+$0x0] =	vst.idx.msk $0xffff, v38;
	v37 =	vshll.u32 v39, v1  }
0x476: {  	v38 =	vld [tilespmem:s13+$0xFFFFFFC0];
	v37 =	vbroadcast v37, $0x0;
	_ =	sdelay $0x1  }
0x477: {  	v39 =	vadd.s32 v13, v37;
	_ =	sdelay $0x2  }
0x478: {  	v38 =	vadd.f32 v38, v35;
	_ =	sdelay $0x1  }
0x479: {  	[tilespmem:v39+s23+$0x0] =	vst.idx.msk $0xffff, v38  }
0x47a: {  	v38 =	vld [tilespmem:s13+$0xFFFFFFD0];
	_ =	sdelay $0x1  }
0x47b: {  	v39 =	vadd.s32 v14, v37;
	_ =	sdelay $0x2  }
0x47c: {  	v38 =	vadd.f32 v38, v36;
	_ =	sdelay $0x1  }
0x47d: {  	[tilespmem:v39+s23+$0x0] =	vst.idx.msk $0xffff, v38  }
0x47e: {  	v38 =	vld [tilespmem:s13+$0xFFFFFFE0];
	_ =	sdelay $0x1  }
0x47f: {  	v39 =	vadd.s32 v15, v37;
	_ =	sdelay $0x2  }
0x480: {  	v38 =	vadd.f32 v38, v34;
	_ =	sdelay $0x1  }
0x481: {  	[tilespmem:v39+s23+$0x0] =	vst.idx.msk $0xffff, v38  }
0x482: {  	v38 =	vld [tilespmem:s13+$0xFFFFFFF0];
	_ =	sdelay $0x1  }
0x483: {  	v37 =	vadd.s32 v16, v37;
	_ =	sdelay $0x1  }
0x484: {  	s7 =	sadd.s32 $0x4, s14  }
0x485: {  	v39 =	vmov s7;
	v38 =	vadd.f32 v38, v33  }
0x486: {  	v39 =	vshrl.u32 v39, $0x3  }
0x487: {  	[tilespmem:v37+s23+$0x0] =	vst.idx.msk $0xffff, v38;
	v37 =	vshll.u32 v39, v1  }
0x488: {  	v38 =	vld [tilespmem:s13+$0x0];
	v37 =	vbroadcast v37, $0x0;
	_ =	sdelay $0x1  }
0x489: {  	v39 =	vadd.s32 v17, v37;
	_ =	sdelay $0x2  }
0x48a: {  	v38 =	vadd.f32 v38, v35;
	_ =	sdelay $0x1  }
0x48b: {  	[tilespmem:v39+s23+$0x0] =	vst.idx.msk $0xffff, v38  }
0x48c: {  	v38 =	vld [tilespmem:s13+$0x10];
	_ =	sdelay $0x1  }
0x48d: {  	v39 =	vadd.s32 v18, v37;
	_ =	sdelay $0x2  }
0x48e: {  	v38 =	vadd.f32 v38, v36;
	_ =	sdelay $0x1  }
0x48f: {  	[tilespmem:v39+s23+$0x0] =	vst.idx.msk $0xffff, v38  }
0x490: {  	v38 =	vld [tilespmem:s13+$0x20];
	_ =	sdelay $0x1  }
0x491: {  	v39 =	vadd.s32 v19, v37;
	_ =	sdelay $0x2  }
0x492: {  	v38 =	vadd.f32 v38, v34;
	_ =	sdelay $0x1  }
0x493: {  	[tilespmem:v39+s23+$0x0] =	vst.idx.msk $0xffff, v38  }
0x494: {  	v38 =	vld [tilespmem:s13+$0x30];
	_ =	sdelay $0x1  }
0x495: {  	v37 =	vadd.s32 v20, v37;
	_ =	sdelay $0x1  }
0x496: {  	s7 =	sadd.s32 $0x5, s14  }
0x497: {  	v39 =	vmov s7;
	v38 =	vadd.f32 v38, v33  }
0x498: {  	v39 =	vshrl.u32 v39, $0x3  }
0x499: {  	[tilespmem:v37+s23+$0x0] =	vst.idx.msk $0xffff, v38;
	v37 =	vshll.u32 v39, v1  }
0x49a: {  	v38 =	vld [tilespmem:s13+$0x40];
	v37 =	vbroadcast v37, $0x0;
	_ =	sdelay $0x1  }
0x49b: {  	v39 =	vadd.s32 v21, v37;
	_ =	sdelay $0x2  }
0x49c: {  	v38 =	vadd.f32 v38, v35;
	_ =	sdelay $0x1  }
0x49d: {  	[tilespmem:v39+s23+$0x0] =	vst.idx.msk $0xffff, v38  }
0x49e: {  	v38 =	vld [tilespmem:s13+$0x50];
	_ =	sdelay $0x1  }
0x49f: {  	v39 =	vadd.s32 v22, v37;
	_ =	sdelay $0x2  }
0x4a0: {  	v38 =	vadd.f32 v38, v36;
	_ =	sdelay $0x1  }
0x4a1: {  	[tilespmem:v39+s23+$0x0] =	vst.idx.msk $0xffff, v38  }
0x4a2: {  	v38 =	vld [tilespmem:s13+$0x60];
	_ =	sdelay $0x1  }
0x4a3: {  	v39 =	vadd.s32 v23, v37;
	_ =	sdelay $0x2  }
0x4a4: {  	v38 =	vadd.f32 v38, v34;
	_ =	sdelay $0x1  }
0x4a5: {  	[tilespmem:v39+s23+$0x0] =	vst.idx.msk $0xffff, v38  }
0x4a6: {  	v38 =	vld [tilespmem:s13+$0x70];
	_ =	sdelay $0x1  }
0x4a7: {  	v37 =	vadd.s32 v24, v37;
	_ =	sdelay $0x1  }
0x4a8: {  	s7 =	sadd.s32 $0x6, s14  }
0x4a9: {  	v39 =	vmov s7;
	v38 =	vadd.f32 v38, v33  }
0x4aa: {  	v39 =	vshrl.u32 v39, $0x3  }
0x4ab: {  	[tilespmem:v37+s23+$0x0] =	vst.idx.msk $0xffff, v38;
	v37 =	vshll.u32 v39, v1  }
0x4ac: {  	v38 =	vld [tilespmem:s13+$0x80];
	v37 =	vbroadcast v37, $0x0;
	_ =	sdelay $0x1  }
0x4ad: {  	v39 =	vadd.s32 v25, v37;
	_ =	sdelay $0x2  }
0x4ae: {  	v38 =	vadd.f32 v38, v35;
	_ =	sdelay $0x1  }
0x4af: {  	[tilespmem:v39+s23+$0x0] =	vst.idx.msk $0xffff, v38  }
0x4b0: {  	v38 =	vld [tilespmem:s13+$0x90];
	_ =	sdelay $0x1  }
0x4b1: {  	v39 =	vadd.s32 v26, v37;
	_ =	sdelay $0x2  }
0x4b2: {  	v38 =	vadd.f32 v38, v36;
	_ =	sdelay $0x1  }
0x4b3: {  	[tilespmem:v39+s23+$0x0] =	vst.idx.msk $0xffff, v38  }
0x4b4: {  	v38 =	vld [tilespmem:s13+$0xA0];
	_ =	sdelay $0x1  }
0x4b5: {  	v39 =	vadd.s32 v27, v37;
	_ =	sdelay $0x2  }
0x4b6: {  	v38 =	vadd.f32 v38, v34;
	_ =	sdelay $0x1  }
0x4b7: {  	[tilespmem:v39+s23+$0x0] =	vst.idx.msk $0xffff, v38  }
0x4b8: {  	v38 =	vld [tilespmem:s13+$0xB0];
	_ =	sdelay $0x1  }
0x4b9: {  	v37 =	vadd.s32 v28, v37;
	_ =	sdelay $0x1  }
0x4ba: {  	s7 =	sadd.s32 $0x7, s14;
	s14 =	smov.u32 s4  }
0x4bb: {  	v39 =	vmov s7;
	v38 =	vadd.f32 v38, v33  }
0x4bc: {  	v39 =	vshrl.u32 v39, $0x3  }
0x4bd: {  	[tilespmem:v37+s23+$0x0] =	vst.idx.msk $0xffff, v38;
	v37 =	vshll.u32 v39, v1  }
0x4be: {  	v38 =	vld [tilespmem:s13+$0xC0];
	v37 =	vbroadcast v37, $0x0;
	_ =	sdelay $0x1  }
0x4bf: {  	v39 =	vadd.s32 v29, v37;
	_ =	sdelay $0x2  }
0x4c0: {  	v38 =	vadd.f32 v38, v35;
	_ =	sdelay $0x1  }
0x4c1: {  	[tilespmem:v39+s23+$0x0] =	vst.idx.msk $0xffff, v38  }
0x4c2: {  	v38 =	vld [tilespmem:s13+$0xD0];
	_ =	sdelay $0x1  }
0x4c3: {  	v39 =	vadd.s32 v30, v37;
	_ =	sdelay $0x2  }
0x4c4: {  	v38 =	vadd.f32 v38, v36;
	_ =	sdelay $0x1  }
0x4c5: {  	[tilespmem:v39+s23+$0x0] =	vst.idx.msk $0xffff, v38  }
0x4c6: {  	v38 =	vld [tilespmem:s13+$0xE0];
	_ =	sdelay $0x1  }
0x4c7: {  	v39 =	vadd.s32 v31, v37;
	_ =	sdelay $0x2  }
0x4c8: {  	v38 =	vadd.f32 v38, v34;
	_ =	sdelay $0x1  }
0x4c9: {  	[tilespmem:v39+s23+$0x0] =	vst.idx.msk $0xffff, v38  }
0x4ca: {  	v38 =	vld [tilespmem:s13+$0xF0];
	_ =	sdelay $0x1  }
.Ltmp4:
0x4cb: {  	v37 =	vadd.s32 v32, v37;
	(pc) =	sbr.rel @p1 .LBB2_11-.Ltmp4, $3  }
0x4cc: {  	_ =	sdelay $0x1  }
0x4cd: {  	v39 =	vmov s14;
	v38 =	vadd.f32 v38, v33  }
0x4ce: {  	v39 =	vshrl.u32 v39, $0x3  }
0x4cf: {  	_ =	sdelay $0x3  }
0x4d0: {  	v39 =	vshll.u32 v39, v1;
	[tilespmem:v37+s23+$0x0] =	vst.idx.msk $0xffff, v38;
	s4 =	sadd.s32 $0x200, s13  }
0x4d1: {  	v37 =	vld [tilespmem:s4+$0xFFFFFF00];
	v45 =	vbroadcast v39, $0x0;
	_ =	sdelay $0x1  }
0x4d2: {  	v39 =	vadd.s32 v0, v45;
	_ =	sdelay $0x2  }
0x4d3: {  	v37 =	vadd.f32 v37, v35;
	_ =	sdelay $0x1  }
0x4d4: {  	[tilespmem:v39+s23+$0x0] =	vst.idx.msk $0xffff, v37  }
0x4d5: {  	v37 =	vld [tilespmem:s4+$0xFFFFFF10];
	_ =	sdelay $0x1  }
0x4d6: {  	v46 =	vadd.s32 v2, v45;
	_ =	sdelay $0x2  }
0x4d7: {  	v37 =	vadd.f32 v37, v36;
	_ =	sdelay $0x1  }
0x4d8: {  	[tilespmem:v46+s23+$0x0] =	vst.idx.msk $0xffff, v37  }
0x4d9: {  	v37 =	vld [tilespmem:s4+$0xFFFFFF20];
	_ =	sdelay $0x1  }
0x4da: {  	v47 =	vadd.s32 v3, v45;
	_ =	sdelay $0x2  }
0x4db: {  	v37 =	vadd.f32 v37, v34;
	_ =	sdelay $0x1  }
0x4dc: {  	[tilespmem:v47+s23+$0x0] =	vst.idx.msk $0xffff, v37  }
0x4dd: {  	v37 =	vld [tilespmem:s4+$0xFFFFFF30];
	_ =	sdelay $0x1  }
0x4de: {  	v38 =	vadd.s32 v4, v45;
	_ =	sdelay $0x1  }
0x4df: {  	s7 =	sadd.s32 $0x1, s14  }
0x4e0: {  	v48 =	vmov s7;
	v37 =	vadd.f32 v37, v33  }
0x4e1: {  	v39 =	vshrl.u32 v48, $0x3  }
0x4e2: {  	v49 =	vshll.u32 v39, v1;
	[tilespmem:v38+s23+$0x0] =	vst.idx.msk $0xffff, v37  }
0x4e3: {  	v37 =	vbroadcast v49, $0x0;
	v38 =	vld [tilespmem:s4+$0xFFFFFF40];
	_ =	sdelay $0x1  }
0x4e4: {  	v50 =	vadd.s32 v5, v37;
	_ =	sdelay $0x2  }
0x4e5: {  	v38 =	vadd.f32 v38, v35;
	_ =	sdelay $0x1  }
0x4e6: {  	[tilespmem:v50+s23+$0x0] =	vst.idx.msk $0xffff, v38  }
0x4e7: {  	v38 =	vld [tilespmem:s4+$0xFFFFFF50];
	_ =	sdelay $0x1  }
0x4e8: {  	v51 =	vadd.s32 v6, v37;
	_ =	sdelay $0x2  }
0x4e9: {  	v38 =	vadd.f32 v38, v36;
	_ =	sdelay $0x1  }
0x4ea: {  	[tilespmem:v51+s23+$0x0] =	vst.idx.msk $0xffff, v38  }
0x4eb: {  	v38 =	vld [tilespmem:s4+$0xFFFFFF60];
	_ =	sdelay $0x1  }
0x4ec: {  	v52 =	vadd.s32 v7, v37;
	_ =	sdelay $0x2  }
0x4ed: {  	v38 =	vadd.f32 v38, v34;
	_ =	sdelay $0x1  }
0x4ee: {  	[tilespmem:v52+s23+$0x0] =	vst.idx.msk $0xffff, v38  }
0x4ef: {  	v38 =	vld [tilespmem:s4+$0xFFFFFF70];
	_ =	sdelay $0x1  }
0x4f0: {  	v37 =	vadd.s32 v8, v37;
	_ =	sdelay $0x1  }
0x4f1: {  	s16 =	sadd.s32 $0x2, s14  }
0x4f2: {  	v53 =	vmov s16;
	v38 =	vadd.f32 v38, v33  }
0x4f3: {  	v39 =	vshrl.u32 v53, $0x3  }
0x4f4: {  	v54 =	vshll.u32 v39, v1;
	[tilespmem:v37+s23+$0x0] =	vst.idx.msk $0xffff, v38  }
0x4f5: {  	v37 =	vbroadcast v54, $0x0;
	v38 =	vld [tilespmem:s4+$0xFFFFFF80];
	_ =	sdelay $0x1  }
0x4f6: {  	v55 =	vadd.s32 v9, v37;
	_ =	sdelay $0x2  }
0x4f7: {  	v38 =	vadd.f32 v38, v35;
	_ =	sdelay $0x1  }
0x4f8: {  	[tilespmem:v55+s23+$0x0] =	vst.idx.msk $0xffff, v38  }
0x4f9: {  	v38 =	vld [tilespmem:s4+$0xFFFFFF90];
	_ =	sdelay $0x1  }
0x4fa: {  	v56 =	vadd.s32 v10, v37;
	_ =	sdelay $0x2  }
0x4fb: {  	v38 =	vadd.f32 v38, v36;
	_ =	sdelay $0x1  }
0x4fc: {  	[tilespmem:v56+s23+$0x0] =	vst.idx.msk $0xffff, v38  }
0x4fd: {  	v38 =	vld [tilespmem:s4+$0xFFFFFFA0];
	_ =	sdelay $0x1  }
0x4fe: {  	v57 =	vadd.s32 v11, v37;
	_ =	sdelay $0x2  }
0x4ff: {  	v38 =	vadd.f32 v38, v34;
	_ =	sdelay $0x1  }
0x500: {  	[tilespmem:v57+s23+$0x0] =	vst.idx.msk $0xffff, v38  }
0x501: {  	v38 =	vld [tilespmem:s4+$0xFFFFFFB0];
	_ =	sdelay $0x1  }
0x502: {  	v37 =	vadd.s32 v12, v37;
	_ =	sdelay $0x1  }
0x503: {  	s13 =	sadd.s32 $0x3, s14  }
0x504: {  	v58 =	vmov s13;
	v38 =	vadd.f32 v38, v33  }
0x505: {  	v39 =	vshrl.u32 v58, $0x3  }
0x506: {  	v59 =	vshll.u32 v39, v1;
	[tilespmem:v37+s23+$0x0] =	vst.idx.msk $0xffff, v38  }
0x507: {  	v37 =	vbroadcast v59, $0x0;
	v38 =	vld [tilespmem:s4+$0xFFFFFFC0];
	_ =	sdelay $0x1  }
0x508: {  	v60 =	vadd.s32 v13, v37;
	_ =	sdelay $0x2  }
0x509: {  	v38 =	vadd.f32 v38, v35;
	_ =	sdelay $0x1  }
0x50a: {  	[tilespmem:v60+s23+$0x0] =	vst.idx.msk $0xffff, v38  }
0x50b: {  	v38 =	vld [tilespmem:s4+$0xFFFFFFD0];
	_ =	sdelay $0x1  }
0x50c: {  	v61 =	vadd.s32 v14, v37;
	_ =	sdelay $0x2  }
0x50d: {  	v38 =	vadd.f32 v38, v36;
	_ =	sdelay $0x1  }
0x50e: {  	[tilespmem:v61+s23+$0x0] =	vst.idx.msk $0xffff, v38  }
0x50f: {  	v38 =	vld [tilespmem:s4+$0xFFFFFFE0];
	_ =	sdelay $0x1  }
0x510: {  	v62 =	vadd.s32 v15, v37;
	_ =	sdelay $0x2  }
0x511: {  	v38 =	vadd.f32 v38, v34;
	_ =	sdelay $0x1  }
0x512: {  	[tilespmem:v62+s23+$0x0] =	vst.idx.msk $0xffff, v38  }
0x513: {  	v38 =	vld [tilespmem:s4+$0xFFFFFFF0];
	_ =	sdelay $0x1  }
0x514: {  	v37 =	vadd.s32 v16, v37;
	_ =	sdelay $0x1  }
0x515: {  	s15 =	sadd.s32 $0x4, s14  }
0x516: {  	v63 =	vmov s15;
	v38 =	vadd.f32 v38, v33  }
0x517: {  	v39 =	vshrl.u32 v63, $0x3  }
0x518: {  	v41 =	vshll.u32 v39, v1;
	[tilespmem:v37+s23+$0x0] =	vst.idx.msk $0xffff, v38  }
0x519: {  	v37 =	vbroadcast v41, $0x0;
	v38 =	vld [tilespmem:s4+$0x0];
	_ =	sdelay $0x1  }
0x51a: {  	v42 =	vadd.s32 v17, v37;
	_ =	sdelay $0x2  }
0x51b: {  	v38 =	vadd.f32 v38, v35;
	_ =	sdelay $0x1  }
0x51c: {  	[tilespmem:v42+s23+$0x0] =	vst.idx.msk $0xffff, v38  }
0x51d: {  	v38 =	vld [tilespmem:s4+$0x10];
	_ =	sdelay $0x1  }
0x51e: {  	v43 =	vadd.s32 v18, v37;
	_ =	sdelay $0x2  }
0x51f: {  	v38 =	vadd.f32 v38, v36;
	_ =	sdelay $0x1  }
0x520: {  	[tilespmem:v43+s23+$0x0] =	vst.idx.msk $0xffff, v38  }
0x521: {  	v38 =	vld [tilespmem:s4+$0x20];
	_ =	sdelay $0x1  }
0x522: {  	v44 =	vadd.s32 v19, v37;
	_ =	sdelay $0x2  }
0x523: {  	v38 =	vadd.f32 v38, v34;
	_ =	sdelay $0x1  }
0x524: {  	[tilespmem:v44+s23+$0x0] =	vst.idx.msk $0xffff, v38  }
0x525: {  	v38 =	vld [tilespmem:s4+$0x30];
	_ =	sdelay $0x1  }
0x526: {  	v37 =	vadd.s32 v20, v37;
	_ =	sdelay $0x1  }
0x527: {  	s16 =	sadd.s32 $0x5, s14  }
0x528: {  	v45 =	vmov s16;
	v38 =	vadd.f32 v38, v33  }
0x529: {  	v39 =	vshrl.u32 v45, $0x3  }
0x52a: {  	v46 =	vshll.u32 v39, v1;
	[tilespmem:v37+s23+$0x0] =	vst.idx.msk $0xffff, v38  }
0x52b: {  	v37 =	vbroadcast v46, $0x0;
	v38 =	vld [tilespmem:s4+$0x40];
	_ =	sdelay $0x1  }
0x52c: {  	v47 =	vadd.s32 v21, v37;
	_ =	sdelay $0x2  }
0x52d: {  	v38 =	vadd.f32 v38, v35;
	_ =	sdelay $0x1  }
0x52e: {  	[tilespmem:v47+s23+$0x0] =	vst.idx.msk $0xffff, v38  }
0x52f: {  	v38 =	vld [tilespmem:s4+$0x50];
	_ =	sdelay $0x1  }
0x530: {  	v48 =	vadd.s32 v22, v37;
	_ =	sdelay $0x2  }
0x531: {  	v38 =	vadd.f32 v38, v36;
	_ =	sdelay $0x1  }
0x532: {  	[tilespmem:v48+s23+$0x0] =	vst.idx.msk $0xffff, v38  }
0x533: {  	v38 =	vld [tilespmem:s4+$0x60];
	_ =	sdelay $0x1  }
0x534: {  	v49 =	vadd.s32 v23, v37;
	_ =	sdelay $0x2  }
0x535: {  	v38 =	vadd.f32 v38, v34;
	_ =	sdelay $0x1  }
0x536: {  	[tilespmem:v49+s23+$0x0] =	vst.idx.msk $0xffff, v38  }
0x537: {  	v38 =	vld [tilespmem:s4+$0x70];
	_ =	sdelay $0x1  }
0x538: {  	v37 =	vadd.s32 v24, v37;
	_ =	sdelay $0x1  }
0x539: {  	s13 =	sadd.s32 $0x6, s14  }
0x53a: {  	v50 =	vmov s13;
	v38 =	vadd.f32 v38, v33  }
0x53b: {  	v39 =	vshrl.u32 v50, $0x3  }
0x53c: {  	v51 =	vshll.u32 v39, v1;
	[tilespmem:v37+s23+$0x0] =	vst.idx.msk $0xffff, v38  }
0x53d: {  	v37 =	vbroadcast v51, $0x0;
	v38 =	vld [tilespmem:s4+$0x80];
	_ =	sdelay $0x1  }
0x53e: {  	v52 =	vadd.s32 v25, v37;
	_ =	sdelay $0x2  }
0x53f: {  	v38 =	vadd.f32 v38, v35;
	_ =	sdelay $0x1  }
0x540: {  	[tilespmem:v52+s23+$0x0] =	vst.idx.msk $0xffff, v38  }
0x541: {  	v38 =	vld [tilespmem:s4+$0x90];
	_ =	sdelay $0x1  }
0x542: {  	v53 =	vadd.s32 v26, v37;
	_ =	sdelay $0x2  }
0x543: {  	v38 =	vadd.f32 v38, v36;
	_ =	sdelay $0x1  }
0x544: {  	[tilespmem:v53+s23+$0x0] =	vst.idx.msk $0xffff, v38  }
0x545: {  	v38 =	vld [tilespmem:s4+$0xA0];
	_ =	sdelay $0x1  }
0x546: {  	v54 =	vadd.s32 v27, v37;
	_ =	sdelay $0x2  }
0x547: {  	v38 =	vadd.f32 v38, v34;
	_ =	sdelay $0x1  }
0x548: {  	[tilespmem:v54+s23+$0x0] =	vst.idx.msk $0xffff, v38  }
0x549: {  	v38 =	vld [tilespmem:s4+$0xB0];
	_ =	sdelay $0x1  }
0x54a: {  	v37 =	vadd.s32 v28, v37;
	_ =	sdelay $0x1  }
0x54b: {  	s15 =	sadd.s32 $0x7, s14  }
0x54c: {  	v55 =	vmov s15;
	v38 =	vadd.f32 v38, v33  }
0x54d: {  	v39 =	vshrl.u32 v55, $0x3  }
0x54e: {  	v56 =	vshll.u32 v39, v1;
	[tilespmem:v37+s23+$0x0] =	vst.idx.msk $0xffff, v38  }
0x54f: {  	v37 =	vbroadcast v56, $0x0;
	v38 =	vld [tilespmem:s4+$0xC0];
	_ =	sdelay $0x1  }
0x550: {  	v57 =	vadd.s32 v29, v37;
	_ =	sdelay $0x2  }
0x551: {  	v58 =	vadd.f32 v38, v35;
	_ =	sdelay $0x1  }
0x552: {  	[tilespmem:v57+s23+$0x0] =	vst.idx.msk $0xffff, v58  }
0x553: {  	v35 =	vld [tilespmem:s4+$0xD0];
	_ =	sdelay $0x1  }
0x554: {  	v59 =	vadd.s32 v30, v37;
	_ =	sdelay $0x2  }
0x555: {  	v35 =	vadd.f32 v35, v36;
	_ =	sdelay $0x1  }
0x556: {  	[tilespmem:v59+s23+$0x0] =	vst.idx.msk $0xffff, v35  }
0x557: {  	v35 =	vld [tilespmem:s4+$0xE0];
	_ =	sdelay $0x1  }
0x558: {  	v60 =	vadd.s32 v31, v37;
	_ =	sdelay $0x2  }
0x559: {  	v61 =	vadd.f32 v35, v34;
	_ =	sdelay $0x1  }
0x55a: {  	[tilespmem:v60+s23+$0x0] =	vst.idx.msk $0xffff, v61  }
0x55b: {  	v34 =	vld [tilespmem:s4+$0xF0];
	_ =	sdelay $0x1  }
0x55c: {  	v62 =	vadd.s32 v32, v37  }
0x55d: {  	s16 =	sshll.u32 s12, $0x12  }
0x55e: {  	s4 =	sor.u32 s5, s16  }
0x55f: {  	s4 =	sshrl.u32 s4, $0x3;
	v63 =	vadd.f32 v34, v33  }
0x560: {  	s14 =	simm.s32 $0xA888;
	s4 =	sadd.s32 s6, s4  }
0x561: {  	s12 =	simm.s32 $0xA800;
	s13 =	simm.s32 $0x200;
	s15 =	sadd.s32 $0x0, s4;
	[tilespmem:v62+s23+$0x0] =	vst.idx.msk $0xffff, v63  }
.LBB2_13:
0x562: {  	[hbm4b:s15+s1] =	stream.linear.scatter [tilespmem:s12], [sflag:$0x7], $0x80, $0x38;
	[tilespmem:$0x19E00] =	vst v63  }
0x563: {  	s7 =	smov.u32 s13;
	s12 =	smov.u32 s14;
	p1 =	sne.s32 s13, $0x7E00  }
.Ltmp5:
0x564: {  	s13 =	sadd.s32 $0x200, s13;
	(pc) =	sbr.rel @p1 .LBB2_13-.Ltmp5, $2  }
0x565: {  	_ =	sdelay $0x2  }
0x566: {  	s14 =	sadd.s32 $0x88, s14;
	s15 =	sadd.s32 s7, s4  }
0x567: {  	[hbm4b:s15+s1] =	stream.linear.scatter [tilespmem:s12], [sflag:$0x7], $0x80, $0x38;
	[tilespmem:$0x19E00] =	vst v63  }
0x568: {  	s4 =	simm.s32 @!p0 $0x7  }
0x569: {  	_ =	swait.ge @!p0 [sflag:s4], $0x2000  }
0x56a: {  	s7 =	simm.s32 @!p0 $0x80;
	[sflag:s4] =	ssyncset.done @!p0 $0x0  }
0x56b: {  	[sflag:s4] =	ssyncadd.s32 @!p0 $0xFFFFE000;
	s4 =	sadd.s32 @!p0 $0x300, s10;
	s10 =	simm.s32 @!p0 $0x15E00  }
0x56c: {  	[tilespmem:s10], [sflag:$0x3] =	stream.indirect.gather @!p0 [hbm4b:s3+s7], $0x40, s4, s7, $0xb8;
	[tilespmem:$0x19E00] =	vst v63  }
0x56d: {  	s13 =	simm.s32 $0x0;
	_ =	swait.ge [sflag:s24], $0x2000  }
0x56e: {  	s14 =	sshll.u32 s2, $0x6;
	v33 =	vmov s13;
	[sflag:s24] =	ssyncset.done $0x0  }
0x56f: {  	s15 =	sand.u32 $0x3FFFFFC0, s14;
	v33 =	vshrl.u32 v33, $0x3;
	[sflag:s24] =	ssyncadd.s32 $0xFFFFE000  }
0x570: {  	v33 =	vshll.u32 v33, v1;
	s10 =	simm.s32 $0x17F00;
	v35 =	vld [tilespmem:s15+$0xEC00]  }
0x571: {  	v38 =	vbroadcast v33, $0x0;
	v37 =	vld [tilespmem:s10+$0xFFFFFF00];
	_ =	sdelay $0x1  }
0x572: {  	v39 =	vadd.s32 v0, v38;
	_ =	sdelay $0x2  }
0x573: {  	v36 =	vld [tilespmem:s15+$0xEC10];
	v37 =	vadd.f32 v37, v35  }
0x574: {  	v34 =	vld [tilespmem:s15+$0xEC20]  }
0x575: {  	v33 =	vld [tilespmem:s15+$0xEC30];
	[tilespmem:v39+s25+$0x0] =	vst.idx.msk $0xffff, v37  }
0x576: {  	v37 =	vld [tilespmem:s10+$0xFFFFFF10];
	_ =	sdelay $0x1  }
0x577: {  	v48 =	vadd.s32 v2, v38;
	_ =	sdelay $0x2  }
0x578: {  	v37 =	vadd.f32 v37, v36;
	_ =	sdelay $0x1  }
0x579: {  	[tilespmem:v48+s25+$0x0] =	vst.idx.msk $0xffff, v37  }
0x57a: {  	v37 =	vld [tilespmem:s10+$0xFFFFFF20];
	_ =	sdelay $0x1  }
0x57b: {  	v49 =	vadd.s32 v3, v38;
	_ =	sdelay $0x2  }
0x57c: {  	v37 =	vadd.f32 v37, v34;
	_ =	sdelay $0x1  }
0x57d: {  	[tilespmem:v49+s25+$0x0] =	vst.idx.msk $0xffff, v37  }
0x57e: {  	v37 =	vld [tilespmem:s10+$0xFFFFFF30];
	_ =	sdelay $0x1  }
0x57f: {  	v38 =	vadd.s32 v4, v38;
	_ =	sdelay $0x1  }
0x580: {  	s16 =	simm.s32 $0x1  }
0x581: {  	v50 =	vmov s16;
	v37 =	vadd.f32 v37, v33  }
0x582: {  	v39 =	vshrl.u32 v50, $0x3  }
0x583: {  	v51 =	vshll.u32 v39, v1;
	[tilespmem:v38+s25+$0x0] =	vst.idx.msk $0xffff, v37  }
0x584: {  	v37 =	vbroadcast v51, $0x0;
	v38 =	vld [tilespmem:s10+$0xFFFFFF40];
	_ =	sdelay $0x1  }
0x585: {  	v52 =	vadd.s32 v5, v37;
	_ =	sdelay $0x2  }
0x586: {  	v38 =	vadd.f32 v38, v35;
	_ =	sdelay $0x1  }
0x587: {  	[tilespmem:v52+s25+$0x0] =	vst.idx.msk $0xffff, v38  }
0x588: {  	v38 =	vld [tilespmem:s10+$0xFFFFFF50];
	_ =	sdelay $0x1  }
0x589: {  	v53 =	vadd.s32 v6, v37;
	_ =	sdelay $0x2  }
0x58a: {  	v38 =	vadd.f32 v38, v36;
	_ =	sdelay $0x1  }
0x58b: {  	[tilespmem:v53+s25+$0x0] =	vst.idx.msk $0xffff, v38  }
0x58c: {  	v38 =	vld [tilespmem:s10+$0xFFFFFF60];
	_ =	sdelay $0x1  }
0x58d: {  	v54 =	vadd.s32 v7, v37;
	_ =	sdelay $0x2  }
0x58e: {  	v38 =	vadd.f32 v38, v34;
	_ =	sdelay $0x1  }
0x58f: {  	[tilespmem:v54+s25+$0x0] =	vst.idx.msk $0xffff, v38  }
0x590: {  	v38 =	vld [tilespmem:s10+$0xFFFFFF70];
	_ =	sdelay $0x1  }
0x591: {  	v37 =	vadd.s32 v8, v37;
	_ =	sdelay $0x1  }
0x592: {  	s7 =	simm.s32 $0x2  }
0x593: {  	v55 =	vmov s7;
	v38 =	vadd.f32 v38, v33  }
0x594: {  	v39 =	vshrl.u32 v55, $0x3  }
0x595: {  	v56 =	vshll.u32 v39, v1;
	[tilespmem:v37+s25+$0x0] =	vst.idx.msk $0xffff, v38  }
0x596: {  	v37 =	vbroadcast v56, $0x0;
	v38 =	vld [tilespmem:s10+$0xFFFFFF80];
	_ =	sdelay $0x1  }
0x597: {  	v57 =	vadd.s32 v9, v37;
	_ =	sdelay $0x2  }
0x598: {  	v38 =	vadd.f32 v38, v35;
	_ =	sdelay $0x1  }
0x599: {  	[tilespmem:v57+s25+$0x0] =	vst.idx.msk $0xffff, v38  }
0x59a: {  	v38 =	vld [tilespmem:s10+$0xFFFFFF90];
	_ =	sdelay $0x1  }
0x59b: {  	v58 =	vadd.s32 v10, v37;
	_ =	sdelay $0x2  }
0x59c: {  	v38 =	vadd.f32 v38, v36;
	_ =	sdelay $0x1  }
0x59d: {  	[tilespmem:v58+s25+$0x0] =	vst.idx.msk $0xffff, v38  }
0x59e: {  	v38 =	vld [tilespmem:s10+$0xFFFFFFA0];
	_ =	sdelay $0x1  }
0x59f: {  	v59 =	vadd.s32 v11, v37;
	_ =	sdelay $0x2  }
0x5a0: {  	v38 =	vadd.f32 v38, v34;
	_ =	sdelay $0x1  }
0x5a1: {  	[tilespmem:v59+s25+$0x0] =	vst.idx.msk $0xffff, v38  }
0x5a2: {  	v38 =	vld [tilespmem:s10+$0xFFFFFFB0];
	_ =	sdelay $0x1  }
0x5a3: {  	v37 =	vadd.s32 v12, v37;
	_ =	sdelay $0x1  }
0x5a4: {  	s12 =	simm.s32 $0x3  }
0x5a5: {  	v60 =	vmov s12;
	v38 =	vadd.f32 v38, v33  }
0x5a6: {  	v39 =	vshrl.u32 v60, $0x3  }
0x5a7: {  	v61 =	vshll.u32 v39, v1;
	[tilespmem:v37+s25+$0x0] =	vst.idx.msk $0xffff, v38  }
0x5a8: {  	v37 =	vbroadcast v61, $0x0;
	v38 =	vld [tilespmem:s10+$0xFFFFFFC0];
	_ =	sdelay $0x1  }
0x5a9: {  	v62 =	vadd.s32 v13, v37;
	_ =	sdelay $0x2  }
0x5aa: {  	v38 =	vadd.f32 v38, v35;
	_ =	sdelay $0x1  }
0x5ab: {  	[tilespmem:v62+s25+$0x0] =	vst.idx.msk $0xffff, v38  }
0x5ac: {  	v38 =	vld [tilespmem:s10+$0xFFFFFFD0];
	_ =	sdelay $0x1  }
0x5ad: {  	v63 =	vadd.s32 v14, v37;
	_ =	sdelay $0x2  }
0x5ae: {  	v38 =	vadd.f32 v38, v36;
	_ =	sdelay $0x1  }
0x5af: {  	[tilespmem:v63+s25+$0x0] =	vst.idx.msk $0xffff, v38  }
0x5b0: {  	v38 =	vld [tilespmem:s10+$0xFFFFFFE0];
	_ =	sdelay $0x1  }
0x5b1: {  	v42 =	vadd.s32 v15, v37;
	_ =	sdelay $0x2  }
0x5b2: {  	v38 =	vadd.f32 v38, v34;
	_ =	sdelay $0x1  }
0x5b3: {  	[tilespmem:v42+s25+$0x0] =	vst.idx.msk $0xffff, v38  }
0x5b4: {  	v38 =	vld [tilespmem:s10+$0xFFFFFFF0];
	_ =	sdelay $0x1  }
0x5b5: {  	v37 =	vadd.s32 v16, v37;
	_ =	sdelay $0x1  }
0x5b6: {  	s13 =	simm.s32 $0x4  }
0x5b7: {  	v43 =	vmov s13;
	v38 =	vadd.f32 v38, v33  }
0x5b8: {  	v39 =	vshrl.u32 v43, $0x3  }
0x5b9: {  	v44 =	vshll.u32 v39, v1;
	[tilespmem:v37+s25+$0x0] =	vst.idx.msk $0xffff, v38  }
0x5ba: {  	v37 =	vbroadcast v44, $0x0;
	v38 =	vld [tilespmem:s10+$0x0];
	_ =	sdelay $0x1  }
0x5bb: {  	v45 =	vadd.s32 v17, v37;
	_ =	sdelay $0x2  }
0x5bc: {  	v38 =	vadd.f32 v38, v35;
	_ =	sdelay $0x1  }
0x5bd: {  	[tilespmem:v45+s25+$0x0] =	vst.idx.msk $0xffff, v38  }
0x5be: {  	v38 =	vld [tilespmem:s10+$0x10];
	_ =	sdelay $0x1  }
0x5bf: {  	v46 =	vadd.s32 v18, v37;
	_ =	sdelay $0x2  }
0x5c0: {  	v38 =	vadd.f32 v38, v36;
	_ =	sdelay $0x1  }
0x5c1: {  	[tilespmem:v46+s25+$0x0] =	vst.idx.msk $0xffff, v38  }
0x5c2: {  	v38 =	vld [tilespmem:s10+$0x20];
	_ =	sdelay $0x1  }
0x5c3: {  	v47 =	vadd.s32 v19, v37;
	_ =	sdelay $0x2  }
0x5c4: {  	v38 =	vadd.f32 v38, v34;
	_ =	sdelay $0x1  }
0x5c5: {  	[tilespmem:v47+s25+$0x0] =	vst.idx.msk $0xffff, v38  }
0x5c6: {  	v38 =	vld [tilespmem:s10+$0x30];
	_ =	sdelay $0x1  }
0x5c7: {  	v37 =	vadd.s32 v20, v37;
	_ =	sdelay $0x1  }
0x5c8: {  	s14 =	simm.s32 $0x5  }
0x5c9: {  	v48 =	vmov s14;
	v38 =	vadd.f32 v38, v33  }
0x5ca: {  	v39 =	vshrl.u32 v48, $0x3  }
0x5cb: {  	v49 =	vshll.u32 v39, v1;
	[tilespmem:v37+s25+$0x0] =	vst.idx.msk $0xffff, v38  }
0x5cc: {  	v37 =	vbroadcast v49, $0x0;
	v38 =	vld [tilespmem:s10+$0x40];
	_ =	sdelay $0x1  }
0x5cd: {  	v50 =	vadd.s32 v21, v37;
	_ =	sdelay $0x2  }
0x5ce: {  	v38 =	vadd.f32 v38, v35;
	_ =	sdelay $0x1  }
0x5cf: {  	[tilespmem:v50+s25+$0x0] =	vst.idx.msk $0xffff, v38  }
0x5d0: {  	v38 =	vld [tilespmem:s10+$0x50];
	_ =	sdelay $0x1  }
0x5d1: {  	v51 =	vadd.s32 v22, v37;
	_ =	sdelay $0x2  }
0x5d2: {  	v38 =	vadd.f32 v38, v36;
	_ =	sdelay $0x1  }
0x5d3: {  	[tilespmem:v51+s25+$0x0] =	vst.idx.msk $0xffff, v38  }
0x5d4: {  	v38 =	vld [tilespmem:s10+$0x60];
	_ =	sdelay $0x1  }
0x5d5: {  	v52 =	vadd.s32 v23, v37;
	_ =	sdelay $0x2  }
0x5d6: {  	v38 =	vadd.f32 v38, v34;
	_ =	sdelay $0x1  }
0x5d7: {  	[tilespmem:v52+s25+$0x0] =	vst.idx.msk $0xffff, v38  }
0x5d8: {  	v38 =	vld [tilespmem:s10+$0x70];
	_ =	sdelay $0x1  }
0x5d9: {  	v37 =	vadd.s32 v24, v37;
	_ =	sdelay $0x1  }
0x5da: {  	s15 =	simm.s32 $0x6  }
0x5db: {  	v53 =	vmov s15;
	v38 =	vadd.f32 v38, v33  }
0x5dc: {  	v39 =	vshrl.u32 v53, $0x3  }
0x5dd: {  	v54 =	vshll.u32 v39, v1;
	[tilespmem:v37+s25+$0x0] =	vst.idx.msk $0xffff, v38  }
0x5de: {  	v37 =	vbroadcast v54, $0x0;
	v38 =	vld [tilespmem:s10+$0x80];
	_ =	sdelay $0x1  }
0x5df: {  	v55 =	vadd.s32 v25, v37;
	_ =	sdelay $0x2  }
0x5e0: {  	v38 =	vadd.f32 v38, v35;
	_ =	sdelay $0x1  }
0x5e1: {  	[tilespmem:v55+s25+$0x0] =	vst.idx.msk $0xffff, v38  }
0x5e2: {  	v38 =	vld [tilespmem:s10+$0x90];
	_ =	sdelay $0x1  }
0x5e3: {  	v56 =	vadd.s32 v26, v37;
	_ =	sdelay $0x2  }
0x5e4: {  	v38 =	vadd.f32 v38, v36;
	_ =	sdelay $0x1  }
0x5e5: {  	[tilespmem:v56+s25+$0x0] =	vst.idx.msk $0xffff, v38  }
0x5e6: {  	v38 =	vld [tilespmem:s10+$0xA0];
	_ =	sdelay $0x1  }
0x5e7: {  	v57 =	vadd.s32 v27, v37;
	_ =	sdelay $0x2  }
0x5e8: {  	v38 =	vadd.f32 v38, v34;
	_ =	sdelay $0x1  }
0x5e9: {  	[tilespmem:v57+s25+$0x0] =	vst.idx.msk $0xffff, v38  }
0x5ea: {  	v38 =	vld [tilespmem:s10+$0xB0];
	_ =	sdelay $0x1  }
0x5eb: {  	v37 =	vadd.s32 v28, v37;
	_ =	sdelay $0x1  }
0x5ec: {  	s16 =	simm.s32 $0x7  }
0x5ed: {  	v58 =	vmov s16;
	v38 =	vadd.f32 v38, v33  }
0x5ee: {  	v39 =	vshrl.u32 v58, $0x3  }
0x5ef: {  	v59 =	vshll.u32 v39, v1;
	[tilespmem:v37+s25+$0x0] =	vst.idx.msk $0xffff, v38  }
0x5f0: {  	v37 =	vbroadcast v59, $0x0;
	v38 =	vld [tilespmem:s10+$0xC0];
	_ =	sdelay $0x1  }
0x5f1: {  	v60 =	vadd.s32 v29, v37;
	_ =	sdelay $0x2  }
0x5f2: {  	v38 =	vadd.f32 v38, v35;
	_ =	sdelay $0x1  }
0x5f3: {  	[tilespmem:v60+s25+$0x0] =	vst.idx.msk $0xffff, v38  }
0x5f4: {  	v38 =	vld [tilespmem:s10+$0xD0];
	_ =	sdelay $0x1  }
0x5f5: {  	v61 =	vadd.s32 v30, v37;
	_ =	sdelay $0x2  }
0x5f6: {  	v38 =	vadd.f32 v38, v36;
	_ =	sdelay $0x1  }
0x5f7: {  	[tilespmem:v61+s25+$0x0] =	vst.idx.msk $0xffff, v38  }
0x5f8: {  	v38 =	vld [tilespmem:s10+$0xE0];
	_ =	sdelay $0x1  }
0x5f9: {  	v62 =	vadd.s32 v31, v37;
	_ =	sdelay $0x2  }
0x5fa: {  	v38 =	vadd.f32 v38, v34;
	_ =	sdelay $0x1  }
0x5fb: {  	[tilespmem:v62+s25+$0x0] =	vst.idx.msk $0xffff, v38  }
0x5fc: {  	v38 =	vld [tilespmem:s10+$0xF0];
	_ =	sdelay $0x1  }
0x5fd: {  	v37 =	vadd.s32 v32, v37  }
0x5fe: {  	s12 =	simm.s32 $0x8  }
0x5ff: {  	v63 =	vmov s12  }
0x600: {  	s13 =	simm.s32 $0x10;
	v39 =	vshrl.u32 v63, $0x3;
	v38 =	vadd.f32 v38, v33  }
.LBB2_15:
0x601: {  	p0 =	slt.u32 s13, $0x78  }
0x602: {  	v39 =	vshll.u32 v39, v1;
	[tilespmem:v37+s25+$0x0] =	vst.idx.msk $0xffff, v38;
	s10 =	sadd.s32 $0x200, s10;
	s4 =	smov.u32 s13;
	s13 =	sadd.s32 $0x8, s13  }
0x603: {  	v37 =	vld [tilespmem:s10+$0xFFFFFF00];
	v38 =	vbroadcast v39, $0x0;
	_ =	sdelay $0x1  }
0x604: {  	v39 =	vadd.s32 v0, v38;
	_ =	sdelay $0x2  }
0x605: {  	v37 =	vadd.f32 v37, v35;
	_ =	sdelay $0x1  }
0x606: {  	[tilespmem:v39+s25+$0x0] =	vst.idx.msk $0xffff, v37  }
0x607: {  	v37 =	vld [tilespmem:s10+$0xFFFFFF10];
	_ =	sdelay $0x1  }
0x608: {  	v39 =	vadd.s32 v2, v38;
	_ =	sdelay $0x2  }
0x609: {  	v37 =	vadd.f32 v37, v36;
	_ =	sdelay $0x1  }
0x60a: {  	[tilespmem:v39+s25+$0x0] =	vst.idx.msk $0xffff, v37  }
0x60b: {  	v37 =	vld [tilespmem:s10+$0xFFFFFF20];
	_ =	sdelay $0x1  }
0x60c: {  	v39 =	vadd.s32 v3, v38;
	_ =	sdelay $0x2  }
0x60d: {  	v37 =	vadd.f32 v37, v34;
	_ =	sdelay $0x1  }
0x60e: {  	[tilespmem:v39+s25+$0x0] =	vst.idx.msk $0xffff, v37  }
0x60f: {  	v37 =	vld [tilespmem:s10+$0xFFFFFF30];
	_ =	sdelay $0x1  }
0x610: {  	v38 =	vadd.s32 v4, v38;
	_ =	sdelay $0x1  }
0x611: {  	s7 =	sadd.s32 $0x1, s12  }
0x612: {  	v39 =	vmov s7;
	v37 =	vadd.f32 v37, v33  }
0x613: {  	v39 =	vshrl.u32 v39, $0x3  }
0x614: {  	[tilespmem:v38+s25+$0x0] =	vst.idx.msk $0xffff, v37;
	v37 =	vshll.u32 v39, v1  }
0x615: {  	v38 =	vld [tilespmem:s10+$0xFFFFFF40];
	v37 =	vbroadcast v37, $0x0;
	_ =	sdelay $0x1  }
0x616: {  	v39 =	vadd.s32 v5, v37;
	_ =	sdelay $0x2  }
0x617: {  	v38 =	vadd.f32 v38, v35;
	_ =	sdelay $0x1  }
0x618: {  	[tilespmem:v39+s25+$0x0] =	vst.idx.msk $0xffff, v38  }
0x619: {  	v38 =	vld [tilespmem:s10+$0xFFFFFF50];
	_ =	sdelay $0x1  }
0x61a: {  	v39 =	vadd.s32 v6, v37;
	_ =	sdelay $0x2  }
0x61b: {  	v38 =	vadd.f32 v38, v36;
	_ =	sdelay $0x1  }
0x61c: {  	[tilespmem:v39+s25+$0x0] =	vst.idx.msk $0xffff, v38  }
0x61d: {  	v38 =	vld [tilespmem:s10+$0xFFFFFF60];
	_ =	sdelay $0x1  }
0x61e: {  	v39 =	vadd.s32 v7, v37;
	_ =	sdelay $0x2  }
0x61f: {  	v38 =	vadd.f32 v38, v34;
	_ =	sdelay $0x1  }
0x620: {  	[tilespmem:v39+s25+$0x0] =	vst.idx.msk $0xffff, v38  }
0x621: {  	v38 =	vld [tilespmem:s10+$0xFFFFFF70];
	_ =	sdelay $0x1  }
0x622: {  	v37 =	vadd.s32 v8, v37;
	_ =	sdelay $0x1  }
0x623: {  	s7 =	sadd.s32 $0x2, s12  }
0x624: {  	v39 =	vmov s7;
	v38 =	vadd.f32 v38, v33  }
0x625: {  	v39 =	vshrl.u32 v39, $0x3  }
0x626: {  	[tilespmem:v37+s25+$0x0] =	vst.idx.msk $0xffff, v38;
	v37 =	vshll.u32 v39, v1  }
0x627: {  	v38 =	vld [tilespmem:s10+$0xFFFFFF80];
	v37 =	vbroadcast v37, $0x0;
	_ =	sdelay $0x1  }
0x628: {  	v39 =	vadd.s32 v9, v37;
	_ =	sdelay $0x2  }
0x629: {  	v38 =	vadd.f32 v38, v35;
	_ =	sdelay $0x1  }
0x62a: {  	[tilespmem:v39+s25+$0x0] =	vst.idx.msk $0xffff, v38  }
0x62b: {  	v38 =	vld [tilespmem:s10+$0xFFFFFF90];
	_ =	sdelay $0x1  }
0x62c: {  	v39 =	vadd.s32 v10, v37;
	_ =	sdelay $0x2  }
0x62d: {  	v38 =	vadd.f32 v38, v36;
	_ =	sdelay $0x1  }
0x62e: {  	[tilespmem:v39+s25+$0x0] =	vst.idx.msk $0xffff, v38  }
0x62f: {  	v38 =	vld [tilespmem:s10+$0xFFFFFFA0];
	_ =	sdelay $0x1  }
0x630: {  	v39 =	vadd.s32 v11, v37;
	_ =	sdelay $0x2  }
0x631: {  	v38 =	vadd.f32 v38, v34;
	_ =	sdelay $0x1  }
0x632: {  	[tilespmem:v39+s25+$0x0] =	vst.idx.msk $0xffff, v38  }
0x633: {  	v38 =	vld [tilespmem:s10+$0xFFFFFFB0];
	_ =	sdelay $0x1  }
0x634: {  	v37 =	vadd.s32 v12, v37;
	_ =	sdelay $0x1  }
0x635: {  	s7 =	sadd.s32 $0x3, s12  }
0x636: {  	v39 =	vmov s7;
	v38 =	vadd.f32 v38, v33  }
0x637: {  	v39 =	vshrl.u32 v39, $0x3  }
0x638: {  	[tilespmem:v37+s25+$0x0] =	vst.idx.msk $0xffff, v38;
	v37 =	vshll.u32 v39, v1  }
0x639: {  	v38 =	vld [tilespmem:s10+$0xFFFFFFC0];
	v37 =	vbroadcast v37, $0x0;
	_ =	sdelay $0x1  }
0x63a: {  	v39 =	vadd.s32 v13, v37;
	_ =	sdelay $0x2  }
0x63b: {  	v38 =	vadd.f32 v38, v35;
	_ =	sdelay $0x1  }
0x63c: {  	[tilespmem:v39+s25+$0x0] =	vst.idx.msk $0xffff, v38  }
0x63d: {  	v38 =	vld [tilespmem:s10+$0xFFFFFFD0];
	_ =	sdelay $0x1  }
0x63e: {  	v39 =	vadd.s32 v14, v37;
	_ =	sdelay $0x2  }
0x63f: {  	v38 =	vadd.f32 v38, v36;
	_ =	sdelay $0x1  }
0x640: {  	[tilespmem:v39+s25+$0x0] =	vst.idx.msk $0xffff, v38  }
0x641: {  	v38 =	vld [tilespmem:s10+$0xFFFFFFE0];
	_ =	sdelay $0x1  }
0x642: {  	v39 =	vadd.s32 v15, v37;
	_ =	sdelay $0x2  }
0x643: {  	v38 =	vadd.f32 v38, v34;
	_ =	sdelay $0x1  }
0x644: {  	[tilespmem:v39+s25+$0x0] =	vst.idx.msk $0xffff, v38  }
0x645: {  	v38 =	vld [tilespmem:s10+$0xFFFFFFF0];
	_ =	sdelay $0x1  }
0x646: {  	v37 =	vadd.s32 v16, v37;
	_ =	sdelay $0x1  }
0x647: {  	s7 =	sadd.s32 $0x4, s12  }
0x648: {  	v39 =	vmov s7;
	v38 =	vadd.f32 v38, v33  }
0x649: {  	v39 =	vshrl.u32 v39, $0x3  }
0x64a: {  	[tilespmem:v37+s25+$0x0] =	vst.idx.msk $0xffff, v38;
	v37 =	vshll.u32 v39, v1  }
0x64b: {  	v38 =	vld [tilespmem:s10+$0x0];
	v37 =	vbroadcast v37, $0x0;
	_ =	sdelay $0x1  }
0x64c: {  	v39 =	vadd.s32 v17, v37;
	_ =	sdelay $0x2  }
0x64d: {  	v38 =	vadd.f32 v38, v35;
	_ =	sdelay $0x1  }
0x64e: {  	[tilespmem:v39+s25+$0x0] =	vst.idx.msk $0xffff, v38  }
0x64f: {  	v38 =	vld [tilespmem:s10+$0x10];
	_ =	sdelay $0x1  }
0x650: {  	v39 =	vadd.s32 v18, v37;
	_ =	sdelay $0x2  }
0x651: {  	v38 =	vadd.f32 v38, v36;
	_ =	sdelay $0x1  }
0x652: {  	[tilespmem:v39+s25+$0x0] =	vst.idx.msk $0xffff, v38  }
0x653: {  	v38 =	vld [tilespmem:s10+$0x20];
	_ =	sdelay $0x1  }
0x654: {  	v39 =	vadd.s32 v19, v37;
	_ =	sdelay $0x2  }
0x655: {  	v38 =	vadd.f32 v38, v34;
	_ =	sdelay $0x1  }
0x656: {  	[tilespmem:v39+s25+$0x0] =	vst.idx.msk $0xffff, v38  }
0x657: {  	v38 =	vld [tilespmem:s10+$0x30];
	_ =	sdelay $0x1  }
0x658: {  	v37 =	vadd.s32 v20, v37;
	_ =	sdelay $0x1  }
0x659: {  	s7 =	sadd.s32 $0x5, s12  }
0x65a: {  	v39 =	vmov s7;
	v38 =	vadd.f32 v38, v33  }
0x65b: {  	v39 =	vshrl.u32 v39, $0x3  }
0x65c: {  	[tilespmem:v37+s25+$0x0] =	vst.idx.msk $0xffff, v38;
	v37 =	vshll.u32 v39, v1  }
0x65d: {  	v38 =	vld [tilespmem:s10+$0x40];
	v37 =	vbroadcast v37, $0x0;
	_ =	sdelay $0x1  }
0x65e: {  	v39 =	vadd.s32 v21, v37;
	_ =	sdelay $0x2  }
0x65f: {  	v38 =	vadd.f32 v38, v35;
	_ =	sdelay $0x1  }
0x660: {  	[tilespmem:v39+s25+$0x0] =	vst.idx.msk $0xffff, v38  }
0x661: {  	v38 =	vld [tilespmem:s10+$0x50];
	_ =	sdelay $0x1  }
0x662: {  	v39 =	vadd.s32 v22, v37;
	_ =	sdelay $0x2  }
0x663: {  	v38 =	vadd.f32 v38, v36;
	_ =	sdelay $0x1  }
0x664: {  	[tilespmem:v39+s25+$0x0] =	vst.idx.msk $0xffff, v38  }
0x665: {  	v38 =	vld [tilespmem:s10+$0x60];
	_ =	sdelay $0x1  }
0x666: {  	v39 =	vadd.s32 v23, v37;
	_ =	sdelay $0x2  }
0x667: {  	v38 =	vadd.f32 v38, v34;
	_ =	sdelay $0x1  }
0x668: {  	[tilespmem:v39+s25+$0x0] =	vst.idx.msk $0xffff, v38  }
0x669: {  	v38 =	vld [tilespmem:s10+$0x70];
	_ =	sdelay $0x1  }
0x66a: {  	v37 =	vadd.s32 v24, v37;
	_ =	sdelay $0x1  }
0x66b: {  	s7 =	sadd.s32 $0x6, s12  }
0x66c: {  	v39 =	vmov s7;
	v38 =	vadd.f32 v38, v33  }
0x66d: {  	v39 =	vshrl.u32 v39, $0x3  }
0x66e: {  	[tilespmem:v37+s25+$0x0] =	vst.idx.msk $0xffff, v38;
	v37 =	vshll.u32 v39, v1  }
0x66f: {  	v38 =	vld [tilespmem:s10+$0x80];
	v37 =	vbroadcast v37, $0x0;
	_ =	sdelay $0x1  }
0x670: {  	v39 =	vadd.s32 v25, v37;
	_ =	sdelay $0x2  }
0x671: {  	v38 =	vadd.f32 v38, v35;
	_ =	sdelay $0x1  }
0x672: {  	[tilespmem:v39+s25+$0x0] =	vst.idx.msk $0xffff, v38  }
0x673: {  	v38 =	vld [tilespmem:s10+$0x90];
	_ =	sdelay $0x1  }
0x674: {  	v39 =	vadd.s32 v26, v37;
	_ =	sdelay $0x2  }
0x675: {  	v38 =	vadd.f32 v38, v36;
	_ =	sdelay $0x1  }
0x676: {  	[tilespmem:v39+s25+$0x0] =	vst.idx.msk $0xffff, v38  }
0x677: {  	v38 =	vld [tilespmem:s10+$0xA0];
	_ =	sdelay $0x1  }
0x678: {  	v39 =	vadd.s32 v27, v37;
	_ =	sdelay $0x2  }
0x679: {  	v38 =	vadd.f32 v38, v34;
	_ =	sdelay $0x1  }
0x67a: {  	[tilespmem:v39+s25+$0x0] =	vst.idx.msk $0xffff, v38  }
0x67b: {  	v38 =	vld [tilespmem:s10+$0xB0];
	_ =	sdelay $0x1  }
0x67c: {  	v37 =	vadd.s32 v28, v37;
	_ =	sdelay $0x1  }
0x67d: {  	s7 =	sadd.s32 $0x7, s12;
	s12 =	smov.u32 s4  }
0x67e: {  	v39 =	vmov s7;
	v38 =	vadd.f32 v38, v33  }
0x67f: {  	v39 =	vshrl.u32 v39, $0x3  }
0x680: {  	[tilespmem:v37+s25+$0x0] =	vst.idx.msk $0xffff, v38;
	v37 =	vshll.u32 v39, v1  }
0x681: {  	v38 =	vld [tilespmem:s10+$0xC0];
	v37 =	vbroadcast v37, $0x0;
	_ =	sdelay $0x1  }
0x682: {  	v39 =	vadd.s32 v29, v37;
	_ =	sdelay $0x2  }
0x683: {  	v38 =	vadd.f32 v38, v35;
	_ =	sdelay $0x1  }
0x684: {  	[tilespmem:v39+s25+$0x0] =	vst.idx.msk $0xffff, v38  }
0x685: {  	v38 =	vld [tilespmem:s10+$0xD0];
	_ =	sdelay $0x1  }
0x686: {  	v39 =	vadd.s32 v30, v37;
	_ =	sdelay $0x2  }
0x687: {  	v38 =	vadd.f32 v38, v36;
	_ =	sdelay $0x1  }
0x688: {  	[tilespmem:v39+s25+$0x0] =	vst.idx.msk $0xffff, v38  }
0x689: {  	v38 =	vld [tilespmem:s10+$0xE0];
	_ =	sdelay $0x1  }
0x68a: {  	v39 =	vadd.s32 v31, v37;
	_ =	sdelay $0x2  }
0x68b: {  	v38 =	vadd.f32 v38, v34;
	_ =	sdelay $0x1  }
0x68c: {  	[tilespmem:v39+s25+$0x0] =	vst.idx.msk $0xffff, v38  }
0x68d: {  	v38 =	vld [tilespmem:s10+$0xF0];
	_ =	sdelay $0x1  }
.Ltmp6:
0x68e: {  	v37 =	vadd.s32 v32, v37;
	(pc) =	sbr.rel @p0 .LBB2_15-.Ltmp6, $3  }
0x68f: {  	_ =	sdelay $0x1  }
0x690: {  	v39 =	vmov s12;
	v38 =	vadd.f32 v38, v33  }
0x691: {  	v39 =	vshrl.u32 v39, $0x3  }
0x692: {  	_ =	sdelay $0x3  }
0x693: {  	v39 =	vshll.u32 v39, v1;
	[tilespmem:v37+s25+$0x0] =	vst.idx.msk $0xffff, v38;
	s4 =	sadd.s32 $0x200, s10  }
0x694: {  	v37 =	vld [tilespmem:s4+$0xFFFFFF00];
	v45 =	vbroadcast v39, $0x0;
	_ =	sdelay $0x1  }
0x695: {  	v39 =	vadd.s32 v0, v45;
	_ =	sdelay $0x2  }
0x696: {  	v37 =	vadd.f32 v37, v35;
	_ =	sdelay $0x1  }
0x697: {  	[tilespmem:v39+s25+$0x0] =	vst.idx.msk $0xffff, v37  }
0x698: {  	v37 =	vld [tilespmem:s4+$0xFFFFFF10];
	_ =	sdelay $0x1  }
0x699: {  	v46 =	vadd.s32 v2, v45;
	_ =	sdelay $0x2  }
0x69a: {  	v37 =	vadd.f32 v37, v36;
	_ =	sdelay $0x1  }
0x69b: {  	[tilespmem:v46+s25+$0x0] =	vst.idx.msk $0xffff, v37  }
0x69c: {  	v37 =	vld [tilespmem:s4+$0xFFFFFF20];
	_ =	sdelay $0x1  }
0x69d: {  	v47 =	vadd.s32 v3, v45;
	_ =	sdelay $0x2  }
0x69e: {  	v37 =	vadd.f32 v37, v34;
	_ =	sdelay $0x1  }
0x69f: {  	[tilespmem:v47+s25+$0x0] =	vst.idx.msk $0xffff, v37  }
0x6a0: {  	v37 =	vld [tilespmem:s4+$0xFFFFFF30];
	_ =	sdelay $0x1  }
0x6a1: {  	v38 =	vadd.s32 v4, v45;
	_ =	sdelay $0x1  }
0x6a2: {  	s7 =	sadd.s32 $0x1, s12  }
0x6a3: {  	v48 =	vmov s7;
	v37 =	vadd.f32 v37, v33  }
0x6a4: {  	v39 =	vshrl.u32 v48, $0x3  }
0x6a5: {  	v49 =	vshll.u32 v39, v1;
	[tilespmem:v38+s25+$0x0] =	vst.idx.msk $0xffff, v37  }
0x6a6: {  	v37 =	vbroadcast v49, $0x0;
	v38 =	vld [tilespmem:s4+$0xFFFFFF40];
	_ =	sdelay $0x1  }
0x6a7: {  	v50 =	vadd.s32 v5, v37;
	_ =	sdelay $0x2  }
0x6a8: {  	v38 =	vadd.f32 v38, v35;
	_ =	sdelay $0x1  }
0x6a9: {  	[tilespmem:v50+s25+$0x0] =	vst.idx.msk $0xffff, v38  }
0x6aa: {  	v38 =	vld [tilespmem:s4+$0xFFFFFF50];
	_ =	sdelay $0x1  }
0x6ab: {  	v51 =	vadd.s32 v6, v37;
	_ =	sdelay $0x2  }
0x6ac: {  	v38 =	vadd.f32 v38, v36;
	_ =	sdelay $0x1  }
0x6ad: {  	[tilespmem:v51+s25+$0x0] =	vst.idx.msk $0xffff, v38  }
0x6ae: {  	v38 =	vld [tilespmem:s4+$0xFFFFFF60];
	_ =	sdelay $0x1  }
0x6af: {  	v52 =	vadd.s32 v7, v37;
	_ =	sdelay $0x2  }
0x6b0: {  	v38 =	vadd.f32 v38, v34;
	_ =	sdelay $0x1  }
0x6b1: {  	[tilespmem:v52+s25+$0x0] =	vst.idx.msk $0xffff, v38  }
0x6b2: {  	v38 =	vld [tilespmem:s4+$0xFFFFFF70];
	_ =	sdelay $0x1  }
0x6b3: {  	v37 =	vadd.s32 v8, v37;
	_ =	sdelay $0x1  }
0x6b4: {  	s16 =	sadd.s32 $0x2, s12  }
0x6b5: {  	v53 =	vmov s16;
	v38 =	vadd.f32 v38, v33  }
0x6b6: {  	v39 =	vshrl.u32 v53, $0x3  }
0x6b7: {  	v54 =	vshll.u32 v39, v1;
	[tilespmem:v37+s25+$0x0] =	vst.idx.msk $0xffff, v38  }
0x6b8: {  	v37 =	vbroadcast v54, $0x0;
	v38 =	vld [tilespmem:s4+$0xFFFFFF80];
	_ =	sdelay $0x1  }
0x6b9: {  	v55 =	vadd.s32 v9, v37;
	_ =	sdelay $0x2  }
0x6ba: {  	v38 =	vadd.f32 v38, v35;
	_ =	sdelay $0x1  }
0x6bb: {  	[tilespmem:v55+s25+$0x0] =	vst.idx.msk $0xffff, v38  }
0x6bc: {  	v38 =	vld [tilespmem:s4+$0xFFFFFF90];
	_ =	sdelay $0x1  }
0x6bd: {  	v56 =	vadd.s32 v10, v37;
	_ =	sdelay $0x2  }
0x6be: {  	v38 =	vadd.f32 v38, v36;
	_ =	sdelay $0x1  }
0x6bf: {  	[tilespmem:v56+s25+$0x0] =	vst.idx.msk $0xffff, v38  }
0x6c0: {  	v38 =	vld [tilespmem:s4+$0xFFFFFFA0];
	_ =	sdelay $0x1  }
0x6c1: {  	v57 =	vadd.s32 v11, v37;
	_ =	sdelay $0x2  }
0x6c2: {  	v38 =	vadd.f32 v38, v34;
	_ =	sdelay $0x1  }
0x6c3: {  	[tilespmem:v57+s25+$0x0] =	vst.idx.msk $0xffff, v38  }
0x6c4: {  	v38 =	vld [tilespmem:s4+$0xFFFFFFB0];
	_ =	sdelay $0x1  }
0x6c5: {  	v37 =	vadd.s32 v12, v37;
	_ =	sdelay $0x1  }
0x6c6: {  	s10 =	sadd.s32 $0x3, s12  }
0x6c7: {  	v58 =	vmov s10;
	v38 =	vadd.f32 v38, v33  }
0x6c8: {  	v39 =	vshrl.u32 v58, $0x3  }
0x6c9: {  	v59 =	vshll.u32 v39, v1;
	[tilespmem:v37+s25+$0x0] =	vst.idx.msk $0xffff, v38  }
0x6ca: {  	v37 =	vbroadcast v59, $0x0;
	v38 =	vld [tilespmem:s4+$0xFFFFFFC0];
	_ =	sdelay $0x1  }
0x6cb: {  	v60 =	vadd.s32 v13, v37;
	_ =	sdelay $0x2  }
0x6cc: {  	v38 =	vadd.f32 v38, v35;
	_ =	sdelay $0x1  }
0x6cd: {  	[tilespmem:v60+s25+$0x0] =	vst.idx.msk $0xffff, v38  }
0x6ce: {  	v38 =	vld [tilespmem:s4+$0xFFFFFFD0];
	_ =	sdelay $0x1  }
0x6cf: {  	v61 =	vadd.s32 v14, v37;
	_ =	sdelay $0x2  }
0x6d0: {  	v38 =	vadd.f32 v38, v36;
	_ =	sdelay $0x1  }
0x6d1: {  	[tilespmem:v61+s25+$0x0] =	vst.idx.msk $0xffff, v38  }
0x6d2: {  	v38 =	vld [tilespmem:s4+$0xFFFFFFE0];
	_ =	sdelay $0x1  }
0x6d3: {  	v62 =	vadd.s32 v15, v37;
	_ =	sdelay $0x2  }
0x6d4: {  	v38 =	vadd.f32 v38, v34;
	_ =	sdelay $0x1  }
0x6d5: {  	[tilespmem:v62+s25+$0x0] =	vst.idx.msk $0xffff, v38  }
0x6d6: {  	v38 =	vld [tilespmem:s4+$0xFFFFFFF0];
	_ =	sdelay $0x1  }
0x6d7: {  	v37 =	vadd.s32 v16, v37;
	_ =	sdelay $0x1  }
0x6d8: {  	s13 =	sadd.s32 $0x4, s12  }
0x6d9: {  	v63 =	vmov s13;
	v38 =	vadd.f32 v38, v33  }
0x6da: {  	v39 =	vshrl.u32 v63, $0x3  }
0x6db: {  	v41 =	vshll.u32 v39, v1;
	[tilespmem:v37+s25+$0x0] =	vst.idx.msk $0xffff, v38  }
0x6dc: {  	v37 =	vbroadcast v41, $0x0;
	v38 =	vld [tilespmem:s4+$0x0];
	_ =	sdelay $0x1  }
0x6dd: {  	v42 =	vadd.s32 v17, v37;
	_ =	sdelay $0x2  }
0x6de: {  	v38 =	vadd.f32 v38, v35;
	_ =	sdelay $0x1  }
0x6df: {  	[tilespmem:v42+s25+$0x0] =	vst.idx.msk $0xffff, v38  }
0x6e0: {  	v38 =	vld [tilespmem:s4+$0x10];
	_ =	sdelay $0x1  }
0x6e1: {  	v43 =	vadd.s32 v18, v37;
	_ =	sdelay $0x2  }
0x6e2: {  	v38 =	vadd.f32 v38, v36;
	_ =	sdelay $0x1  }
0x6e3: {  	[tilespmem:v43+s25+$0x0] =	vst.idx.msk $0xffff, v38  }
0x6e4: {  	v38 =	vld [tilespmem:s4+$0x20];
	_ =	sdelay $0x1  }
0x6e5: {  	v44 =	vadd.s32 v19, v37;
	_ =	sdelay $0x2  }
0x6e6: {  	v38 =	vadd.f32 v38, v34;
	_ =	sdelay $0x1  }
0x6e7: {  	[tilespmem:v44+s25+$0x0] =	vst.idx.msk $0xffff, v38  }
0x6e8: {  	v38 =	vld [tilespmem:s4+$0x30];
	_ =	sdelay $0x1  }
0x6e9: {  	v37 =	vadd.s32 v20, v37;
	_ =	sdelay $0x1  }
0x6ea: {  	s14 =	sadd.s32 $0x5, s12  }
0x6eb: {  	v45 =	vmov s14;
	v38 =	vadd.f32 v38, v33  }
0x6ec: {  	v39 =	vshrl.u32 v45, $0x3  }
0x6ed: {  	v46 =	vshll.u32 v39, v1;
	[tilespmem:v37+s25+$0x0] =	vst.idx.msk $0xffff, v38  }
0x6ee: {  	v37 =	vbroadcast v46, $0x0;
	v38 =	vld [tilespmem:s4+$0x40];
	_ =	sdelay $0x1  }
0x6ef: {  	v47 =	vadd.s32 v21, v37;
	_ =	sdelay $0x2  }
0x6f0: {  	v38 =	vadd.f32 v38, v35;
	_ =	sdelay $0x1  }
0x6f1: {  	[tilespmem:v47+s25+$0x0] =	vst.idx.msk $0xffff, v38  }
0x6f2: {  	v38 =	vld [tilespmem:s4+$0x50];
	_ =	sdelay $0x1  }
0x6f3: {  	v48 =	vadd.s32 v22, v37;
	_ =	sdelay $0x2  }
0x6f4: {  	v38 =	vadd.f32 v38, v36;
	_ =	sdelay $0x1  }
0x6f5: {  	[tilespmem:v48+s25+$0x0] =	vst.idx.msk $0xffff, v38  }
0x6f6: {  	v38 =	vld [tilespmem:s4+$0x60];
	_ =	sdelay $0x1  }
0x6f7: {  	v49 =	vadd.s32 v23, v37;
	_ =	sdelay $0x2  }
0x6f8: {  	v38 =	vadd.f32 v38, v34;
	_ =	sdelay $0x1  }
0x6f9: {  	[tilespmem:v49+s25+$0x0] =	vst.idx.msk $0xffff, v38  }
0x6fa: {  	v38 =	vld [tilespmem:s4+$0x70];
	_ =	sdelay $0x1  }
0x6fb: {  	v37 =	vadd.s32 v24, v37;
	_ =	sdelay $0x1  }
0x6fc: {  	s15 =	sadd.s32 $0x6, s12  }
0x6fd: {  	v50 =	vmov s15;
	v38 =	vadd.f32 v38, v33  }
0x6fe: {  	v39 =	vshrl.u32 v50, $0x3  }
0x6ff: {  	v51 =	vshll.u32 v39, v1;
	[tilespmem:v37+s25+$0x0] =	vst.idx.msk $0xffff, v38  }
0x700: {  	v37 =	vbroadcast v51, $0x0;
	v38 =	vld [tilespmem:s4+$0x80];
	_ =	sdelay $0x1  }
0x701: {  	v52 =	vadd.s32 v25, v37;
	_ =	sdelay $0x2  }
0x702: {  	v38 =	vadd.f32 v38, v35;
	_ =	sdelay $0x1  }
0x703: {  	[tilespmem:v52+s25+$0x0] =	vst.idx.msk $0xffff, v38  }
0x704: {  	v38 =	vld [tilespmem:s4+$0x90];
	_ =	sdelay $0x1  }
0x705: {  	v53 =	vadd.s32 v26, v37;
	_ =	sdelay $0x2  }
0x706: {  	v38 =	vadd.f32 v38, v36;
	_ =	sdelay $0x1  }
0x707: {  	[tilespmem:v53+s25+$0x0] =	vst.idx.msk $0xffff, v38  }
0x708: {  	v38 =	vld [tilespmem:s4+$0xA0];
	_ =	sdelay $0x1  }
0x709: {  	v54 =	vadd.s32 v27, v37;
	_ =	sdelay $0x2  }
0x70a: {  	v38 =	vadd.f32 v38, v34;
	_ =	sdelay $0x1  }
0x70b: {  	[tilespmem:v54+s25+$0x0] =	vst.idx.msk $0xffff, v38  }
0x70c: {  	v38 =	vld [tilespmem:s4+$0xB0];
	_ =	sdelay $0x1  }
0x70d: {  	v37 =	vadd.s32 v28, v37;
	_ =	sdelay $0x1  }
0x70e: {  	s16 =	sadd.s32 $0x7, s12  }
0x70f: {  	v55 =	vmov s16;
	v38 =	vadd.f32 v38, v33  }
0x710: {  	v39 =	vshrl.u32 v55, $0x3  }
0x711: {  	v56 =	vshll.u32 v39, v1;
	[tilespmem:v37+s25+$0x0] =	vst.idx.msk $0xffff, v38  }
0x712: {  	v37 =	vbroadcast v56, $0x0;
	v38 =	vld [tilespmem:s4+$0xC0];
	_ =	sdelay $0x1  }
0x713: {  	v57 =	vadd.s32 v29, v37;
	_ =	sdelay $0x2  }
0x714: {  	v58 =	vadd.f32 v38, v35;
	_ =	sdelay $0x1  }
0x715: {  	[tilespmem:v57+s25+$0x0] =	vst.idx.msk $0xffff, v58  }
0x716: {  	v35 =	vld [tilespmem:s4+$0xD0];
	_ =	sdelay $0x1  }
0x717: {  	v59 =	vadd.s32 v30, v37;
	_ =	sdelay $0x2  }
0x718: {  	v35 =	vadd.f32 v35, v36;
	_ =	sdelay $0x1  }
0x719: {  	[tilespmem:v59+s25+$0x0] =	vst.idx.msk $0xffff, v35  }
0x71a: {  	v35 =	vld [tilespmem:s4+$0xE0];
	_ =	sdelay $0x1  }
0x71b: {  	v60 =	vadd.s32 v31, v37;
	_ =	sdelay $0x2  }
0x71c: {  	v61 =	vadd.f32 v35, v34;
	_ =	sdelay $0x1  }
0x71d: {  	[tilespmem:v60+s25+$0x0] =	vst.idx.msk $0xffff, v61  }
0x71e: {  	v34 =	vld [tilespmem:s4+$0xF0];
	_ =	sdelay $0x1  }
0x71f: {  	v62 =	vadd.s32 v32, v37  }
0x720: {  	s2 =	sshll.u32 s2, $0x12  }
0x721: {  	s2 =	sor.u32 s5, s2  }
0x722: {  	s2 =	sshrl.u32 s2, $0x3;
	v63 =	vadd.f32 v34, v33  }
0x723: {  	s10 =	simm.s32 $0x200;
	s2 =	sadd.s32 s6, s2  }
0x724: {  	s12 =	simm.s32 $0xCA88;
	s13 =	sadd.s32 $0x0, s2;
	s4 =	simm.s32 $0xCA00;
	[tilespmem:v62+s25+$0x0] =	vst.idx.msk $0xffff, v63  }
.LBB2_17:
0x725: {  	[hbm4b:s13+s1] =	stream.linear.scatter [tilespmem:s4], [sflag:$0x8], $0x80, $0x38;
	[tilespmem:$0x19E00] =	vst v63  }
0x726: {  	s7 =	smov.u32 s10;
	s4 =	smov.u32 s12;
	p0 =	sne.s32 s10, $0x7E00  }
.Ltmp7:
0x727: {  	s10 =	sadd.s32 $0x200, s10;
	(pc) =	sbr.rel @p0 .LBB2_17-.Ltmp7, $2  }
0x728: {  	_ =	sdelay $0x2  }
0x729: {  	s12 =	sadd.s32 $0x88, s12;
	s13 =	sadd.s32 s7, s2  }
0x72a: {  	s0 =	sadd.s32 $0x1, s0  }
0x72b: {  	p0 =	sne.s32 s0, $0x32  }
.Ltmp8:
0x72c: {  	_ = 	snop;
	(pc) =	sbr.rel @p0 .LBB2_2-.Ltmp8, $2  }
0x72d: {  	_ =	sdelay $0x2  }
0x72e: {  	[hbm4b:s13+s1] =	stream.linear.scatter [tilespmem:s4], [sflag:$0x8], $0x80, $0x38;
	[tilespmem:$0x19E00] =	vst v63  }
0x72f: {  	_ =	swait.ge [sflag:s26], $0x2000  }
0x730: {  	[sflag:s26] =	ssyncset.done $0x0  }
0x731: {  	[sflag:s26] =	ssyncadd.s32 $0xFFFFE000  }
0x732: {  	_ =	swait.ge [sflag:s28], $0x2000  }
0x733: {  	[sflag:s28] =	ssyncset.done $0x0  }
0x734: {  	s31 =	sadd.s32 $0x1, s31;
	[sflag:s28] =	ssyncadd.s32 $0xFFFFE000  }
0x735: {  	p0 =	sne.s32 s31, s8;
	_ =	swait.ge [sflag:s29], $0x2000  }
.Ltmp9:
0x736: {  	[sflag:s29] =	ssyncset.done $0x0;
	(pc) =	sbr.rel @p0 .LBB2_1-.Ltmp9, $4  }
0x737: {  	[sflag:s29] =	ssyncadd.s32 $0xFFFFE000  }
0x738: {  	_ =	swait.ge [sflag:s30], $0x2000  }
0x739: {  	[sflag:s30] =	ssyncset.done $0x0  }
0x73a: {  	[sflag:s30] =	ssyncadd.s32 $0xFFFFE000  }
0x73b: {  	_ =	sfence.sel $0x180000  }
0x73c: {  	[bflag:$0x0] =	sbarrier.arrive $0xFFFF  }
0x73d: {  	_ =	strace $0x90000047  }
0x73e: {  	s0 =	stileid.u32;
	[bflag:$0x2] =	sbarrier.arrive $0xFFFF  }
0x73f: {  	p0 =	sne.s32 s0, $0x0;
	s0 =	rddreg [dreg:$0x2]  }
0x740: {  	s0 =	sadd.s32 @!p0 $0x100000, s0  }
0x741: {  	[sflag:s0] =	ssyncadd.tile.s32 @!p0 $0x1;
	_ =	shalt  }
.Lfunc_end2:
_tile_overlayer_lowered:
.L_overlay_start_2:
0x742: {  	(tag) =	ssettag $0x2  }
0x743: {  	s0 =	rddreg [dreg:$0x0];
	s2 =	stileid.u32  }
0x744: {  	s1 =	rddreg [dreg:$0x1];
	p0 =	sne.s32 s2, $0x0  }
0x745: {  	s3 =	rddreg [dreg:$0x2];
	[bflag:$0x3] =	sbarrier.arrive $0xFFFF;
	s2 =	simm.s32 @!p0 $0x1C09  }
0x746: {  	[timem:s3], [sflag:s2] =	dma.local @!p0 [hbm:s0], s1  }
0x747: {  	s0 =	simm.s32 @!p0 $0x9  }
0x748: {  	_ =	swait.ge @!p0 [sflag:s0], s1  }
0x749: {  	s1 =	ssub.s32 @!p0 $0x0, s1;
	[sflag:s0] =	ssyncset.done @!p0 $0x0  }
0x74a: {  	[sflag:s0] =	ssyncadd.s32 @!p0 s1  }
0x74b: {  	[bflag:$0x3] =	sbarrier.arrive $0xFFFF  }
0x74c: {  	_ =	shalt  }

</sc_bundles>
